<compile_context>
chip_gen: v7x
topology: tpu7x:2x2x1
jax: 0.10.2.dev20260603
libtpu: 0.0.44.dev20260713+nightly
codegen_flags: <defaults>
</compile_context>

<pallas_src>
import functools

import jax
import jax.numpy as jnp
from jax import lax
from jax.experimental import pallas as pl
from jax.experimental.pallas import tpu as pltpu
from jax.experimental.pallas import tpu_sc as plsc

N_NODES = 10000
EMB = 256
HID = 512
N_EDGES = 160000

NC = 2
NS = 16
NW = NC * NS
CH = 32
EW = 5056
NCH = EW // CH
E_PAD = EW * NW
LANES = 16
KB = HID // (2 * LANES)


def _mm_body(x_ref, w_ref, b_ref, o_ref):
    o_ref[...] = (
        jnp.dot(x_ref[...], w_ref[...], preferred_element_type=jnp.float32)
        + 0.5 * b_ref[...]
    ).astype(jnp.bfloat16)


def _node_transform(node_feat, W1, b1):
    return pl.pallas_call(
        _mm_body,
        grid=(5,),
        in_specs=[
            pl.BlockSpec((N_NODES // 5, EMB), lambda i: (i, 0)),
            pl.BlockSpec((EMB, HID), lambda i: (0, 0)),
            pl.BlockSpec((1, HID), lambda i: (0, 0)),
        ],
        out_specs=pl.BlockSpec((N_NODES // 5, HID), lambda i: (i, 0)),
        out_shape=jax.ShapeDtypeStruct((N_NODES, HID), jnp.bfloat16),
    )(node_feat, W1, b1.reshape(1, HID))


def _edge_body(z_hbm, src_hbm, dst_hbm, w2e_hbm, w2o_hbm, b2_hbm, out_hbm,
               src_v, dst_v, zi, zj, w2e_v, w2o_v, b2_v, out_v, sem0, sem1):
    wid = lax.axis_index("s") * NC + lax.axis_index("c")
    base = wid * EW
    pltpu.sync_copy(src_hbm.at[pl.ds(base, EW)], src_v)
    pltpu.sync_copy(dst_hbm.at[pl.ds(base, EW)], dst_v)
    pltpu.sync_copy(w2e_hbm, w2e_v)
    pltpu.sync_copy(w2o_hbm, w2o_v)
    pltpu.sync_copy(b2_hbm, b2_v)

    b2vec = b2_v[...]
    w2e_r = [w2e_v[pl.ds(k * LANES, LANES)] for k in range(KB)]
    w2o_r = [w2o_v[pl.ds(k * LANES, LANES)] for k in range(KB)]
    lanes = lax.iota(jnp.int32, LANES)
    sems = (sem0, sem1)

    def start_chunk(c, slot):
        off = pl.multiple_of(c * CH, CH)
        pltpu.async_copy(z_hbm.at[src_v.at[pl.ds(off, CH)]],
                         zi.at[slot], sems[slot])
        pltpu.async_copy(z_hbm.at[dst_v.at[pl.ds(off, CH)]],
                         zj.at[slot], sems[slot])

    def wait_chunk(c, slot):
        off = pl.multiple_of(c * CH, CH)
        pltpu.make_async_copy(z_hbm.at[src_v.at[pl.ds(off, CH)]],
                              zi.at[slot], sems[slot]).wait()
        pltpu.make_async_copy(z_hbm.at[dst_v.at[pl.ds(off, CH)]],
                              zj.at[slot], sems[slot]).wait()

    start_chunk(0, 0)
    start_chunk(1, 1)

    def pair_body(i, carry):
        for slot in range(2):
            c = i * 2 + slot
            wait_chunk(c, slot)
            off = pl.multiple_of(c * CH, CH)
            for g in range(CH // LANES):
                def edge_body(e, res):
                    row = g * LANES + e
                    ae = jnp.zeros((LANES,), jnp.float32)
                    ao = jnp.zeros((LANES,), jnp.float32)
                    for k in range(KB):
                        sl = pl.ds(k * 2 * LANES, 2 * LANES)
                        hb = jnp.maximum(
                            zi[slot, row, sl] + zj[slot, row, sl],
                            jnp.bfloat16(0.0))
                        he, ho = plsc.unpack(
                            hb, format=plsc.PackFormat.INTERLEAVED,
                            preferred_element_type=jnp.float32)
                        ae = ae + he * w2e_r[k]
                        ao = ao + ho * w2o_r[k]
                    s = jnp.sum(ae + ao)
                    return jnp.where(lanes == e, s, res)
                res = lax.fori_loop(0, LANES, edge_body, b2vec)
                out_v[pl.ds(off + g * LANES, LANES)] = res
            @pl.when(c + 2 < NCH)
            def _():
                start_chunk(c + 2, slot)
        return carry

    lax.fori_loop(0, NCH // 2, pair_body, 0)
    pltpu.sync_copy(out_v, out_hbm.at[pl.ds(base, EW)])


_edge_kernel = functools.partial(
    pl.kernel,
    out_type=jax.ShapeDtypeStruct((E_PAD,), jnp.float32),
    mesh=plsc.VectorSubcoreMesh(core_axis_name="c", subcore_axis_name="s"),
    compiler_params=pltpu.CompilerParams(
        use_tc_tiling_on_sc=False, needs_layout_passes=False),
    scratch_types=[
        pltpu.VMEM((EW,), jnp.int32),
        pltpu.VMEM((EW,), jnp.int32),
        pltpu.VMEM((2, CH, HID), jnp.bfloat16),
        pltpu.VMEM((2, CH, HID), jnp.bfloat16),
        pltpu.VMEM((HID // 2,), jnp.float32),
        pltpu.VMEM((HID // 2,), jnp.float32),
        pltpu.VMEM((LANES,), jnp.float32),
        pltpu.VMEM((EW,), jnp.float32),
        pltpu.SemaphoreType.DMA,
        pltpu.SemaphoreType.DMA,
    ],
)(_edge_body)


def kernel(node_feat, edge_index, W1, b1, W2, b2):
    z = _node_transform(node_feat, W1, b1)
    pad = E_PAD - N_EDGES
    src = jnp.concatenate(
        [edge_index[0].astype(jnp.int32), jnp.zeros((pad,), jnp.int32)])
    dst = jnp.concatenate(
        [edge_index[1].astype(jnp.int32), jnp.zeros((pad,), jnp.int32)])
    w2_pairs = W2.reshape(HID // 2, 2)
    w2_even = w2_pairs[:, 0]
    w2_odd = w2_pairs[:, 1]
    b2_vec = jnp.broadcast_to(b2, (LANES,))
    out = _edge_kernel(z, src, dst, w2_even, w2_odd, b2_vec)
    return out[:N_EDGES]

# --- scband reference (transcript-rebuilt; emitter-appended) ---
"""Pipeline reference for scband-edge-weighter-81973745812098 (READ-ONLY COPY).

The authoritative reference and input builder live on the scoring server;
editing this copy changes nothing except your own understanding.
"""

import jax, jax.numpy as jnp
import numpy as np

N_NODES = 10000
N_EDGES = 160000
EMB_DIM = 256

def setup_inputs(seed: int = 0) -> dict:
    key = jax.random.key(seed)
    k1, k2, k3, k4 = jax.random.split(key, 4)
    node_feat = jax.random.normal(k1, (N_NODES, EMB_DIM), dtype=jnp.float32)
    edge_index = jax.random.randint(k2, (2, N_EDGES), 0, N_NODES, dtype=jnp.int64)
    # MLP params: Linear(emb_dim, 2*emb_dim) -> ReLU -> Linear(2*emb_dim, 1)
    W1 = jax.random.normal(k3, (EMB_DIM, 2 * EMB_DIM), dtype=jnp.float32) * (1.0 / np.sqrt(EMB_DIM))
    b1 = jnp.zeros((2 * EMB_DIM,), dtype=jnp.float32)
    W2 = jax.random.normal(k4, (2 * EMB_DIM, 1), dtype=jnp.float32) * (1.0 / np.sqrt(2 * EMB_DIM))
    b2 = jnp.zeros((1,), dtype=jnp.float32)
    return {"node_feat": node_feat, "edge_index": edge_index, "W1": W1, "b1": b1, "W2": W2, "b2": b2}

def reference(node_feat, edge_index, W1, b1, W2, b2):
    # gather both endpoints of each edge (index_select along axis 0)
    x_i = jnp.take(node_feat, edge_index[0], axis=0)
    x_j = jnp.take(node_feat, edge_index[1], axis=0)
    h = x_i + x_j
    h = jnp.dot(h, W1) + b1
    h = jax.nn.relu(h)
    weight = jnp.dot(h, W2) + b2
    return weight.reshape(-1)

if __name__ == "__main__":
    import jax
    _d = setup_inputs()
    print(jax.jit(kernel)(*tuple(_d.values())))

</pallas_src>

<mosaic_0001>
#map = affine_map<(d0, d1) -> (0, 0)>
#map1 = affine_map<(d0, d1) -> (0)>
module attributes {stable_mosaic.version = 14 : i64} {
  func.func @_edge_body(%arg0: i32, %arg1: i32, %arg2: memref<10000x512xbf16, #tpu.memory_space<hbm>>, %arg3: memref<161792xi32, #tpu.memory_space<hbm>>, %arg4: memref<161792xi32, #tpu.memory_space<hbm>>, %arg5: memref<256xf32, #tpu.memory_space<hbm>>, %arg6: memref<256xf32, #tpu.memory_space<hbm>>, %arg7: memref<16xf32, #tpu.memory_space<hbm>>, %arg8: memref<161792xf32, #tpu.memory_space<hbm>>, %arg9: memref<5056xi32, #tpu.memory_space<vmem>>, %arg10: memref<5056xi32, #tpu.memory_space<vmem>>, %arg11: memref<2x32x512xbf16, #tpu.memory_space<vmem>>, %arg12: memref<2x32x512xbf16, #tpu.memory_space<vmem>>, %arg13: memref<256xf32, #tpu.memory_space<vmem>>, %arg14: memref<256xf32, #tpu.memory_space<vmem>>, %arg15: memref<16xf32, #tpu.memory_space<vmem>>, %arg16: memref<5056xf32, #tpu.memory_space<vmem>>, %arg17: memref<!tpu.dma_semaphore, #tpu.memory_space<semaphore_mem>>, %arg18: memref<!tpu.dma_semaphore, #tpu.memory_space<semaphore_mem>>) attributes {dimension_semantics = [#tpu.dimension_semantics<core_parallel>, #tpu.dimension_semantics<subcore_parallel>], iteration_bounds = array<i64: 2, 16>, scalar_prefetch = 0 : i64, scratch_operands = 10 : i64, tpu.core_type = #tpu.core_type<sc_vector_subcore>, window_params = [{transform_indices = #map}, {transform_indices = #map1}, {transform_indices = #map1}, {transform_indices = #map1}, {transform_indices = #map1}, {transform_indices = #map1}, {transform_indices = #map1}]} {
    %mul3A = arith.constant 2 : i32
    %mul3A_0 = arith.muli %arg1, %mul3A : i32
    %add3A = arith.addi %mul3A_0, %arg0 : i32
    %mul3A_1 = arith.constant 5056 : i32
    %mul3A_2 = arith.muli %add3A, %mul3A_1 : i32
    "tpu.region"() ({
      %run_scoped3A = tpu.sem_alloc : memref<!tpu.dma_semaphore, #tpu.memory_space<semaphore_mem>>
      %dma_start3A_111 = tpu.memref_slice %arg3[%mul3A_2] : memref<161792xi32, #tpu.memory_space<hbm>> -> memref<5056xi32, #tpu.memory_space<hbm>>
      %dma_start3A_112 = tpu.memref_slice %arg3[%mul3A_2] : memref<161792xi32, #tpu.memory_space<hbm>> -> memref<5056xi32, #tpu.memory_space<hbm>>
      tpu.enqueue_dma source(%dma_start3A_112 : memref<5056xi32, #tpu.memory_space<hbm>>) target(%arg9 : memref<5056xi32, #tpu.memory_space<vmem>>) target_semaphore(%run_scoped3A : memref<!tpu.dma_semaphore, #tpu.memory_space<semaphore_mem>>)
      %dma_wait3A = tpu.memref_slice %arg3[%mul3A_2] : memref<161792xi32, #tpu.memory_space<hbm>> -> memref<5056xi32, #tpu.memory_space<hbm>>
      %dma_wait3A_113 = tpu.memref_slice %arg3[%mul3A_2] : memref<161792xi32, #tpu.memory_space<hbm>> -> memref<5056xi32, #tpu.memory_space<hbm>>
      tpu.wait_dma2 semaphore(%run_scoped3A : memref<!tpu.dma_semaphore, #tpu.memory_space<semaphore_mem>>) src(%dma_wait3A_113 : memref<5056xi32, #tpu.memory_space<hbm>>) dst(%arg9 : memref<5056xi32, #tpu.memory_space<vmem>>)
      tpu.yield
    }) : () -> ()
    "tpu.region"() ({
      %run_scoped3A = tpu.sem_alloc : memref<!tpu.dma_semaphore, #tpu.memory_space<semaphore_mem>>
      %dma_start3A_111 = tpu.memref_slice %arg4[%mul3A_2] : memref<161792xi32, #tpu.memory_space<hbm>> -> memref<5056xi32, #tpu.memory_space<hbm>>
      %dma_start3A_112 = tpu.memref_slice %arg4[%mul3A_2] : memref<161792xi32, #tpu.memory_space<hbm>> -> memref<5056xi32, #tpu.memory_space<hbm>>
      tpu.enqueue_dma source(%dma_start3A_112 : memref<5056xi32, #tpu.memory_space<hbm>>) target(%arg10 : memref<5056xi32, #tpu.memory_space<vmem>>) target_semaphore(%run_scoped3A : memref<!tpu.dma_semaphore, #tpu.memory_space<semaphore_mem>>)
      %dma_wait3A = tpu.memref_slice %arg4[%mul3A_2] : memref<161792xi32, #tpu.memory_space<hbm>> -> memref<5056xi32, #tpu.memory_space<hbm>>
      %dma_wait3A_113 = tpu.memref_slice %arg4[%mul3A_2] : memref<161792xi32, #tpu.memory_space<hbm>> -> memref<5056xi32, #tpu.memory_space<hbm>>
      tpu.wait_dma2 semaphore(%run_scoped3A : memref<!tpu.dma_semaphore, #tpu.memory_space<semaphore_mem>>) src(%dma_wait3A_113 : memref<5056xi32, #tpu.memory_space<hbm>>) dst(%arg10 : memref<5056xi32, #tpu.memory_space<vmem>>)
      tpu.yield
    }) : () -> ()
    "tpu.region"() ({
      %run_scoped3A = tpu.sem_alloc : memref<!tpu.dma_semaphore, #tpu.memory_space<semaphore_mem>>
      tpu.enqueue_dma source(%arg5 : memref<256xf32, #tpu.memory_space<hbm>>) target(%arg13 : memref<256xf32, #tpu.memory_space<vmem>>) target_semaphore(%run_scoped3A : memref<!tpu.dma_semaphore, #tpu.memory_space<semaphore_mem>>)
      tpu.wait_dma2 semaphore(%run_scoped3A : memref<!tpu.dma_semaphore, #tpu.memory_space<semaphore_mem>>) src(%arg5 : memref<256xf32, #tpu.memory_space<hbm>>) dst(%arg13 : memref<256xf32, #tpu.memory_space<vmem>>)
      tpu.yield
    }) : () -> ()
    "tpu.region"() ({
      %run_scoped3A = tpu.sem_alloc : memref<!tpu.dma_semaphore, #tpu.memory_space<semaphore_mem>>
      tpu.enqueue_dma source(%arg6 : memref<256xf32, #tpu.memory_space<hbm>>) target(%arg14 : memref<256xf32, #tpu.memory_space<vmem>>) target_semaphore(%run_scoped3A : memref<!tpu.dma_semaphore, #tpu.memory_space<semaphore_mem>>)
      tpu.wait_dma2 semaphore(%run_scoped3A : memref<!tpu.dma_semaphore, #tpu.memory_space<semaphore_mem>>) src(%arg6 : memref<256xf32, #tpu.memory_space<hbm>>) dst(%arg14 : memref<256xf32, #tpu.memory_space<vmem>>)
      tpu.yield
    }) : () -> ()
    "tpu.region"() ({
      %run_scoped3A = tpu.sem_alloc : memref<!tpu.dma_semaphore, #tpu.memory_space<semaphore_mem>>
      tpu.enqueue_dma source(%arg7 : memref<16xf32, #tpu.memory_space<hbm>>) target(%arg15 : memref<16xf32, #tpu.memory_space<vmem>>) target_semaphore(%run_scoped3A : memref<!tpu.dma_semaphore, #tpu.memory_space<semaphore_mem>>)
      tpu.wait_dma2 semaphore(%run_scoped3A : memref<!tpu.dma_semaphore, #tpu.memory_space<semaphore_mem>>) src(%arg7 : memref<16xf32, #tpu.memory_space<hbm>>) dst(%arg15 : memref<16xf32, #tpu.memory_space<vmem>>)
      tpu.yield
    }) : () -> ()
    %get3A = arith.constant 0 : index
    %get3A_3 = tpu.vector_load %arg15[%get3A] {strides = array<i32>} : memref<16xf32, #tpu.memory_space<vmem>>, vector<16xf32>,
    %get3A_4 = arith.constant 0 : index
    %get3A_5 = tpu.vector_load %arg13[%get3A_4] {strides = array<i32>} : memref<256xf32, #tpu.memory_space<vmem>>, vector<16xf32>,
    %get3A_6 = arith.constant 16 : index
    %get3A_7 = tpu.vector_load %arg13[%get3A_6] {strides = array<i32>} : memref<256xf32, #tpu.memory_space<vmem>>, vector<16xf32>,
    %get3A_8 = arith.constant 32 : index
    %get3A_9 = tpu.vector_load %arg13[%get3A_8] {strides = array<i32>} : memref<256xf32, #tpu.memory_space<vmem>>, vector<16xf32>,
    %get3A_10 = arith.constant 48 : index
    %get3A_11 = tpu.vector_load %arg13[%get3A_10] {strides = array<i32>} : memref<256xf32, #tpu.memory_space<vmem>>, vector<16xf32>,
    %get3A_12 = arith.constant 64 : index
    %get3A_13 = tpu.vector_load %arg13[%get3A_12] {strides = array<i32>} : memref<256xf32, #tpu.memory_space<vmem>>, vector<16xf32>,
    %get3A_14 = arith.constant 80 : index
    %get3A_15 = tpu.vector_load %arg13[%get3A_14] {strides = array<i32>} : memref<256xf32, #tpu.memory_space<vmem>>, vector<16xf32>,
    %get3A_16 = arith.constant 96 : index
    %get3A_17 = tpu.vector_load %arg13[%get3A_16] {strides = array<i32>} : memref<256xf32, #tpu.memory_space<vmem>>, vector<16xf32>,
    %get3A_18 = arith.constant 112 : index
    %get3A_19 = tpu.vector_load %arg13[%get3A_18] {strides = array<i32>} : memref<256xf32, #tpu.memory_space<vmem>>, vector<16xf32>,
    %get3A_20 = arith.constant 128 : index
    %get3A_21 = tpu.vector_load %arg13[%get3A_20] {strides = array<i32>} : memref<256xf32, #tpu.memory_space<vmem>>, vector<16xf32>,
    %get3A_22 = arith.constant 144 : index
    %get3A_23 = tpu.vector_load %arg13[%get3A_22] {strides = array<i32>} : memref<256xf32, #tpu.memory_space<vmem>>, vector<16xf32>,
    %get3A_24 = arith.constant 160 : index
    %get3A_25 = tpu.vector_load %arg13[%get3A_24] {strides = array<i32>} : memref<256xf32, #tpu.memory_space<vmem>>, vector<16xf32>,
    %get3A_26 = arith.constant 176 : index
    %get3A_27 = tpu.vector_load %arg13[%get3A_26] {strides = array<i32>} : memref<256xf32, #tpu.memory_space<vmem>>, vector<16xf32>,
    %get3A_28 = arith.constant 192 : index
    %get3A_29 = tpu.vector_load %arg13[%get3A_28] {strides = array<i32>} : memref<256xf32, #tpu.memory_space<vmem>>, vector<16xf32>,
    %get3A_30 = arith.constant 208 : index
    %get3A_31 = tpu.vector_load %arg13[%get3A_30] {strides = array<i32>} : memref<256xf32, #tpu.memory_space<vmem>>, vector<16xf32>,
    %get3A_32 = arith.constant 224 : index
    %get3A_33 = tpu.vector_load %arg13[%get3A_32] {strides = array<i32>} : memref<256xf32, #tpu.memory_space<vmem>>, vector<16xf32>,
    %get3A_34 = arith.constant 240 : index
    %get3A_35 = tpu.vector_load %arg13[%get3A_34] {strides = array<i32>} : memref<256xf32, #tpu.memory_space<vmem>>, vector<16xf32>,
    %get3A_36 = arith.constant 0 : index
    %get3A_37 = tpu.vector_load %arg14[%get3A_36] {strides = array<i32>} : memref<256xf32, #tpu.memory_space<vmem>>, vector<16xf32>,
    %get3A_38 = arith.constant 16 : index
    %get3A_39 = tpu.vector_load %arg14[%get3A_38] {strides = array<i32>} : memref<256xf32, #tpu.memory_space<vmem>>, vector<16xf32>,
    %get3A_40 = arith.constant 32 : index
    %get3A_41 = tpu.vector_load %arg14[%get3A_40] {strides = array<i32>} : memref<256xf32, #tpu.memory_space<vmem>>, vector<16xf32>,
    %get3A_42 = arith.constant 48 : index
    %get3A_43 = tpu.vector_load %arg14[%get3A_42] {strides = array<i32>} : memref<256xf32, #tpu.memory_space<vmem>>, vector<16xf32>,
    %get3A_44 = arith.constant 64 : index
    %get3A_45 = tpu.vector_load %arg14[%get3A_44] {strides = array<i32>} : memref<256xf32, #tpu.memory_space<vmem>>, vector<16xf32>,
    %get3A_46 = arith.constant 80 : index
    %get3A_47 = tpu.vector_load %arg14[%get3A_46] {strides = array<i32>} : memref<256xf32, #tpu.memory_space<vmem>>, vector<16xf32>,
    %get3A_48 = arith.constant 96 : index
    %get3A_49 = tpu.vector_load %arg14[%get3A_48] {strides = array<i32>} : memref<256xf32, #tpu.memory_space<vmem>>, vector<16xf32>,
    %get3A_50 = arith.constant 112 : index
    %get3A_51 = tpu.vector_load %arg14[%get3A_50] {strides = array<i32>} : memref<256xf32, #tpu.memory_space<vmem>>, vector<16xf32>,
    %get3A_52 = arith.constant 128 : index
    %get3A_53 = tpu.vector_load %arg14[%get3A_52] {strides = array<i32>} : memref<256xf32, #tpu.memory_space<vmem>>, vector<16xf32>,
    %get3A_54 = arith.constant 144 : index
    %get3A_55 = tpu.vector_load %arg14[%get3A_54] {strides = array<i32>} : memref<256xf32, #tpu.memory_space<vmem>>, vector<16xf32>,
    %get3A_56 = arith.constant 160 : index
    %get3A_57 = tpu.vector_load %arg14[%get3A_56] {strides = array<i32>} : memref<256xf32, #tpu.memory_space<vmem>>, vector<16xf32>,
    %get3A_58 = arith.constant 176 : index
    %get3A_59 = tpu.vector_load %arg14[%get3A_58] {strides = array<i32>} : memref<256xf32, #tpu.memory_space<vmem>>, vector<16xf32>,
    %get3A_60 = arith.constant 192 : index
    %get3A_61 = tpu.vector_load %arg14[%get3A_60] {strides = array<i32>} : memref<256xf32, #tpu.memory_space<vmem>>, vector<16xf32>,
    %get3A_62 = arith.constant 208 : index
    %get3A_63 = tpu.vector_load %arg14[%get3A_62] {strides = array<i32>} : memref<256xf32, #tpu.memory_space<vmem>>, vector<16xf32>,
    %get3A_64 = arith.constant 224 : index
    %get3A_65 = tpu.vector_load %arg14[%get3A_64] {strides = array<i32>} : memref<256xf32, #tpu.memory_space<vmem>>, vector<16xf32>,
    %get3A_66 = arith.constant 240 : index
    %get3A_67 = tpu.vector_load %arg14[%get3A_66] {strides = array<i32>} : memref<256xf32, #tpu.memory_space<vmem>>, vector<16xf32>,
    %iota3A = tpu.iota {dimensions = array<i32: 0>} : vector<16xi32>
    %multiple_of3A = arith.constant 0 : i32
    %multiple_of3A_68 = tpu.assume_multiple %multiple_of3A, 32 : i32
    %dma_start3A = arith.constant 0 : i32
    %dma_start3A_69 = arith.constant 0 : i32
    %dma_start3A_70 = arith.constant 0 : i32
    %dma_start3A_71 = tpu.memref_slice %arg11[%dma_start3A, %dma_start3A_69, %dma_start3A_70] : memref<2x32x512xbf16, #tpu.memory_space<vmem>> -> memref<1x32x512xbf16, #tpu.memory_space<vmem>>
    %dma_start3A_72 = tpu.memref_squeeze %dma_start3A_71 : memref<1x32x512xbf16, #tpu.memory_space<vmem>> -> memref<32x512xbf16, #tpu.memory_space<vmem>>
    %dma_start3A_73 = tpu.memref_slice %arg9[%multiple_of3A_68] : memref<5056xi32, #tpu.memory_space<vmem>> -> memref<32xi32, #tpu.memory_space<vmem>>
    %dma_start3A_74 = arith.constant 0 : i32
    %dma_start3A_75 = arith.constant 0 : i32
    %dma_start3A_76 = tpu.memref_slice %arg2[%dma_start3A_74, %dma_start3A_75] : memref<10000x512xbf16, #tpu.memory_space<hbm>> -> memref<10000x512xbf16, #tpu.memory_space<hbm>>
    tpu.enqueue_indirect_dma source(%dma_start3A_76 : memref<10000x512xbf16, #tpu.memory_space<hbm>>) target(%dma_start3A_72 : memref<32x512xbf16, #tpu.memory_space<vmem>>) offsets(%dma_start3A_73 : memref<32xi32, #tpu.memory_space<vmem>>) semaphore(%arg17 : memref<!tpu.dma_semaphore, #tpu.memory_space<semaphore_mem>>)
    %dma_start3A_77 = arith.constant 0 : i32
    %dma_start3A_78 = arith.constant 0 : i32
    %dma_start3A_79 = arith.constant 0 : i32
    %dma_start3A_80 = tpu.memref_slice %arg12[%dma_start3A_77, %dma_start3A_78, %dma_start3A_79] : memref<2x32x512xbf16, #tpu.memory_space<vmem>> -> memref<1x32x512xbf16, #tpu.memory_space<vmem>>
    %dma_start3A_81 = tpu.memref_squeeze %dma_start3A_80 : memref<1x32x512xbf16, #tpu.memory_space<vmem>> -> memref<32x512xbf16, #tpu.memory_space<vmem>>
    %dma_start3A_82 = tpu.memref_slice %arg10[%multiple_of3A_68] : memref<5056xi32, #tpu.memory_space<vmem>> -> memref<32xi32, #tpu.memory_space<vmem>>
    %dma_start3A_83 = arith.constant 0 : i32
    %dma_start3A_84 = arith.constant 0 : i32
    %dma_start3A_85 = tpu.memref_slice %arg2[%dma_start3A_83, %dma_start3A_84] : memref<10000x512xbf16, #tpu.memory_space<hbm>> -> memref<10000x512xbf16, #tpu.memory_space<hbm>>
    tpu.enqueue_indirect_dma source(%dma_start3A_85 : memref<10000x512xbf16, #tpu.memory_space<hbm>>) target(%dma_start3A_81 : memref<32x512xbf16, #tpu.memory_space<vmem>>) offsets(%dma_start3A_82 : memref<32xi32, #tpu.memory_space<vmem>>) semaphore(%arg17 : memref<!tpu.dma_semaphore, #tpu.memory_space<semaphore_mem>>)
    %multiple_of3A_86 = arith.constant 32 : i32
    %multiple_of3A_87 = tpu.assume_multiple %multiple_of3A_86, 32 : i32
    %dma_start3A_88 = arith.constant 1 : i32
    %dma_start3A_89 = arith.constant 0 : i32
    %dma_start3A_90 = arith.constant 0 : i32
    %dma_start3A_91 = tpu.memref_slice %arg11[%dma_start3A_88, %dma_start3A_89, %dma_start3A_90] : memref<2x32x512xbf16, #tpu.memory_space<vmem>> -> memref<1x32x512xbf16, #tpu.memory_space<vmem>>
    %dma_start3A_92 = tpu.memref_squeeze %dma_start3A_91 : memref<1x32x512xbf16, #tpu.memory_space<vmem>> -> memref<32x512xbf16, #tpu.memory_space<vmem>>
    %dma_start3A_93 = tpu.memref_slice %arg9[%multiple_of3A_87] : memref<5056xi32, #tpu.memory_space<vmem>> -> memref<32xi32, #tpu.memory_space<vmem>>
    %dma_start3A_94 = arith.constant 0 : i32
    %dma_start3A_95 = arith.constant 0 : i32
    %dma_start3A_96 = tpu.memref_slice %arg2[%dma_start3A_94, %dma_start3A_95] : memref<10000x512xbf16, #tpu.memory_space<hbm>> -> memref<10000x512xbf16, #tpu.memory_space<hbm>>
    tpu.enqueue_indirect_dma source(%dma_start3A_96 : memref<10000x512xbf16, #tpu.memory_space<hbm>>) target(%dma_start3A_92 : memref<32x512xbf16, #tpu.memory_space<vmem>>) offsets(%dma_start3A_93 : memref<32xi32, #tpu.memory_space<vmem>>) semaphore(%arg18 : memref<!tpu.dma_semaphore, #tpu.memory_space<semaphore_mem>>)
    %dma_start3A_97 = arith.constant 1 : i32
    %dma_start3A_98 = arith.constant 0 : i32
    %dma_start3A_99 = arith.constant 0 : i32
    %dma_start3A_100 = tpu.memref_slice %arg12[%dma_start3A_97, %dma_start3A_98, %dma_start3A_99] : memref<2x32x512xbf16, #tpu.memory_space<vmem>> -> memref<1x32x512xbf16, #tpu.memory_space<vmem>>
    %dma_start3A_101 = tpu.memref_squeeze %dma_start3A_100 : memref<1x32x512xbf16, #tpu.memory_space<vmem>> -> memref<32x512xbf16, #tpu.memory_space<vmem>>
    %dma_start3A_102 = tpu.memref_slice %arg10[%multiple_of3A_87] : memref<5056xi32, #tpu.memory_space<vmem>> -> memref<32xi32, #tpu.memory_space<vmem>>
    %dma_start3A_103 = arith.constant 0 : i32
    %dma_start3A_104 = arith.constant 0 : i32
    %dma_start3A_105 = tpu.memref_slice %arg2[%dma_start3A_103, %dma_start3A_104] : memref<10000x512xbf16, #tpu.memory_space<hbm>> -> memref<10000x512xbf16, #tpu.memory_space<hbm>>
    tpu.enqueue_indirect_dma source(%dma_start3A_105 : memref<10000x512xbf16, #tpu.memory_space<hbm>>) target(%dma_start3A_101 : memref<32x512xbf16, #tpu.memory_space<vmem>>) offsets(%dma_start3A_102 : memref<32xi32, #tpu.memory_space<vmem>>) semaphore(%arg18 : memref<!tpu.dma_semaphore, #tpu.memory_space<semaphore_mem>>)
    %scan3A = arith.constant 0 : i32
    %scan3A_106 = arith.constant 0 : i32
    %scan3A_107 = arith.constant 79 : i32
    %scan3A_108 = arith.addi %scan3A_106, %scan3A_107 : i32
    %scan3A_109 = arith.constant 1 : i32
    scf.for %scan3A_111 = %scan3A_106 to %scan3A_108 step %scan3A_109  : i32 {
      %mul3A_112 = arith.constant 2 : i32
      %mul3A_113 = arith.muli %scan3A_111, %mul3A_112 : i32
      %add3A_114 = arith.constant 0 : i32
      %add3A_115 = arith.addi %mul3A_113, %add3A_114 : i32
      %mul3A_116 = arith.constant 32 : i32
      %mul3A_117 = arith.muli %add3A_115, %mul3A_116 : i32
      %multiple_of3A_118 = tpu.assume_multiple %mul3A_117, 32 : i32
      %dma_wait3A = arith.constant 0 : i32
      %dma_wait3A_119 = arith.constant 0 : i32
      %dma_wait3A_120 = arith.constant 0 : i32
      %dma_wait3A_121 = tpu.memref_slice %arg11[%dma_wait3A, %dma_wait3A_119, %dma_wait3A_120] : memref<2x32x512xbf16, #tpu.memory_space<vmem>> -> memref<1x32x512xbf16, #tpu.memory_space<vmem>>
      %dma_wait3A_122 = tpu.memref_squeeze %dma_wait3A_121 : memref<1x32x512xbf16, #tpu.memory_space<vmem>> -> memref<32x512xbf16, #tpu.memory_space<vmem>>
      %dma_wait3A_123 = tpu.memref_slice %arg9[%multiple_of3A_118] : memref<5056xi32, #tpu.memory_space<vmem>> -> memref<32xi32, #tpu.memory_space<vmem>>
      %dma_wait3A_124 = arith.constant 0 : i32
      %dma_wait3A_125 = arith.constant 0 : i32
      %dma_wait3A_126 = tpu.memref_slice %arg2[%dma_wait3A_124, %dma_wait3A_125] : memref<10000x512xbf16, #tpu.memory_space<hbm>> -> memref<10000x512xbf16, #tpu.memory_space<hbm>>
      tpu.wait_indirect_dma semaphore(%arg17 : memref<!tpu.dma_semaphore, #tpu.memory_space<semaphore_mem>>) src(%dma_wait3A_126 : memref<10000x512xbf16, #tpu.memory_space<hbm>>) dst(%dma_wait3A_122 : memref<32x512xbf16, #tpu.memory_space<vmem>>)
      %dma_wait3A_127 = arith.constant 0 : i32
      %dma_wait3A_128 = arith.constant 0 : i32
      %dma_wait3A_129 = arith.constant 0 : i32
      %dma_wait3A_130 = tpu.memref_slice %arg12[%dma_wait3A_127, %dma_wait3A_128, %dma_wait3A_129] : memref<2x32x512xbf16, #tpu.memory_space<vmem>> -> memref<1x32x512xbf16, #tpu.memory_space<vmem>>
      %dma_wait3A_131 = tpu.memref_squeeze %dma_wait3A_130 : memref<1x32x512xbf16, #tpu.memory_space<vmem>> -> memref<32x512xbf16, #tpu.memory_space<vmem>>
      %dma_wait3A_132 = tpu.memref_slice %arg10[%multiple_of3A_118] : memref<5056xi32, #tpu.memory_space<vmem>> -> memref<32xi32, #tpu.memory_space<vmem>>
      %dma_wait3A_133 = arith.constant 0 : i32
      %dma_wait3A_134 = arith.constant 0 : i32
      %dma_wait3A_135 = tpu.memref_slice %arg2[%dma_wait3A_133, %dma_wait3A_134] : memref<10000x512xbf16, #tpu.memory_space<hbm>> -> memref<10000x512xbf16, #tpu.memory_space<hbm>>
      tpu.wait_indirect_dma semaphore(%arg17 : memref<!tpu.dma_semaphore, #tpu.memory_space<semaphore_mem>>) src(%dma_wait3A_135 : memref<10000x512xbf16, #tpu.memory_space<hbm>>) dst(%dma_wait3A_131 : memref<32x512xbf16, #tpu.memory_space<vmem>>)
      %mul3A_136 = arith.constant 32 : i32
      %mul3A_137 = arith.muli %add3A_115, %mul3A_136 : i32
      %multiple_of3A_138 = tpu.assume_multiple %mul3A_137, 32 : i32
      %scan3A_139 = arith.constant 0 : i32
      %scan3A_140 = arith.constant 16 : i32
      %scan3A_141 = arith.addi %scan3A_139, %scan3A_140 : i32
      %scan3A_142 = arith.constant 1 : i32
      %scan3A_143 = scf.for %scan3A_217 = %scan3A_139 to %scan3A_141 step %scan3A_142 iter_args(%scan3A_218 = %get3A_3) -> (vector<16xf32>)  : i32 {
        %add3A_219 = arith.constant 0 : i32
        %add3A_220 = arith.addi %add3A_219, %scan3A_217 : i32
        %broadcast_in_dim3A = arith.constant 0.000000e+00 : f32
        %broadcast_in_dim3A_221 = vector.broadcast %broadcast_in_dim3A : f32 to vector<16xf32>
        %broadcast_in_dim3A_222 = arith.constant 0.000000e+00 : f32
        %broadcast_in_dim3A_223 = vector.broadcast %broadcast_in_dim3A_222 : f32 to vector<16xf32>
        %get3A_224 = arith.constant 0 : i32
        %get3A_225 = arith.index_cast %get3A_224 : i32 to index
        %get3A_226 = arith.index_cast %add3A_220 : i32 to index
        %get3A_227 = arith.constant 0 : index
        %get3A_228 = tpu.vector_load %arg11[%get3A_225, %get3A_226, %get3A_227] {strides = array<i32>} : memref<2x32x512xbf16, #tpu.memory_space<vmem>>, vector<32xbf16>,
        %get3A_229 = arith.constant 0 : i32
        %get3A_230 = arith.index_cast %get3A_229 : i32 to index
        %get3A_231 = arith.index_cast %add3A_220 : i32 to index
        %get3A_232 = arith.constant 0 : index
        %get3A_233 = tpu.vector_load %arg12[%get3A_230, %get3A_231, %get3A_232] {strides = array<i32>} : memref<2x32x512xbf16, #tpu.memory_space<vmem>>, vector<32xbf16>,
        %add3A_234 = arith.addf %get3A_228, %get3A_233 : vector<32xbf16>
        %max3A = arith.constant 0.000000e+00 : bf16
        %max3A_235 = vector.broadcast %max3A : bf16 to vector<32xbf16>
        %max3A_236 = arith.maximumf %add3A_234, %max3A_235 : vector<32xbf16>
        %unpack3A = tpu.unpack_subelements %max3A_236, 0 {pack_format = #tpu.pack_format<interleaved>} : vector<32xbf16> -> vector<16xf32>
        %unpack3A_237 = tpu.unpack_subelements %max3A_236, 1 {pack_format = #tpu.pack_format<interleaved>} : vector<32xbf16> -> vector<16xf32>
        %mul3A_238 = arith.mulf %unpack3A, %get3A_5 : vector<16xf32>
        %add3A_239 = arith.addf %broadcast_in_dim3A_221, %mul3A_238 : vector<16xf32>
        %mul3A_240 = arith.mulf %unpack3A_237, %get3A_37 : vector<16xf32>
        %add3A_241 = arith.addf %broadcast_in_dim3A_223, %mul3A_240 : vector<16xf32>
        %get3A_242 = arith.constant 0 : i32
        %get3A_243 = arith.index_cast %get3A_242 : i32 to index
        %get3A_244 = arith.index_cast %add3A_220 : i32 to index
        %get3A_245 = arith.constant 32 : index
        %get3A_246 = tpu.vector_load %arg11[%get3A_243, %get3A_244, %get3A_245] {strides = array<i32>} : memref<2x32x512xbf16, #tpu.memory_space<vmem>>, vector<32xbf16>,
        %get3A_247 = arith.constant 0 : i32
        %get3A_248 = arith.index_cast %get3A_247 : i32 to index
        %get3A_249 = arith.index_cast %add3A_220 : i32 to index
        %get3A_250 = arith.constant 32 : index
        %get3A_251 = tpu.vector_load %arg12[%get3A_248, %get3A_249, %get3A_250] {strides = array<i32>} : memref<2x32x512xbf16, #tpu.memory_space<vmem>>, vector<32xbf16>,
        %add3A_252 = arith.addf %get3A_246, %get3A_251 : vector<32xbf16>
        %max3A_253 = arith.constant 0.000000e+00 : bf16
        %max3A_254 = vector.broadcast %max3A_253 : bf16 to vector<32xbf16>
        %max3A_255 = arith.maximumf %add3A_252, %max3A_254 : vector<32xbf16>
        %unpack3A_256 = tpu.unpack_subelements %max3A_255, 0 {pack_format = #tpu.pack_format<interleaved>} : vector<32xbf16> -> vector<16xf32>
        %unpack3A_257 = tpu.unpack_subelements %max3A_255, 1 {pack_format = #tpu.pack_format<interleaved>} : vector<32xbf16> -> vector<16xf32>
        %mul3A_258 = arith.mulf %unpack3A_256, %get3A_7 : vector<16xf32>
        %add3A_259 = arith.addf %add3A_239, %mul3A_258 : vector<16xf32>
        %mul3A_260 = arith.mulf %unpack3A_257, %get3A_39 : vector<16xf32>
        %add3A_261 = arith.addf %add3A_241, %mul3A_260 : vector<16xf32>
        %get3A_262 = arith.constant 0 : i32
        %get3A_263 = arith.index_cast %get3A_262 : i32 to index
        %get3A_264 = arith.index_cast %add3A_220 : i32 to index
        %get3A_265 = arith.constant 64 : index
        %get3A_266 = tpu.vector_load %arg11[%get3A_263, %get3A_264, %get3A_265] {strides = array<i32>} : memref<2x32x512xbf16, #tpu.memory_space<vmem>>, vector<32xbf16>,
        %get3A_267 = arith.constant 0 : i32
        %get3A_268 = arith.index_cast %get3A_267 : i32 to index
        %get3A_269 = arith.index_cast %add3A_220 : i32 to index
        %get3A_270 = arith.constant 64 : index
        %get3A_271 = tpu.vector_load %arg12[%get3A_268, %get3A_269, %get3A_270] {strides = array<i32>} : memref<2x32x512xbf16, #tpu.memory_space<vmem>>, vector<32xbf16>,
        %add3A_272 = arith.addf %get3A_266, %get3A_271 : vector<32xbf16>
        %max3A_273 = arith.constant 0.000000e+00 : bf16
        %max3A_274 = vector.broadcast %max3A_273 : bf16 to vector<32xbf16>
        %max3A_275 = arith.maximumf %add3A_272, %max3A_274 : vector<32xbf16>
        %unpack3A_276 = tpu.unpack_subelements %max3A_275, 0 {pack_format = #tpu.pack_format<interleaved>} : vector<32xbf16> -> vector<16xf32>
        %unpack3A_277 = tpu.unpack_subelements %max3A_275, 1 {pack_format = #tpu.pack_format<interleaved>} : vector<32xbf16> -> vector<16xf32>
        %mul3A_278 = arith.mulf %unpack3A_276, %get3A_9 : vector<16xf32>
        %add3A_279 = arith.addf %add3A_259, %mul3A_278 : vector<16xf32>
        %mul3A_280 = arith.mulf %unpack3A_277, %get3A_41 : vector<16xf32>
        %add3A_281 = arith.addf %add3A_261, %mul3A_280 : vector<16xf32>
        %get3A_282 = arith.constant 0 : i32
        %get3A_283 = arith.index_cast %get3A_282 : i32 to index
        %get3A_284 = arith.index_cast %add3A_220 : i32 to index
        %get3A_285 = arith.constant 96 : index
        %get3A_286 = tpu.vector_load %arg11[%get3A_283, %get3A_284, %get3A_285] {strides = array<i32>} : memref<2x32x512xbf16, #tpu.memory_space<vmem>>, vector<32xbf16>,
        %get3A_287 = arith.constant 0 : i32
        %get3A_288 = arith.index_cast %get3A_287 : i32 to index
        %get3A_289 = arith.index_cast %add3A_220 : i32 to index
        %get3A_290 = arith.constant 96 : index
        %get3A_291 = tpu.vector_load %arg12[%get3A_288, %get3A_289, %get3A_290] {strides = array<i32>} : memref<2x32x512xbf16, #tpu.memory_space<vmem>>, vector<32xbf16>,
        %add3A_292 = arith.addf %get3A_286, %get3A_291 : vector<32xbf16>
        %max3A_293 = arith.constant 0.000000e+00 : bf16
        %max3A_294 = vector.broadcast %max3A_293 : bf16 to vector<32xbf16>
        %max3A_295 = arith.maximumf %add3A_292, %max3A_294 : vector<32xbf16>
        %unpack3A_296 = tpu.unpack_subelements %max3A_295, 0 {pack_format = #tpu.pack_format<interleaved>} : vector<32xbf16> -> vector<16xf32>
        %unpack3A_297 = tpu.unpack_subelements %max3A_295, 1 {pack_format = #tpu.pack_format<interleaved>} : vector<32xbf16> -> vector<16xf32>
        %mul3A_298 = arith.mulf %unpack3A_296, %get3A_11 : vector<16xf32>
        %add3A_299 = arith.addf %add3A_279, %mul3A_298 : vector<16xf32>
        %mul3A_300 = arith.mulf %unpack3A_297, %get3A_43 : vector<16xf32>
        %add3A_301 = arith.addf %add3A_281, %mul3A_300 : vector<16xf32>
        %get3A_302 = arith.constant 0 : i32
        %get3A_303 = arith.index_cast %get3A_302 : i32 to index
        %get3A_304 = arith.index_cast %add3A_220 : i32 to index
        %get3A_305 = arith.constant 128 : index
        %get3A_306 = tpu.vector_load %arg11[%get3A_303, %get3A_304, %get3A_305] {strides = array<i32>} : memref<2x32x512xbf16, #tpu.memory_space<vmem>>, vector<32xbf16>,
        %get3A_307 = arith.constant 0 : i32
        %get3A_308 = arith.index_cast %get3A_307 : i32 to index
        %get3A_309 = arith.index_cast %add3A_220 : i32 to index
        %get3A_310 = arith.constant 128 : index
        %get3A_311 = tpu.vector_load %arg12[%get3A_308, %get3A_309, %get3A_310] {strides = array<i32>} : memref<2x32x512xbf16, #tpu.memory_space<vmem>>, vector<32xbf16>,
        %add3A_312 = arith.addf %get3A_306, %get3A_311 : vector<32xbf16>
        %max3A_313 = arith.constant 0.000000e+00 : bf16
        %max3A_314 = vector.broadcast %max3A_313 : bf16 to vector<32xbf16>
        %max3A_315 = arith.maximumf %add3A_312, %max3A_314 : vector<32xbf16>
        %unpack3A_316 = tpu.unpack_subelements %max3A_315, 0 {pack_format = #tpu.pack_format<interleaved>} : vector<32xbf16> -> vector<16xf32>
        %unpack3A_317 = tpu.unpack_subelements %max3A_315, 1 {pack_format = #tpu.pack_format<interleaved>} : vector<32xbf16> -> vector<16xf32>
        %mul3A_318 = arith.mulf %unpack3A_316, %get3A_13 : vector<16xf32>
        %add3A_319 = arith.addf %add3A_299, %mul3A_318 : vector<16xf32>
        %mul3A_320 = arith.mulf %unpack3A_317, %get3A_45 : vector<16xf32>
        %add3A_321 = arith.addf %add3A_301, %mul3A_320 : vector<16xf32>
        %get3A_322 = arith.constant 0 : i32
        %get3A_323 = arith.index_cast %get3A_322 : i32 to index
        %get3A_324 = arith.index_cast %add3A_220 : i32 to index
        %get3A_325 = arith.constant 160 : index
        %get3A_326 = tpu.vector_load %arg11[%get3A_323, %get3A_324, %get3A_325] {strides = array<i32>} : memref<2x32x512xbf16, #tpu.memory_space<vmem>>, vector<32xbf16>,
        %get3A_327 = arith.constant 0 : i32
        %get3A_328 = arith.index_cast %get3A_327 : i32 to index
        %get3A_329 = arith.index_cast %add3A_220 : i32 to index
        %get3A_330 = arith.constant 160 : index
        %get3A_331 = tpu.vector_load %arg12[%get3A_328, %get3A_329, %get3A_330] {strides = array<i32>} : memref<2x32x512xbf16, #tpu.memory_space<vmem>>, vector<32xbf16>,
        %add3A_332 = arith.addf %get3A_326, %get3A_331 : vector<32xbf16>
        %max3A_333 = arith.constant 0.000000e+00 : bf16
        %max3A_334 = vector.broadcast %max3A_333 : bf16 to vector<32xbf16>
        %max3A_335 = arith.maximumf %add3A_332, %max3A_334 : vector<32xbf16>
        %unpack3A_336 = tpu.unpack_subelements %max3A_335, 0 {pack_format = #tpu.pack_format<interleaved>} : vector<32xbf16> -> vector<16xf32>
        %unpack3A_337 = tpu.unpack_subelements %max3A_335, 1 {pack_format = #tpu.pack_format<interleaved>} : vector<32xbf16> -> vector<16xf32>
        %mul3A_338 = arith.mulf %unpack3A_336, %get3A_15 : vector<16xf32>
        %add3A_339 = arith.addf %add3A_319, %mul3A_338 : vector<16xf32>
        %mul3A_340 = arith.mulf %unpack3A_337, %get3A_47 : vector<16xf32>
        %add3A_341 = arith.addf %add3A_321, %mul3A_340 : vector<16xf32>
        %get3A_342 = arith.constant 0 : i32
        %get3A_343 = arith.index_cast %get3A_342 : i32 to index
        %get3A_344 = arith.index_cast %add3A_220 : i32 to index
        %get3A_345 = arith.constant 192 : index
        %get3A_346 = tpu.vector_load %arg11[%get3A_343, %get3A_344, %get3A_345] {strides = array<i32>} : memref<2x32x512xbf16, #tpu.memory_space<vmem>>, vector<32xbf16>,
        %get3A_347 = arith.constant 0 : i32
        %get3A_348 = arith.index_cast %get3A_347 : i32 to index
        %get3A_349 = arith.index_cast %add3A_220 : i32 to index
        %get3A_350 = arith.constant 192 : index
        %get3A_351 = tpu.vector_load %arg12[%get3A_348, %get3A_349, %get3A_350] {strides = array<i32>} : memref<2x32x512xbf16, #tpu.memory_space<vmem>>, vector<32xbf16>,
        %add3A_352 = arith.addf %get3A_346, %get3A_351 : vector<32xbf16>
        %max3A_353 = arith.constant 0.000000e+00 : bf16
        %max3A_354 = vector.broadcast %max3A_353 : bf16 to vector<32xbf16>
        %max3A_355 = arith.maximumf %add3A_352, %max3A_354 : vector<32xbf16>
        %unpack3A_356 = tpu.unpack_subelements %max3A_355, 0 {pack_format = #tpu.pack_format<interleaved>} : vector<32xbf16> -> vector<16xf32>
        %unpack3A_357 = tpu.unpack_subelements %max3A_355, 1 {pack_format = #tpu.pack_format<interleaved>} : vector<32xbf16> -> vector<16xf32>
        %mul3A_358 = arith.mulf %unpack3A_356, %get3A_17 : vector<16xf32>
        %add3A_359 = arith.addf %add3A_339, %mul3A_358 : vector<16xf32>
        %mul3A_360 = arith.mulf %unpack3A_357, %get3A_49 : vector<16xf32>
        %add3A_361 = arith.addf %add3A_341, %mul3A_360 : vector<16xf32>
        %get3A_362 = arith.constant 0 : i32
        %get3A_363 = arith.index_cast %get3A_362 : i32 to index
        %get3A_364 = arith.index_cast %add3A_220 : i32 to index
        %get3A_365 = arith.constant 224 : index
        %get3A_366 = tpu.vector_load %arg11[%get3A_363, %get3A_364, %get3A_365] {strides = array<i32>} : memref<2x32x512xbf16, #tpu.memory_space<vmem>>, vector<32xbf16>,
        %get3A_367 = arith.constant 0 : i32
        %get3A_368 = arith.index_cast %get3A_367 : i32 to index
        %get3A_369 = arith.index_cast %add3A_220 : i32 to index
        %get3A_370 = arith.constant 224 : index
        %get3A_371 = tpu.vector_load %arg12[%get3A_368, %get3A_369, %get3A_370] {strides = array<i32>} : memref<2x32x512xbf16, #tpu.memory_space<vmem>>, vector<32xbf16>,
        %add3A_372 = arith.addf %get3A_366, %get3A_371 : vector<32xbf16>
        %max3A_373 = arith.constant 0.000000e+00 : bf16
        %max3A_374 = vector.broadcast %max3A_373 : bf16 to vector<32xbf16>
        %max3A_375 = arith.maximumf %add3A_372, %max3A_374 : vector<32xbf16>
        %unpack3A_376 = tpu.unpack_subelements %max3A_375, 0 {pack_format = #tpu.pack_format<interleaved>} : vector<32xbf16> -> vector<16xf32>
        %unpack3A_377 = tpu.unpack_subelements %max3A_375, 1 {pack_format = #tpu.pack_format<interleaved>} : vector<32xbf16> -> vector<16xf32>
        %mul3A_378 = arith.mulf %unpack3A_376, %get3A_19 : vector<16xf32>
        %add3A_379 = arith.addf %add3A_359, %mul3A_378 : vector<16xf32>
        %mul3A_380 = arith.mulf %unpack3A_377, %get3A_51 : vector<16xf32>
        %add3A_381 = arith.addf %add3A_361, %mul3A_380 : vector<16xf32>
        %get3A_382 = arith.constant 0 : i32
        %get3A_383 = arith.index_cast %get3A_382 : i32 to index
        %get3A_384 = arith.index_cast %add3A_220 : i32 to index
        %get3A_385 = arith.constant 256 : index
        %get3A_386 = tpu.vector_load %arg11[%get3A_383, %get3A_384, %get3A_385] {strides = array<i32>} : memref<2x32x512xbf16, #tpu.memory_space<vmem>>, vector<32xbf16>,
        %get3A_387 = arith.constant 0 : i32
        %get3A_388 = arith.index_cast %get3A_387 : i32 to index
        %get3A_389 = arith.index_cast %add3A_220 : i32 to index
        %get3A_390 = arith.constant 256 : index
        %get3A_391 = tpu.vector_load %arg12[%get3A_388, %get3A_389, %get3A_390] {strides = array<i32>} : memref<2x32x512xbf16, #tpu.memory_space<vmem>>, vector<32xbf16>,
        %add3A_392 = arith.addf %get3A_386, %get3A_391 : vector<32xbf16>
        %max3A_393 = arith.constant 0.000000e+00 : bf16
        %max3A_394 = vector.broadcast %max3A_393 : bf16 to vector<32xbf16>
        %max3A_395 = arith.maximumf %add3A_392, %max3A_394 : vector<32xbf16>
        %unpack3A_396 = tpu.unpack_subelements %max3A_395, 0 {pack_format = #tpu.pack_format<interleaved>} : vector<32xbf16> -> vector<16xf32>
        %unpack3A_397 = tpu.unpack_subelements %max3A_395, 1 {pack_format = #tpu.pack_format<interleaved>} : vector<32xbf16> -> vector<16xf32>
        %mul3A_398 = arith.mulf %unpack3A_396, %get3A_21 : vector<16xf32>
        %add3A_399 = arith.addf %add3A_379, %mul3A_398 : vector<16xf32>
        %mul3A_400 = arith.mulf %unpack3A_397, %get3A_53 : vector<16xf32>
        %add3A_401 = arith.addf %add3A_381, %mul3A_400 : vector<16xf32>
        %get3A_402 = arith.constant 0 : i32
        %get3A_403 = arith.index_cast %get3A_402 : i32 to index
        %get3A_404 = arith.index_cast %add3A_220 : i32 to index
        %get3A_405 = arith.constant 288 : index
        %get3A_406 = tpu.vector_load %arg11[%get3A_403, %get3A_404, %get3A_405] {strides = array<i32>} : memref<2x32x512xbf16, #tpu.memory_space<vmem>>, vector<32xbf16>,
        %get3A_407 = arith.constant 0 : i32
        %get3A_408 = arith.index_cast %get3A_407 : i32 to index
        %get3A_409 = arith.index_cast %add3A_220 : i32 to index
        %get3A_410 = arith.constant 288 : index
        %get3A_411 = tpu.vector_load %arg12[%get3A_408, %get3A_409, %get3A_410] {strides = array<i32>} : memref<2x32x512xbf16, #tpu.memory_space<vmem>>, vector<32xbf16>,
        %add3A_412 = arith.addf %get3A_406, %get3A_411 : vector<32xbf16>
        %max3A_413 = arith.constant 0.000000e+00 : bf16
        %max3A_414 = vector.broadcast %max3A_413 : bf16 to vector<32xbf16>
        %max3A_415 = arith.maximumf %add3A_412, %max3A_414 : vector<32xbf16>
        %unpack3A_416 = tpu.unpack_subelements %max3A_415, 0 {pack_format = #tpu.pack_format<interleaved>} : vector<32xbf16> -> vector<16xf32>
        %unpack3A_417 = tpu.unpack_subelements %max3A_415, 1 {pack_format = #tpu.pack_format<interleaved>} : vector<32xbf16> -> vector<16xf32>
        %mul3A_418 = arith.mulf %unpack3A_416, %get3A_23 : vector<16xf32>
        %add3A_419 = arith.addf %add3A_399, %mul3A_418 : vector<16xf32>
        %mul3A_420 = arith.mulf %unpack3A_417, %get3A_55 : vector<16xf32>
        %add3A_421 = arith.addf %add3A_401, %mul3A_420 : vector<16xf32>
        %get3A_422 = arith.constant 0 : i32
        %get3A_423 = arith.index_cast %get3A_422 : i32 to index
        %get3A_424 = arith.index_cast %add3A_220 : i32 to index
        %get3A_425 = arith.constant 320 : index
        %get3A_426 = tpu.vector_load %arg11[%get3A_423, %get3A_424, %get3A_425] {strides = array<i32>} : memref<2x32x512xbf16, #tpu.memory_space<vmem>>, vector<32xbf16>,
        %get3A_427 = arith.constant 0 : i32
        %get3A_428 = arith.index_cast %get3A_427 : i32 to index
        %get3A_429 = arith.index_cast %add3A_220 : i32 to index
        %get3A_430 = arith.constant 320 : index
        %get3A_431 = tpu.vector_load %arg12[%get3A_428, %get3A_429, %get3A_430] {strides = array<i32>} : memref<2x32x512xbf16, #tpu.memory_space<vmem>>, vector<32xbf16>,
        %add3A_432 = arith.addf %get3A_426, %get3A_431 : vector<32xbf16>
        %max3A_433 = arith.constant 0.000000e+00 : bf16
        %max3A_434 = vector.broadcast %max3A_433 : bf16 to vector<32xbf16>
        %max3A_435 = arith.maximumf %add3A_432, %max3A_434 : vector<32xbf16>
        %unpack3A_436 = tpu.unpack_subelements %max3A_435, 0 {pack_format = #tpu.pack_format<interleaved>} : vector<32xbf16> -> vector<16xf32>
        %unpack3A_437 = tpu.unpack_subelements %max3A_435, 1 {pack_format = #tpu.pack_format<interleaved>} : vector<32xbf16> -> vector<16xf32>
        %mul3A_438 = arith.mulf %unpack3A_436, %get3A_25 : vector<16xf32>
        %add3A_439 = arith.addf %add3A_419, %mul3A_438 : vector<16xf32>
        %mul3A_440 = arith.mulf %unpack3A_437, %get3A_57 : vector<16xf32>
        %add3A_441 = arith.addf %add3A_421, %mul3A_440 : vector<16xf32>
        %get3A_442 = arith.constant 0 : i32
        %get3A_443 = arith.index_cast %get3A_442 : i32 to index
        %get3A_444 = arith.index_cast %add3A_220 : i32 to index
        %get3A_445 = arith.constant 352 : index
        %get3A_446 = tpu.vector_load %arg11[%get3A_443, %get3A_444, %get3A_445] {strides = array<i32>} : memref<2x32x512xbf16, #tpu.memory_space<vmem>>, vector<32xbf16>,
        %get3A_447 = arith.constant 0 : i32
        %get3A_448 = arith.index_cast %get3A_447 : i32 to index
        %get3A_449 = arith.index_cast %add3A_220 : i32 to index
        %get3A_450 = arith.constant 352 : index
        %get3A_451 = tpu.vector_load %arg12[%get3A_448, %get3A_449, %get3A_450] {strides = array<i32>} : memref<2x32x512xbf16, #tpu.memory_space<vmem>>, vector<32xbf16>,
        %add3A_452 = arith.addf %get3A_446, %get3A_451 : vector<32xbf16>
        %max3A_453 = arith.constant 0.000000e+00 : bf16
        %max3A_454 = vector.broadcast %max3A_453 : bf16 to vector<32xbf16>
        %max3A_455 = arith.maximumf %add3A_452, %max3A_454 : vector<32xbf16>
        %unpack3A_456 = tpu.unpack_subelements %max3A_455, 0 {pack_format = #tpu.pack_format<interleaved>} : vector<32xbf16> -> vector<16xf32>
        %unpack3A_457 = tpu.unpack_subelements %max3A_455, 1 {pack_format = #tpu.pack_format<interleaved>} : vector<32xbf16> -> vector<16xf32>
        %mul3A_458 = arith.mulf %unpack3A_456, %get3A_27 : vector<16xf32>
        %add3A_459 = arith.addf %add3A_439, %mul3A_458 : vector<16xf32>
        %mul3A_460 = arith.mulf %unpack3A_457, %get3A_59 : vector<16xf32>
        %add3A_461 = arith.addf %add3A_441, %mul3A_460 : vector<16xf32>
        %get3A_462 = arith.constant 0 : i32
        %get3A_463 = arith.index_cast %get3A_462 : i32 to index
        %get3A_464 = arith.index_cast %add3A_220 : i32 to index
        %get3A_465 = arith.constant 384 : index
        %get3A_466 = tpu.vector_load %arg11[%get3A_463, %get3A_464, %get3A_465] {strides = array<i32>} : memref<2x32x512xbf16, #tpu.memory_space<vmem>>, vector<32xbf16>,
        %get3A_467 = arith.constant 0 : i32
        %get3A_468 = arith.index_cast %get3A_467 : i32 to index
        %get3A_469 = arith.index_cast %add3A_220 : i32 to index
        %get3A_470 = arith.constant 384 : index
        %get3A_471 = tpu.vector_load %arg12[%get3A_468, %get3A_469, %get3A_470] {strides = array<i32>} : memref<2x32x512xbf16, #tpu.memory_space<vmem>>, vector<32xbf16>,
        %add3A_472 = arith.addf %get3A_466, %get3A_471 : vector<32xbf16>
        %max3A_473 = arith.constant 0.000000e+00 : bf16
        %max3A_474 = vector.broadcast %max3A_473 : bf16 to vector<32xbf16>
        %max3A_475 = arith.maximumf %add3A_472, %max3A_474 : vector<32xbf16>
        %unpack3A_476 = tpu.unpack_subelements %max3A_475, 0 {pack_format = #tpu.pack_format<interleaved>} : vector<32xbf16> -> vector<16xf32>
        %unpack3A_477 = tpu.unpack_subelements %max3A_475, 1 {pack_format = #tpu.pack_format<interleaved>} : vector<32xbf16> -> vector<16xf32>
        %mul3A_478 = arith.mulf %unpack3A_476, %get3A_29 : vector<16xf32>
        %add3A_479 = arith.addf %add3A_459, %mul3A_478 : vector<16xf32>
        %mul3A_480 = arith.mulf %unpack3A_477, %get3A_61 : vector<16xf32>
        %add3A_481 = arith.addf %add3A_461, %mul3A_480 : vector<16xf32>
        %get3A_482 = arith.constant 0 : i32
        %get3A_483 = arith.index_cast %get3A_482 : i32 to index
        %get3A_484 = arith.index_cast %add3A_220 : i32 to index
        %get3A_485 = arith.constant 416 : index
        %get3A_486 = tpu.vector_load %arg11[%get3A_483, %get3A_484, %get3A_485] {strides = array<i32>} : memref<2x32x512xbf16, #tpu.memory_space<vmem>>, vector<32xbf16>,
        %get3A_487 = arith.constant 0 : i32
        %get3A_488 = arith.index_cast %get3A_487 : i32 to index
        %get3A_489 = arith.index_cast %add3A_220 : i32 to index
        %get3A_490 = arith.constant 416 : index
        %get3A_491 = tpu.vector_load %arg12[%get3A_488, %get3A_489, %get3A_490] {strides = array<i32>} : memref<2x32x512xbf16, #tpu.memory_space<vmem>>, vector<32xbf16>,
        %add3A_492 = arith.addf %get3A_486, %get3A_491 : vector<32xbf16>
        %max3A_493 = arith.constant 0.000000e+00 : bf16
        %max3A_494 = vector.broadcast %max3A_493 : bf16 to vector<32xbf16>
        %max3A_495 = arith.maximumf %add3A_492, %max3A_494 : vector<32xbf16>
        %unpack3A_496 = tpu.unpack_subelements %max3A_495, 0 {pack_format = #tpu.pack_format<interleaved>} : vector<32xbf16> -> vector<16xf32>
        %unpack3A_497 = tpu.unpack_subelements %max3A_495, 1 {pack_format = #tpu.pack_format<interleaved>} : vector<32xbf16> -> vector<16xf32>
        %mul3A_498 = arith.mulf %unpack3A_496, %get3A_31 : vector<16xf32>
        %add3A_499 = arith.addf %add3A_479, %mul3A_498 : vector<16xf32>
        %mul3A_500 = arith.mulf %unpack3A_497, %get3A_63 : vector<16xf32>
        %add3A_501 = arith.addf %add3A_481, %mul3A_500 : vector<16xf32>
        %get3A_502 = arith.constant 0 : i32
        %get3A_503 = arith.index_cast %get3A_502 : i32 to index
        %get3A_504 = arith.index_cast %add3A_220 : i32 to index
        %get3A_505 = arith.constant 448 : index
        %get3A_506 = tpu.vector_load %arg11[%get3A_503, %get3A_504, %get3A_505] {strides = array<i32>} : memref<2x32x512xbf16, #tpu.memory_space<vmem>>, vector<32xbf16>,
        %get3A_507 = arith.constant 0 : i32
        %get3A_508 = arith.index_cast %get3A_507 : i32 to index
        %get3A_509 = arith.index_cast %add3A_220 : i32 to index
        %get3A_510 = arith.constant 448 : index
        %get3A_511 = tpu.vector_load %arg12[%get3A_508, %get3A_509, %get3A_510] {strides = array<i32>} : memref<2x32x512xbf16, #tpu.memory_space<vmem>>, vector<32xbf16>,
        %add3A_512 = arith.addf %get3A_506, %get3A_511 : vector<32xbf16>
        %max3A_513 = arith.constant 0.000000e+00 : bf16
        %max3A_514 = vector.broadcast %max3A_513 : bf16 to vector<32xbf16>
        %max3A_515 = arith.maximumf %add3A_512, %max3A_514 : vector<32xbf16>
        %unpack3A_516 = tpu.unpack_subelements %max3A_515, 0 {pack_format = #tpu.pack_format<interleaved>} : vector<32xbf16> -> vector<16xf32>
        %unpack3A_517 = tpu.unpack_subelements %max3A_515, 1 {pack_format = #tpu.pack_format<interleaved>} : vector<32xbf16> -> vector<16xf32>
        %mul3A_518 = arith.mulf %unpack3A_516, %get3A_33 : vector<16xf32>
        %add3A_519 = arith.addf %add3A_499, %mul3A_518 : vector<16xf32>
        %mul3A_520 = arith.mulf %unpack3A_517, %get3A_65 : vector<16xf32>
        %add3A_521 = arith.addf %add3A_501, %mul3A_520 : vector<16xf32>
        %get3A_522 = arith.constant 0 : i32
        %get3A_523 = arith.index_cast %get3A_522 : i32 to index
        %get3A_524 = arith.index_cast %add3A_220 : i32 to index
        %get3A_525 = arith.constant 480 : index
        %get3A_526 = tpu.vector_load %arg11[%get3A_523, %get3A_524, %get3A_525] {strides = array<i32>} : memref<2x32x512xbf16, #tpu.memory_space<vmem>>, vector<32xbf16>,
        %get3A_527 = arith.constant 0 : i32
        %get3A_528 = arith.index_cast %get3A_527 : i32 to index
        %get3A_529 = arith.index_cast %add3A_220 : i32 to index
        %get3A_530 = arith.constant 480 : index
        %get3A_531 = tpu.vector_load %arg12[%get3A_528, %get3A_529, %get3A_530] {strides = array<i32>} : memref<2x32x512xbf16, #tpu.memory_space<vmem>>, vector<32xbf16>,
        %add3A_532 = arith.addf %get3A_526, %get3A_531 : vector<32xbf16>
        %max3A_533 = arith.constant 0.000000e+00 : bf16
        %max3A_534 = vector.broadcast %max3A_533 : bf16 to vector<32xbf16>
        %max3A_535 = arith.maximumf %add3A_532, %max3A_534 : vector<32xbf16>
        %unpack3A_536 = tpu.unpack_subelements %max3A_535, 0 {pack_format = #tpu.pack_format<interleaved>} : vector<32xbf16> -> vector<16xf32>
        %unpack3A_537 = tpu.unpack_subelements %max3A_535, 1 {pack_format = #tpu.pack_format<interleaved>} : vector<32xbf16> -> vector<16xf32>
        %mul3A_538 = arith.mulf %unpack3A_536, %get3A_35 : vector<16xf32>
        %add3A_539 = arith.addf %add3A_519, %mul3A_538 : vector<16xf32>
        %mul3A_540 = arith.mulf %unpack3A_537, %get3A_67 : vector<16xf32>
        %add3A_541 = arith.addf %add3A_521, %mul3A_540 : vector<16xf32>
        %add3A_542 = arith.addf %add3A_539, %add3A_541 : vector<16xf32>
        %reduce_sum3A = arith.constant true
        %reduce_sum3A_543 = vector.broadcast %reduce_sum3A : i1 to vector<16xi1>
        %reduce_sum3A_544 = tpu.scan <sum>, %add3A_542 masked %reduce_sum3A_543 : vector<16xf32>, vector<16xi1> -> vector<16xf32>
        %reduce_sum3A_545 = vector.extract %reduce_sum3A_544[15] : f32 from vector<16xf32>
        %eq3A = vector.broadcast %scan3A_217 : i32 to vector<16xi32>
        %eq3A_546 = arith.cmpi eq, %iota3A, %eq3A : vector<16xi32>
        %broadcast_in_dim3A_547 = vector.broadcast %reduce_sum3A_545 : f32 to vector<16xf32>
        %select_n3A = arith.select %eq3A_546, %broadcast_in_dim3A_547, %scan3A_218 : vector<16xi1>, vector<16xf32>
        scf.yield %select_n3A : vector<16xf32>
      }
      %scan3A_144 = arith.constant 16 : i32
      %add3A_145 = arith.constant 0 : i32
      %add3A_146 = arith.addi %multiple_of3A_138, %add3A_145 : i32
      %swap3A = arith.index_cast %add3A_146 : i32 to index
      %swap3A_147 = tpu.vector_load %arg16[%swap3A] {strides = array<i32>} : memref<5056xf32, #tpu.memory_space<vmem>>, vector<16xf32>,
      tpu.vector_store %arg16[%swap3A], %scan3A_143 {strides = array<i32>} : memref<5056xf32, #tpu.memory_space<vmem>>, vector<16xf32>,
      %scan3A_148 = arith.constant 0 : i32
      %scan3A_149 = arith.constant 16 : i32
      %scan3A_150 = arith.addi %scan3A_148, %scan3A_149 : i32
      %scan3A_151 = arith.constant 1 : i32
      %scan3A_152 = scf.for %scan3A_217 = %scan3A_148 to %scan3A_150 step %scan3A_151 iter_args(%scan3A_218 = %get3A_3) -> (vector<16xf32>)  : i32 {
        %add3A_219 = arith.constant 16 : i32
        %add3A_220 = arith.addi %add3A_219, %scan3A_217 : i32
        %broadcast_in_dim3A = arith.constant 0.000000e+00 : f32
        %broadcast_in_dim3A_221 = vector.broadcast %broadcast_in_dim3A : f32 to vector<16xf32>
        %broadcast_in_dim3A_222 = arith.constant 0.000000e+00 : f32
        %broadcast_in_dim3A_223 = vector.broadcast %broadcast_in_dim3A_222 : f32 to vector<16xf32>
        %get3A_224 = arith.constant 0 : i32
        %get3A_225 = arith.index_cast %get3A_224 : i32 to index
        %get3A_226 = arith.index_cast %add3A_220 : i32 to index
        %get3A_227 = arith.constant 0 : index
        %get3A_228 = tpu.vector_load %arg11[%get3A_225, %get3A_226, %get3A_227] {strides = array<i32>} : memref<2x32x512xbf16, #tpu.memory_space<vmem>>, vector<32xbf16>,
        %get3A_229 = arith.constant 0 : i32
        %get3A_230 = arith.index_cast %get3A_229 : i32 to index
        %get3A_231 = arith.index_cast %add3A_220 : i32 to index
        %get3A_232 = arith.constant 0 : index
        %get3A_233 = tpu.vector_load %arg12[%get3A_230, %get3A_231, %get3A_232] {strides = array<i32>} : memref<2x32x512xbf16, #tpu.memory_space<vmem>>, vector<32xbf16>,
        %add3A_234 = arith.addf %get3A_228, %get3A_233 : vector<32xbf16>
        %max3A = arith.constant 0.000000e+00 : bf16
        %max3A_235 = vector.broadcast %max3A : bf16 to vector<32xbf16>
        %max3A_236 = arith.maximumf %add3A_234, %max3A_235 : vector<32xbf16>
        %unpack3A = tpu.unpack_subelements %max3A_236, 0 {pack_format = #tpu.pack_format<interleaved>} : vector<32xbf16> -> vector<16xf32>
        %unpack3A_237 = tpu.unpack_subelements %max3A_236, 1 {pack_format = #tpu.pack_format<interleaved>} : vector<32xbf16> -> vector<16xf32>
        %mul3A_238 = arith.mulf %unpack3A, %get3A_5 : vector<16xf32>
        %add3A_239 = arith.addf %broadcast_in_dim3A_221, %mul3A_238 : vector<16xf32>
        %mul3A_240 = arith.mulf %unpack3A_237, %get3A_37 : vector<16xf32>
        %add3A_241 = arith.addf %broadcast_in_dim3A_223, %mul3A_240 : vector<16xf32>
        %get3A_242 = arith.constant 0 : i32
        %get3A_243 = arith.index_cast %get3A_242 : i32 to index
        %get3A_244 = arith.index_cast %add3A_220 : i32 to index
        %get3A_245 = arith.constant 32 : index
        %get3A_246 = tpu.vector_load %arg11[%get3A_243, %get3A_244, %get3A_245] {strides = array<i32>} : memref<2x32x512xbf16, #tpu.memory_space<vmem>>, vector<32xbf16>,
        %get3A_247 = arith.constant 0 : i32
        %get3A_248 = arith.index_cast %get3A_247 : i32 to index
        %get3A_249 = arith.index_cast %add3A_220 : i32 to index
        %get3A_250 = arith.constant 32 : index
        %get3A_251 = tpu.vector_load %arg12[%get3A_248, %get3A_249, %get3A_250] {strides = array<i32>} : memref<2x32x512xbf16, #tpu.memory_space<vmem>>, vector<32xbf16>,
        %add3A_252 = arith.addf %get3A_246, %get3A_251 : vector<32xbf16>
        %max3A_253 = arith.constant 0.000000e+00 : bf16
        %max3A_254 = vector.broadcast %max3A_253 : bf16 to vector<32xbf16>
        %max3A_255 = arith.maximumf %add3A_252, %max3A_254 : vector<32xbf16>
        %unpack3A_256 = tpu.unpack_subelements %max3A_255, 0 {pack_format = #tpu.pack_format<interleaved>} : vector<32xbf16> -> vector<16xf32>
        %unpack3A_257 = tpu.unpack_subelements %max3A_255, 1 {pack_format = #tpu.pack_format<interleaved>} : vector<32xbf16> -> vector<16xf32>
        %mul3A_258 = arith.mulf %unpack3A_256, %get3A_7 : vector<16xf32>
        %add3A_259 = arith.addf %add3A_239, %mul3A_258 : vector<16xf32>
        %mul3A_260 = arith.mulf %unpack3A_257, %get3A_39 : vector<16xf32>
        %add3A_261 = arith.addf %add3A_241, %mul3A_260 : vector<16xf32>
        %get3A_262 = arith.constant 0 : i32
        %get3A_263 = arith.index_cast %get3A_262 : i32 to index
        %get3A_264 = arith.index_cast %add3A_220 : i32 to index
        %get3A_265 = arith.constant 64 : index
        %get3A_266 = tpu.vector_load %arg11[%get3A_263, %get3A_264, %get3A_265] {strides = array<i32>} : memref<2x32x512xbf16, #tpu.memory_space<vmem>>, vector<32xbf16>,
        %get3A_267 = arith.constant 0 : i32
        %get3A_268 = arith.index_cast %get3A_267 : i32 to index
        %get3A_269 = arith.index_cast %add3A_220 : i32 to index
        %get3A_270 = arith.constant 64 : index
        %get3A_271 = tpu.vector_load %arg12[%get3A_268, %get3A_269, %get3A_270] {strides = array<i32>} : memref<2x32x512xbf16, #tpu.memory_space<vmem>>, vector<32xbf16>,
        %add3A_272 = arith.addf %get3A_266, %get3A_271 : vector<32xbf16>
        %max3A_273 = arith.constant 0.000000e+00 : bf16
        %max3A_274 = vector.broadcast %max3A_273 : bf16 to vector<32xbf16>
        %max3A_275 = arith.maximumf %add3A_272, %max3A_274 : vector<32xbf16>
        %unpack3A_276 = tpu.unpack_subelements %max3A_275, 0 {pack_format = #tpu.pack_format<interleaved>} : vector<32xbf16> -> vector<16xf32>
        %unpack3A_277 = tpu.unpack_subelements %max3A_275, 1 {pack_format = #tpu.pack_format<interleaved>} : vector<32xbf16> -> vector<16xf32>
        %mul3A_278 = arith.mulf %unpack3A_276, %get3A_9 : vector<16xf32>
        %add3A_279 = arith.addf %add3A_259, %mul3A_278 : vector<16xf32>
        %mul3A_280 = arith.mulf %unpack3A_277, %get3A_41 : vector<16xf32>
        %add3A_281 = arith.addf %add3A_261, %mul3A_280 : vector<16xf32>
        %get3A_282 = arith.constant 0 : i32
        %get3A_283 = arith.index_cast %get3A_282 : i32 to index
        %get3A_284 = arith.index_cast %add3A_220 : i32 to index
        %get3A_285 = arith.constant 96 : index
        %get3A_286 = tpu.vector_load %arg11[%get3A_283, %get3A_284, %get3A_285] {strides = array<i32>} : memref<2x32x512xbf16, #tpu.memory_space<vmem>>, vector<32xbf16>,
        %get3A_287 = arith.constant 0 : i32
        %get3A_288 = arith.index_cast %get3A_287 : i32 to index
        %get3A_289 = arith.index_cast %add3A_220 : i32 to index
        %get3A_290 = arith.constant 96 : index
        %get3A_291 = tpu.vector_load %arg12[%get3A_288, %get3A_289, %get3A_290] {strides = array<i32>} : memref<2x32x512xbf16, #tpu.memory_space<vmem>>, vector<32xbf16>,
        %add3A_292 = arith.addf %get3A_286, %get3A_291 : vector<32xbf16>
        %max3A_293 = arith.constant 0.000000e+00 : bf16
        %max3A_294 = vector.broadcast %max3A_293 : bf16 to vector<32xbf16>
        %max3A_295 = arith.maximumf %add3A_292, %max3A_294 : vector<32xbf16>
        %unpack3A_296 = tpu.unpack_subelements %max3A_295, 0 {pack_format = #tpu.pack_format<interleaved>} : vector<32xbf16> -> vector<16xf32>
        %unpack3A_297 = tpu.unpack_subelements %max3A_295, 1 {pack_format = #tpu.pack_format<interleaved>} : vector<32xbf16> -> vector<16xf32>
        %mul3A_298 = arith.mulf %unpack3A_296, %get3A_11 : vector<16xf32>
        %add3A_299 = arith.addf %add3A_279, %mul3A_298 : vector<16xf32>
        %mul3A_300 = arith.mulf %unpack3A_297, %get3A_43 : vector<16xf32>
        %add3A_301 = arith.addf %add3A_281, %mul3A_300 : vector<16xf32>
        %get3A_302 = arith.constant 0 : i32
        %get3A_303 = arith.index_cast %get3A_302 : i32 to index
        %get3A_304 = arith.index_cast %add3A_220 : i32 to index
        %get3A_305 = arith.constant 128 : index
        %get3A_306 = tpu.vector_load %arg11[%get3A_303, %get3A_304, %get3A_305] {strides = array<i32>} : memref<2x32x512xbf16, #tpu.memory_space<vmem>>, vector<32xbf16>,
        %get3A_307 = arith.constant 0 : i32
        %get3A_308 = arith.index_cast %get3A_307 : i32 to index
        %get3A_309 = arith.index_cast %add3A_220 : i32 to index
        %get3A_310 = arith.constant 128 : index
        %get3A_311 = tpu.vector_load %arg12[%get3A_308, %get3A_309, %get3A_310] {strides = array<i32>} : memref<2x32x512xbf16, #tpu.memory_space<vmem>>, vector<32xbf16>,
        %add3A_312 = arith.addf %get3A_306, %get3A_311 : vector<32xbf16>
        %max3A_313 = arith.constant 0.000000e+00 : bf16
        %max3A_314 = vector.broadcast %max3A_313 : bf16 to vector<32xbf16>
        %max3A_315 = arith.maximumf %add3A_312, %max3A_314 : vector<32xbf16>
        %unpack3A_316 = tpu.unpack_subelements %max3A_315, 0 {pack_format = #tpu.pack_format<interleaved>} : vector<32xbf16> -> vector<16xf32>
        %unpack3A_317 = tpu.unpack_subelements %max3A_315, 1 {pack_format = #tpu.pack_format<interleaved>} : vector<32xbf16> -> vector<16xf32>
        %mul3A_318 = arith.mulf %unpack3A_316, %get3A_13 : vector<16xf32>
        %add3A_319 = arith.addf %add3A_299, %mul3A_318 : vector<16xf32>
        %mul3A_320 = arith.mulf %unpack3A_317, %get3A_45 : vector<16xf32>
        %add3A_321 = arith.addf %add3A_301, %mul3A_320 : vector<16xf32>
        %get3A_322 = arith.constant 0 : i32
        %get3A_323 = arith.index_cast %get3A_322 : i32 to index
        %get3A_324 = arith.index_cast %add3A_220 : i32 to index
        %get3A_325 = arith.constant 160 : index
        %get3A_326 = tpu.vector_load %arg11[%get3A_323, %get3A_324, %get3A_325] {strides = array<i32>} : memref<2x32x512xbf16, #tpu.memory_space<vmem>>, vector<32xbf16>,
        %get3A_327 = arith.constant 0 : i32
        %get3A_328 = arith.index_cast %get3A_327 : i32 to index
        %get3A_329 = arith.index_cast %add3A_220 : i32 to index
        %get3A_330 = arith.constant 160 : index
        %get3A_331 = tpu.vector_load %arg12[%get3A_328, %get3A_329, %get3A_330] {strides = array<i32>} : memref<2x32x512xbf16, #tpu.memory_space<vmem>>, vector<32xbf16>,
        %add3A_332 = arith.addf %get3A_326, %get3A_331 : vector<32xbf16>
        %max3A_333 = arith.constant 0.000000e+00 : bf16
        %max3A_334 = vector.broadcast %max3A_333 : bf16 to vector<32xbf16>
        %max3A_335 = arith.maximumf %add3A_332, %max3A_334 : vector<32xbf16>
        %unpack3A_336 = tpu.unpack_subelements %max3A_335, 0 {pack_format = #tpu.pack_format<interleaved>} : vector<32xbf16> -> vector<16xf32>
        %unpack3A_337 = tpu.unpack_subelements %max3A_335, 1 {pack_format = #tpu.pack_format<interleaved>} : vector<32xbf16> -> vector<16xf32>
        %mul3A_338 = arith.mulf %unpack3A_336, %get3A_15 : vector<16xf32>
        %add3A_339 = arith.addf %add3A_319, %mul3A_338 : vector<16xf32>
        %mul3A_340 = arith.mulf %unpack3A_337, %get3A_47 : vector<16xf32>
        %add3A_341 = arith.addf %add3A_321, %mul3A_340 : vector<16xf32>
        %get3A_342 = arith.constant 0 : i32
        %get3A_343 = arith.index_cast %get3A_342 : i32 to index
        %get3A_344 = arith.index_cast %add3A_220 : i32 to index
        %get3A_345 = arith.constant 192 : index
        %get3A_346 = tpu.vector_load %arg11[%get3A_343, %get3A_344, %get3A_345] {strides = array<i32>} : memref<2x32x512xbf16, #tpu.memory_space<vmem>>, vector<32xbf16>,
        %get3A_347 = arith.constant 0 : i32
        %get3A_348 = arith.index_cast %get3A_347 : i32 to index
        %get3A_349 = arith.index_cast %add3A_220 : i32 to index
        %get3A_350 = arith.constant 192 : index
        %get3A_351 = tpu.vector_load %arg12[%get3A_348, %get3A_349, %get3A_350] {strides = array<i32>} : memref<2x32x512xbf16, #tpu.memory_space<vmem>>, vector<32xbf16>,
        %add3A_352 = arith.addf %get3A_346, %get3A_351 : vector<32xbf16>
        %max3A_353 = arith.constant 0.000000e+00 : bf16
        %max3A_354 = vector.broadcast %max3A_353 : bf16 to vector<32xbf16>
        %max3A_355 = arith.maximumf %add3A_352, %max3A_354 : vector<32xbf16>
        %unpack3A_356 = tpu.unpack_subelements %max3A_355, 0 {pack_format = #tpu.pack_format<interleaved>} : vector<32xbf16> -> vector<16xf32>
        %unpack3A_357 = tpu.unpack_subelements %max3A_355, 1 {pack_format = #tpu.pack_format<interleaved>} : vector<32xbf16> -> vector<16xf32>
        %mul3A_358 = arith.mulf %unpack3A_356, %get3A_17 : vector<16xf32>
        %add3A_359 = arith.addf %add3A_339, %mul3A_358 : vector<16xf32>
        %mul3A_360 = arith.mulf %unpack3A_357, %get3A_49 : vector<16xf32>
        %add3A_361 = arith.addf %add3A_341, %mul3A_360 : vector<16xf32>
        %get3A_362 = arith.constant 0 : i32
        %get3A_363 = arith.index_cast %get3A_362 : i32 to index
        %get3A_364 = arith.index_cast %add3A_220 : i32 to index
        %get3A_365 = arith.constant 224 : index
        %get3A_366 = tpu.vector_load %arg11[%get3A_363, %get3A_364, %get3A_365] {strides = array<i32>} : memref<2x32x512xbf16, #tpu.memory_space<vmem>>, vector<32xbf16>,
        %get3A_367 = arith.constant 0 : i32
        %get3A_368 = arith.index_cast %get3A_367 : i32 to index
        %get3A_369 = arith.index_cast %add3A_220 : i32 to index
        %get3A_370 = arith.constant 224 : index
        %get3A_371 = tpu.vector_load %arg12[%get3A_368, %get3A_369, %get3A_370] {strides = array<i32>} : memref<2x32x512xbf16, #tpu.memory_space<vmem>>, vector<32xbf16>,
        %add3A_372 = arith.addf %get3A_366, %get3A_371 : vector<32xbf16>
        %max3A_373 = arith.constant 0.000000e+00 : bf16
        %max3A_374 = vector.broadcast %max3A_373 : bf16 to vector<32xbf16>
        %max3A_375 = arith.maximumf %add3A_372, %max3A_374 : vector<32xbf16>
        %unpack3A_376 = tpu.unpack_subelements %max3A_375, 0 {pack_format = #tpu.pack_format<interleaved>} : vector<32xbf16> -> vector<16xf32>
        %unpack3A_377 = tpu.unpack_subelements %max3A_375, 1 {pack_format = #tpu.pack_format<interleaved>} : vector<32xbf16> -> vector<16xf32>
        %mul3A_378 = arith.mulf %unpack3A_376, %get3A_19 : vector<16xf32>
        %add3A_379 = arith.addf %add3A_359, %mul3A_378 : vector<16xf32>
        %mul3A_380 = arith.mulf %unpack3A_377, %get3A_51 : vector<16xf32>
        %add3A_381 = arith.addf %add3A_361, %mul3A_380 : vector<16xf32>
        %get3A_382 = arith.constant 0 : i32
        %get3A_383 = arith.index_cast %get3A_382 : i32 to index
        %get3A_384 = arith.index_cast %add3A_220 : i32 to index
        %get3A_385 = arith.constant 256 : index
        %get3A_386 = tpu.vector_load %arg11[%get3A_383, %get3A_384, %get3A_385] {strides = array<i32>} : memref<2x32x512xbf16, #tpu.memory_space<vmem>>, vector<32xbf16>,
        %get3A_387 = arith.constant 0 : i32
        %get3A_388 = arith.index_cast %get3A_387 : i32 to index
        %get3A_389 = arith.index_cast %add3A_220 : i32 to index
        %get3A_390 = arith.constant 256 : index
        %get3A_391 = tpu.vector_load %arg12[%get3A_388, %get3A_389, %get3A_390] {strides = array<i32>} : memref<2x32x512xbf16, #tpu.memory_space<vmem>>, vector<32xbf16>,
        %add3A_392 = arith.addf %get3A_386, %get3A_391 : vector<32xbf16>
        %max3A_393 = arith.constant 0.000000e+00 : bf16
        %max3A_394 = vector.broadcast %max3A_393 : bf16 to vector<32xbf16>
        %max3A_395 = arith.maximumf %add3A_392, %max3A_394 : vector<32xbf16>
        %unpack3A_396 = tpu.unpack_subelements %max3A_395, 0 {pack_format = #tpu.pack_format<interleaved>} : vector<32xbf16> -> vector<16xf32>
        %unpack3A_397 = tpu.unpack_subelements %max3A_395, 1 {pack_format = #tpu.pack_format<interleaved>} : vector<32xbf16> -> vector<16xf32>
        %mul3A_398 = arith.mulf %unpack3A_396, %get3A_21 : vector<16xf32>
        %add3A_399 = arith.addf %add3A_379, %mul3A_398 : vector<16xf32>
        %mul3A_400 = arith.mulf %unpack3A_397, %get3A_53 : vector<16xf32>
        %add3A_401 = arith.addf %add3A_381, %mul3A_400 : vector<16xf32>
        %get3A_402 = arith.constant 0 : i32
        %get3A_403 = arith.index_cast %get3A_402 : i32 to index
        %get3A_404 = arith.index_cast %add3A_220 : i32 to index
        %get3A_405 = arith.constant 288 : index
        %get3A_406 = tpu.vector_load %arg11[%get3A_403, %get3A_404, %get3A_405] {strides = array<i32>} : memref<2x32x512xbf16, #tpu.memory_space<vmem>>, vector<32xbf16>,
        %get3A_407 = arith.constant 0 : i32
        %get3A_408 = arith.index_cast %get3A_407 : i32 to index
        %get3A_409 = arith.index_cast %add3A_220 : i32 to index
        %get3A_410 = arith.constant 288 : index
        %get3A_411 = tpu.vector_load %arg12[%get3A_408, %get3A_409, %get3A_410] {strides = array<i32>} : memref<2x32x512xbf16, #tpu.memory_space<vmem>>, vector<32xbf16>,
        %add3A_412 = arith.addf %get3A_406, %get3A_411 : vector<32xbf16>
        %max3A_413 = arith.constant 0.000000e+00 : bf16
        %max3A_414 = vector.broadcast %max3A_413 : bf16 to vector<32xbf16>
        %max3A_415 = arith.maximumf %add3A_412, %max3A_414 : vector<32xbf16>
        %unpack3A_416 = tpu.unpack_subelements %max3A_415, 0 {pack_format = #tpu.pack_format<interleaved>} : vector<32xbf16> -> vector<16xf32>
        %unpack3A_417 = tpu.unpack_subelements %max3A_415, 1 {pack_format = #tpu.pack_format<interleaved>} : vector<32xbf16> -> vector<16xf32>
        %mul3A_418 = arith.mulf %unpack3A_416, %get3A_23 : vector<16xf32>
        %add3A_419 = arith.addf %add3A_399, %mul3A_418 : vector<16xf32>
        %mul3A_420 = arith.mulf %unpack3A_417, %get3A_55 : vector<16xf32>
        %add3A_421 = arith.addf %add3A_401, %mul3A_420 : vector<16xf32>
        %get3A_422 = arith.constant 0 : i32
        %get3A_423 = arith.index_cast %get3A_422 : i32 to index
        %get3A_424 = arith.index_cast %add3A_220 : i32 to index
        %get3A_425 = arith.constant 320 : index
        %get3A_426 = tpu.vector_load %arg11[%get3A_423, %get3A_424, %get3A_425] {strides = array<i32>} : memref<2x32x512xbf16, #tpu.memory_space<vmem>>, vector<32xbf16>,
        %get3A_427 = arith.constant 0 : i32
        %get3A_428 = arith.index_cast %get3A_427 : i32 to index
        %get3A_429 = arith.index_cast %add3A_220 : i32 to index
        %get3A_430 = arith.constant 320 : index
        %get3A_431 = tpu.vector_load %arg12[%get3A_428, %get3A_429, %get3A_430] {strides = array<i32>} : memref<2x32x512xbf16, #tpu.memory_space<vmem>>, vector<32xbf16>,
        %add3A_432 = arith.addf %get3A_426, %get3A_431 : vector<32xbf16>
        %max3A_433 = arith.constant 0.000000e+00 : bf16
        %max3A_434 = vector.broadcast %max3A_433 : bf16 to vector<32xbf16>
        %max3A_435 = arith.maximumf %add3A_432, %max3A_434 : vector<32xbf16>
        %unpack3A_436 = tpu.unpack_subelements %max3A_435, 0 {pack_format = #tpu.pack_format<interleaved>} : vector<32xbf16> -> vector<16xf32>
        %unpack3A_437 = tpu.unpack_subelements %max3A_435, 1 {pack_format = #tpu.pack_format<interleaved>} : vector<32xbf16> -> vector<16xf32>
        %mul3A_438 = arith.mulf %unpack3A_436, %get3A_25 : vector<16xf32>
        %add3A_439 = arith.addf %add3A_419, %mul3A_438 : vector<16xf32>
        %mul3A_440 = arith.mulf %unpack3A_437, %get3A_57 : vector<16xf32>
        %add3A_441 = arith.addf %add3A_421, %mul3A_440 : vector<16xf32>
        %get3A_442 = arith.constant 0 : i32
        %get3A_443 = arith.index_cast %get3A_442 : i32 to index
        %get3A_444 = arith.index_cast %add3A_220 : i32 to index
        %get3A_445 = arith.constant 352 : index
        %get3A_446 = tpu.vector_load %arg11[%get3A_443, %get3A_444, %get3A_445] {strides = array<i32>} : memref<2x32x512xbf16, #tpu.memory_space<vmem>>, vector<32xbf16>,
        %get3A_447 = arith.constant 0 : i32
        %get3A_448 = arith.index_cast %get3A_447 : i32 to index
        %get3A_449 = arith.index_cast %add3A_220 : i32 to index
        %get3A_450 = arith.constant 352 : index
        %get3A_451 = tpu.vector_load %arg12[%get3A_448, %get3A_449, %get3A_450] {strides = array<i32>} : memref<2x32x512xbf16, #tpu.memory_space<vmem>>, vector<32xbf16>,
        %add3A_452 = arith.addf %get3A_446, %get3A_451 : vector<32xbf16>
        %max3A_453 = arith.constant 0.000000e+00 : bf16
        %max3A_454 = vector.broadcast %max3A_453 : bf16 to vector<32xbf16>
        %max3A_455 = arith.maximumf %add3A_452, %max3A_454 : vector<32xbf16>
        %unpack3A_456 = tpu.unpack_subelements %max3A_455, 0 {pack_format = #tpu.pack_format<interleaved>} : vector<32xbf16> -> vector<16xf32>
        %unpack3A_457 = tpu.unpack_subelements %max3A_455, 1 {pack_format = #tpu.pack_format<interleaved>} : vector<32xbf16> -> vector<16xf32>
        %mul3A_458 = arith.mulf %unpack3A_456, %get3A_27 : vector<16xf32>
        %add3A_459 = arith.addf %add3A_439, %mul3A_458 : vector<16xf32>
        %mul3A_460 = arith.mulf %unpack3A_457, %get3A_59 : vector<16xf32>
        %add3A_461 = arith.addf %add3A_441, %mul3A_460 : vector<16xf32>
        %get3A_462 = arith.constant 0 : i32
        %get3A_463 = arith.index_cast %get3A_462 : i32 to index
        %get3A_464 = arith.index_cast %add3A_220 : i32 to index
        %get3A_465 = arith.constant 384 : index
        %get3A_466 = tpu.vector_load %arg11[%get3A_463, %get3A_464, %get3A_465] {strides = array<i32>} : memref<2x32x512xbf16, #tpu.memory_space<vmem>>, vector<32xbf16>,
        %get3A_467 = arith.constant 0 : i32
        %get3A_468 = arith.index_cast %get3A_467 : i32 to index
        %get3A_469 = arith.index_cast %add3A_220 : i32 to index
        %get3A_470 = arith.constant 384 : index
        %get3A_471 = tpu.vector_load %arg12[%get3A_468, %get3A_469, %get3A_470] {strides = array<i32>} : memref<2x32x512xbf16, #tpu.memory_space<vmem>>, vector<32xbf16>,
        %add3A_472 = arith.addf %get3A_466, %get3A_471 : vector<32xbf16>
        %max3A_473 = arith.constant 0.000000e+00 : bf16
        %max3A_474 = vector.broadcast %max3A_473 : bf16 to vector<32xbf16>
        %max3A_475 = arith.maximumf %add3A_472, %max3A_474 : vector<32xbf16>
        %unpack3A_476 = tpu.unpack_subelements %max3A_475, 0 {pack_format = #tpu.pack_format<interleaved>} : vector<32xbf16> -> vector<16xf32>
        %unpack3A_477 = tpu.unpack_subelements %max3A_475, 1 {pack_format = #tpu.pack_format<interleaved>} : vector<32xbf16> -> vector<16xf32>
        %mul3A_478 = arith.mulf %unpack3A_476, %get3A_29 : vector<16xf32>
        %add3A_479 = arith.addf %add3A_459, %mul3A_478 : vector<16xf32>
        %mul3A_480 = arith.mulf %unpack3A_477, %get3A_61 : vector<16xf32>
        %add3A_481 = arith.addf %add3A_461, %mul3A_480 : vector<16xf32>
        %get3A_482 = arith.constant 0 : i32
        %get3A_483 = arith.index_cast %get3A_482 : i32 to index
        %get3A_484 = arith.index_cast %add3A_220 : i32 to index
        %get3A_485 = arith.constant 416 : index
        %get3A_486 = tpu.vector_load %arg11[%get3A_483, %get3A_484, %get3A_485] {strides = array<i32>} : memref<2x32x512xbf16, #tpu.memory_space<vmem>>, vector<32xbf16>,
        %get3A_487 = arith.constant 0 : i32
        %get3A_488 = arith.index_cast %get3A_487 : i32 to index
        %get3A_489 = arith.index_cast %add3A_220 : i32 to index
        %get3A_490 = arith.constant 416 : index
        %get3A_491 = tpu.vector_load %arg12[%get3A_488, %get3A_489, %get3A_490] {strides = array<i32>} : memref<2x32x512xbf16, #tpu.memory_space<vmem>>, vector<32xbf16>,
        %add3A_492 = arith.addf %get3A_486, %get3A_491 : vector<32xbf16>
        %max3A_493 = arith.constant 0.000000e+00 : bf16
        %max3A_494 = vector.broadcast %max3A_493 : bf16 to vector<32xbf16>
        %max3A_495 = arith.maximumf %add3A_492, %max3A_494 : vector<32xbf16>
        %unpack3A_496 = tpu.unpack_subelements %max3A_495, 0 {pack_format = #tpu.pack_format<interleaved>} : vector<32xbf16> -> vector<16xf32>
        %unpack3A_497 = tpu.unpack_subelements %max3A_495, 1 {pack_format = #tpu.pack_format<interleaved>} : vector<32xbf16> -> vector<16xf32>
        %mul3A_498 = arith.mulf %unpack3A_496, %get3A_31 : vector<16xf32>
        %add3A_499 = arith.addf %add3A_479, %mul3A_498 : vector<16xf32>
        %mul3A_500 = arith.mulf %unpack3A_497, %get3A_63 : vector<16xf32>
        %add3A_501 = arith.addf %add3A_481, %mul3A_500 : vector<16xf32>
        %get3A_502 = arith.constant 0 : i32
        %get3A_503 = arith.index_cast %get3A_502 : i32 to index
        %get3A_504 = arith.index_cast %add3A_220 : i32 to index
        %get3A_505 = arith.constant 448 : index
        %get3A_506 = tpu.vector_load %arg11[%get3A_503, %get3A_504, %get3A_505] {strides = array<i32>} : memref<2x32x512xbf16, #tpu.memory_space<vmem>>, vector<32xbf16>,
        %get3A_507 = arith.constant 0 : i32
        %get3A_508 = arith.index_cast %get3A_507 : i32 to index
        %get3A_509 = arith.index_cast %add3A_220 : i32 to index
        %get3A_510 = arith.constant 448 : index
        %get3A_511 = tpu.vector_load %arg12[%get3A_508, %get3A_509, %get3A_510] {strides = array<i32>} : memref<2x32x512xbf16, #tpu.memory_space<vmem>>, vector<32xbf16>,
        %add3A_512 = arith.addf %get3A_506, %get3A_511 : vector<32xbf16>
        %max3A_513 = arith.constant 0.000000e+00 : bf16
        %max3A_514 = vector.broadcast %max3A_513 : bf16 to vector<32xbf16>
        %max3A_515 = arith.maximumf %add3A_512, %max3A_514 : vector<32xbf16>
        %unpack3A_516 = tpu.unpack_subelements %max3A_515, 0 {pack_format = #tpu.pack_format<interleaved>} : vector<32xbf16> -> vector<16xf32>
        %unpack3A_517 = tpu.unpack_subelements %max3A_515, 1 {pack_format = #tpu.pack_format<interleaved>} : vector<32xbf16> -> vector<16xf32>
        %mul3A_518 = arith.mulf %unpack3A_516, %get3A_33 : vector<16xf32>
        %add3A_519 = arith.addf %add3A_499, %mul3A_518 : vector<16xf32>
        %mul3A_520 = arith.mulf %unpack3A_517, %get3A_65 : vector<16xf32>
        %add3A_521 = arith.addf %add3A_501, %mul3A_520 : vector<16xf32>
        %get3A_522 = arith.constant 0 : i32
        %get3A_523 = arith.index_cast %get3A_522 : i32 to index
        %get3A_524 = arith.index_cast %add3A_220 : i32 to index
        %get3A_525 = arith.constant 480 : index
        %get3A_526 = tpu.vector_load %arg11[%get3A_523, %get3A_524, %get3A_525] {strides = array<i32>} : memref<2x32x512xbf16, #tpu.memory_space<vmem>>, vector<32xbf16>,
        %get3A_527 = arith.constant 0 : i32
        %get3A_528 = arith.index_cast %get3A_527 : i32 to index
        %get3A_529 = arith.index_cast %add3A_220 : i32 to index
        %get3A_530 = arith.constant 480 : index
        %get3A_531 = tpu.vector_load %arg12[%get3A_528, %get3A_529, %get3A_530] {strides = array<i32>} : memref<2x32x512xbf16, #tpu.memory_space<vmem>>, vector<32xbf16>,
        %add3A_532 = arith.addf %get3A_526, %get3A_531 : vector<32xbf16>
        %max3A_533 = arith.constant 0.000000e+00 : bf16
        %max3A_534 = vector.broadcast %max3A_533 : bf16 to vector<32xbf16>
        %max3A_535 = arith.maximumf %add3A_532, %max3A_534 : vector<32xbf16>
        %unpack3A_536 = tpu.unpack_subelements %max3A_535, 0 {pack_format = #tpu.pack_format<interleaved>} : vector<32xbf16> -> vector<16xf32>
        %unpack3A_537 = tpu.unpack_subelements %max3A_535, 1 {pack_format = #tpu.pack_format<interleaved>} : vector<32xbf16> -> vector<16xf32>
        %mul3A_538 = arith.mulf %unpack3A_536, %get3A_35 : vector<16xf32>
        %add3A_539 = arith.addf %add3A_519, %mul3A_538 : vector<16xf32>
        %mul3A_540 = arith.mulf %unpack3A_537, %get3A_67 : vector<16xf32>
        %add3A_541 = arith.addf %add3A_521, %mul3A_540 : vector<16xf32>
        %add3A_542 = arith.addf %add3A_539, %add3A_541 : vector<16xf32>
        %reduce_sum3A = arith.constant true
        %reduce_sum3A_543 = vector.broadcast %reduce_sum3A : i1 to vector<16xi1>
        %reduce_sum3A_544 = tpu.scan <sum>, %add3A_542 masked %reduce_sum3A_543 : vector<16xf32>, vector<16xi1> -> vector<16xf32>
        %reduce_sum3A_545 = vector.extract %reduce_sum3A_544[15] : f32 from vector<16xf32>
        %eq3A = vector.broadcast %scan3A_217 : i32 to vector<16xi32>
        %eq3A_546 = arith.cmpi eq, %iota3A, %eq3A : vector<16xi32>
        %broadcast_in_dim3A_547 = vector.broadcast %reduce_sum3A_545 : f32 to vector<16xf32>
        %select_n3A = arith.select %eq3A_546, %broadcast_in_dim3A_547, %scan3A_218 : vector<16xi1>, vector<16xf32>
        scf.yield %select_n3A : vector<16xf32>
      }
      %scan3A_153 = arith.constant 16 : i32
      %add3A_154 = arith.constant 16 : i32
      %add3A_155 = arith.addi %multiple_of3A_138, %add3A_154 : i32
      %swap3A_156 = arith.index_cast %add3A_155 : i32 to index
      %swap3A_157 = tpu.vector_load %arg16[%swap3A_156] {strides = array<i32>} : memref<5056xf32, #tpu.memory_space<vmem>>, vector<16xf32>,
      tpu.vector_store %arg16[%swap3A_156], %scan3A_152 {strides = array<i32>} : memref<5056xf32, #tpu.memory_space<vmem>>, vector<16xf32>,
      %add3A_158 = arith.constant 2 : i32
      %add3A_159 = arith.addi %add3A_115, %add3A_158 : i32
      %lt3A = arith.constant 158 : i32
      %lt3A_160 = arith.cmpi slt, %add3A_159, %lt3A : i32
      %convert_element_type3A = arith.extui %lt3A_160 : i1 to i32
      %cond3A = arith.constant 0 : i32
      %cond3A_161 = arith.cmpi ne, %convert_element_type3A, %cond3A : i32
      scf.if %cond3A_161 {
        %add3A_217 = arith.constant 2 : i32
        %add3A_218 = arith.addi %add3A_115, %add3A_217 : i32
        %mul3A_219 = arith.constant 32 : i32
        %mul3A_220 = arith.muli %add3A_218, %mul3A_219 : i32
        %multiple_of3A_221 = tpu.assume_multiple %mul3A_220, 32 : i32
        %dma_start3A_222 = arith.constant 0 : i32
        %dma_start3A_223 = arith.constant 0 : i32
        %dma_start3A_224 = arith.constant 0 : i32
        %dma_start3A_225 = tpu.memref_slice %arg11[%dma_start3A_222, %dma_start3A_223, %dma_start3A_224] : memref<2x32x512xbf16, #tpu.memory_space<vmem>> -> memref<1x32x512xbf16, #tpu.memory_space<vmem>>
        %dma_start3A_226 = tpu.memref_squeeze %dma_start3A_225 : memref<1x32x512xbf16, #tpu.memory_space<vmem>> -> memref<32x512xbf16, #tpu.memory_space<vmem>>
        %dma_start3A_227 = tpu.memref_slice %arg9[%multiple_of3A_221] : memref<5056xi32, #tpu.memory_space<vmem>> -> memref<32xi32, #tpu.memory_space<vmem>>
        %dma_start3A_228 = arith.constant 0 : i32
        %dma_start3A_229 = arith.constant 0 : i32
        %dma_start3A_230 = tpu.memref_slice %arg2[%dma_start3A_228, %dma_start3A_229] : memref<10000x512xbf16, #tpu.memory_space<hbm>> -> memref<10000x512xbf16, #tpu.memory_space<hbm>>
        tpu.enqueue_indirect_dma source(%dma_start3A_230 : memref<10000x512xbf16, #tpu.memory_space<hbm>>) target(%dma_start3A_226 : memref<32x512xbf16, #tpu.memory_space<vmem>>) offsets(%dma_start3A_227 : memref<32xi32, #tpu.memory_space<vmem>>) semaphore(%arg17 : memref<!tpu.dma_semaphore, #tpu.memory_space<semaphore_mem>>)
        %dma_start3A_231 = arith.constant 0 : i32
        %dma_start3A_232 = arith.constant 0 : i32
        %dma_start3A_233 = arith.constant 0 : i32
        %dma_start3A_234 = tpu.memref_slice %arg12[%dma_start3A_231, %dma_start3A_232, %dma_start3A_233] : memref<2x32x512xbf16, #tpu.memory_space<vmem>> -> memref<1x32x512xbf16, #tpu.memory_space<vmem>>
        %dma_start3A_235 = tpu.memref_squeeze %dma_start3A_234 : memref<1x32x512xbf16, #tpu.memory_space<vmem>> -> memref<32x512xbf16, #tpu.memory_space<vmem>>
        %dma_start3A_236 = tpu.memref_slice %arg10[%multiple_of3A_221] : memref<5056xi32, #tpu.memory_space<vmem>> -> memref<32xi32, #tpu.memory_space<vmem>>
        %dma_start3A_237 = arith.constant 0 : i32
        %dma_start3A_238 = arith.constant 0 : i32
        %dma_start3A_239 = tpu.memref_slice %arg2[%dma_start3A_237, %dma_start3A_238] : memref<10000x512xbf16, #tpu.memory_space<hbm>> -> memref<10000x512xbf16, #tpu.memory_space<hbm>>
        tpu.enqueue_indirect_dma source(%dma_start3A_239 : memref<10000x512xbf16, #tpu.memory_space<hbm>>) target(%dma_start3A_235 : memref<32x512xbf16, #tpu.memory_space<vmem>>) offsets(%dma_start3A_236 : memref<32xi32, #tpu.memory_space<vmem>>) semaphore(%arg17 : memref<!tpu.dma_semaphore, #tpu.memory_space<semaphore_mem>>)
      } else {
      }
      %mul3A_162 = arith.constant 2 : i32
      %mul3A_163 = arith.muli %scan3A_111, %mul3A_162 : i32
      %add3A_164 = arith.constant 1 : i32
      %add3A_165 = arith.addi %mul3A_163, %add3A_164 : i32
      %mul3A_166 = arith.constant 32 : i32
      %mul3A_167 = arith.muli %add3A_165, %mul3A_166 : i32
      %multiple_of3A_168 = tpu.assume_multiple %mul3A_167, 32 : i32
      %dma_wait3A_169 = arith.constant 1 : i32
      %dma_wait3A_170 = arith.constant 0 : i32
      %dma_wait3A_171 = arith.constant 0 : i32
      %dma_wait3A_172 = tpu.memref_slice %arg11[%dma_wait3A_169, %dma_wait3A_170, %dma_wait3A_171] : memref<2x32x512xbf16, #tpu.memory_space<vmem>> -> memref<1x32x512xbf16, #tpu.memory_space<vmem>>
      %dma_wait3A_173 = tpu.memref_squeeze %dma_wait3A_172 : memref<1x32x512xbf16, #tpu.memory_space<vmem>> -> memref<32x512xbf16, #tpu.memory_space<vmem>>
      %dma_wait3A_174 = tpu.memref_slice %arg9[%multiple_of3A_168] : memref<5056xi32, #tpu.memory_space<vmem>> -> memref<32xi32, #tpu.memory_space<vmem>>
      %dma_wait3A_175 = arith.constant 0 : i32
      %dma_wait3A_176 = arith.constant 0 : i32
      %dma_wait3A_177 = tpu.memref_slice %arg2[%dma_wait3A_175, %dma_wait3A_176] : memref<10000x512xbf16, #tpu.memory_space<hbm>> -> memref<10000x512xbf16, #tpu.memory_space<hbm>>
      tpu.wait_indirect_dma semaphore(%arg18 : memref<!tpu.dma_semaphore, #tpu.memory_space<semaphore_mem>>) src(%dma_wait3A_177 : memref<10000x512xbf16, #tpu.memory_space<hbm>>) dst(%dma_wait3A_173 : memref<32x512xbf16, #tpu.memory_space<vmem>>)
      %dma_wait3A_178 = arith.constant 1 : i32
      %dma_wait3A_179 = arith.constant 0 : i32
      %dma_wait3A_180 = arith.constant 0 : i32
      %dma_wait3A_181 = tpu.memref_slice %arg12[%dma_wait3A_178, %dma_wait3A_179, %dma_wait3A_180] : memref<2x32x512xbf16, #tpu.memory_space<vmem>> -> memref<1x32x512xbf16, #tpu.memory_space<vmem>>
      %dma_wait3A_182 = tpu.memref_squeeze %dma_wait3A_181 : memref<1x32x512xbf16, #tpu.memory_space<vmem>> -> memref<32x512xbf16, #tpu.memory_space<vmem>>
      %dma_wait3A_183 = tpu.memref_slice %arg10[%multiple_of3A_168] : memref<5056xi32, #tpu.memory_space<vmem>> -> memref<32xi32, #tpu.memory_space<vmem>>
      %dma_wait3A_184 = arith.constant 0 : i32
      %dma_wait3A_185 = arith.constant 0 : i32
      %dma_wait3A_186 = tpu.memref_slice %arg2[%dma_wait3A_184, %dma_wait3A_185] : memref<10000x512xbf16, #tpu.memory_space<hbm>> -> memref<10000x512xbf16, #tpu.memory_space<hbm>>
      tpu.wait_indirect_dma semaphore(%arg18 : memref<!tpu.dma_semaphore, #tpu.memory_space<semaphore_mem>>) src(%dma_wait3A_186 : memref<10000x512xbf16, #tpu.memory_space<hbm>>) dst(%dma_wait3A_182 : memref<32x512xbf16, #tpu.memory_space<vmem>>)
      %mul3A_187 = arith.constant 32 : i32
      %mul3A_188 = arith.muli %add3A_165, %mul3A_187 : i32
      %multiple_of3A_189 = tpu.assume_multiple %mul3A_188, 32 : i32
      %scan3A_190 = arith.constant 0 : i32
      %scan3A_191 = arith.constant 16 : i32
      %scan3A_192 = arith.addi %scan3A_190, %scan3A_191 : i32
      %scan3A_193 = arith.constant 1 : i32
      %scan3A_194 = scf.for %scan3A_217 = %scan3A_190 to %scan3A_192 step %scan3A_193 iter_args(%scan3A_218 = %get3A_3) -> (vector<16xf32>)  : i32 {
        %add3A_219 = arith.constant 0 : i32
        %add3A_220 = arith.addi %add3A_219, %scan3A_217 : i32
        %broadcast_in_dim3A = arith.constant 0.000000e+00 : f32
        %broadcast_in_dim3A_221 = vector.broadcast %broadcast_in_dim3A : f32 to vector<16xf32>
        %broadcast_in_dim3A_222 = arith.constant 0.000000e+00 : f32
        %broadcast_in_dim3A_223 = vector.broadcast %broadcast_in_dim3A_222 : f32 to vector<16xf32>
        %get3A_224 = arith.constant 1 : i32
        %get3A_225 = arith.index_cast %get3A_224 : i32 to index
        %get3A_226 = arith.index_cast %add3A_220 : i32 to index
        %get3A_227 = arith.constant 0 : index
        %get3A_228 = tpu.vector_load %arg11[%get3A_225, %get3A_226, %get3A_227] {strides = array<i32>} : memref<2x32x512xbf16, #tpu.memory_space<vmem>>, vector<32xbf16>,
        %get3A_229 = arith.constant 1 : i32
        %get3A_230 = arith.index_cast %get3A_229 : i32 to index
        %get3A_231 = arith.index_cast %add3A_220 : i32 to index
        %get3A_232 = arith.constant 0 : index
        %get3A_233 = tpu.vector_load %arg12[%get3A_230, %get3A_231, %get3A_232] {strides = array<i32>} : memref<2x32x512xbf16, #tpu.memory_space<vmem>>, vector<32xbf16>,
        %add3A_234 = arith.addf %get3A_228, %get3A_233 : vector<32xbf16>
        %max3A = arith.constant 0.000000e+00 : bf16
        %max3A_235 = vector.broadcast %max3A : bf16 to vector<32xbf16>
        %max3A_236 = arith.maximumf %add3A_234, %max3A_235 : vector<32xbf16>
        %unpack3A = tpu.unpack_subelements %max3A_236, 0 {pack_format = #tpu.pack_format<interleaved>} : vector<32xbf16> -> vector<16xf32>
        %unpack3A_237 = tpu.unpack_subelements %max3A_236, 1 {pack_format = #tpu.pack_format<interleaved>} : vector<32xbf16> -> vector<16xf32>
        %mul3A_238 = arith.mulf %unpack3A, %get3A_5 : vector<16xf32>
        %add3A_239 = arith.addf %broadcast_in_dim3A_221, %mul3A_238 : vector<16xf32>
        %mul3A_240 = arith.mulf %unpack3A_237, %get3A_37 : vector<16xf32>
        %add3A_241 = arith.addf %broadcast_in_dim3A_223, %mul3A_240 : vector<16xf32>
        %get3A_242 = arith.constant 1 : i32
        %get3A_243 = arith.index_cast %get3A_242 : i32 to index
        %get3A_244 = arith.index_cast %add3A_220 : i32 to index
        %get3A_245 = arith.constant 32 : index
        %get3A_246 = tpu.vector_load %arg11[%get3A_243, %get3A_244, %get3A_245] {strides = array<i32>} : memref<2x32x512xbf16, #tpu.memory_space<vmem>>, vector<32xbf16>,
        %get3A_247 = arith.constant 1 : i32
        %get3A_248 = arith.index_cast %get3A_247 : i32 to index
        %get3A_249 = arith.index_cast %add3A_220 : i32 to index
        %get3A_250 = arith.constant 32 : index
        %get3A_251 = tpu.vector_load %arg12[%get3A_248, %get3A_249, %get3A_250] {strides = array<i32>} : memref<2x32x512xbf16, #tpu.memory_space<vmem>>, vector<32xbf16>,
        %add3A_252 = arith.addf %get3A_246, %get3A_251 : vector<32xbf16>
        %max3A_253 = arith.constant 0.000000e+00 : bf16
        %max3A_254 = vector.broadcast %max3A_253 : bf16 to vector<32xbf16>
        %max3A_255 = arith.maximumf %add3A_252, %max3A_254 : vector<32xbf16>
        %unpack3A_256 = tpu.unpack_subelements %max3A_255, 0 {pack_format = #tpu.pack_format<interleaved>} : vector<32xbf16> -> vector<16xf32>
        %unpack3A_257 = tpu.unpack_subelements %max3A_255, 1 {pack_format = #tpu.pack_format<interleaved>} : vector<32xbf16> -> vector<16xf32>
        %mul3A_258 = arith.mulf %unpack3A_256, %get3A_7 : vector<16xf32>
        %add3A_259 = arith.addf %add3A_239, %mul3A_258 : vector<16xf32>
        %mul3A_260 = arith.mulf %unpack3A_257, %get3A_39 : vector<16xf32>
        %add3A_261 = arith.addf %add3A_241, %mul3A_260 : vector<16xf32>
        %get3A_262 = arith.constant 1 : i32
        %get3A_263 = arith.index_cast %get3A_262 : i32 to index
        %get3A_264 = arith.index_cast %add3A_220 : i32 to index
        %get3A_265 = arith.constant 64 : index
        %get3A_266 = tpu.vector_load %arg11[%get3A_263, %get3A_264, %get3A_265] {strides = array<i32>} : memref<2x32x512xbf16, #tpu.memory_space<vmem>>, vector<32xbf16>,
        %get3A_267 = arith.constant 1 : i32
        %get3A_268 = arith.index_cast %get3A_267 : i32 to index
        %get3A_269 = arith.index_cast %add3A_220 : i32 to index
        %get3A_270 = arith.constant 64 : index
        %get3A_271 = tpu.vector_load %arg12[%get3A_268, %get3A_269, %get3A_270] {strides = array<i32>} : memref<2x32x512xbf16, #tpu.memory_space<vmem>>, vector<32xbf16>,
        %add3A_272 = arith.addf %get3A_266, %get3A_271 : vector<32xbf16>
        %max3A_273 = arith.constant 0.000000e+00 : bf16
        %max3A_274 = vector.broadcast %max3A_273 : bf16 to vector<32xbf16>
        %max3A_275 = arith.maximumf %add3A_272, %max3A_274 : vector<32xbf16>
        %unpack3A_276 = tpu.unpack_subelements %max3A_275, 0 {pack_format = #tpu.pack_format<interleaved>} : vector<32xbf16> -> vector<16xf32>
        %unpack3A_277 = tpu.unpack_subelements %max3A_275, 1 {pack_format = #tpu.pack_format<interleaved>} : vector<32xbf16> -> vector<16xf32>
        %mul3A_278 = arith.mulf %unpack3A_276, %get3A_9 : vector<16xf32>
        %add3A_279 = arith.addf %add3A_259, %mul3A_278 : vector<16xf32>
        %mul3A_280 = arith.mulf %unpack3A_277, %get3A_41 : vector<16xf32>
        %add3A_281 = arith.addf %add3A_261, %mul3A_280 : vector<16xf32>
        %get3A_282 = arith.constant 1 : i32
        %get3A_283 = arith.index_cast %get3A_282 : i32 to index
        %get3A_284 = arith.index_cast %add3A_220 : i32 to index
        %get3A_285 = arith.constant 96 : index
        %get3A_286 = tpu.vector_load %arg11[%get3A_283, %get3A_284, %get3A_285] {strides = array<i32>} : memref<2x32x512xbf16, #tpu.memory_space<vmem>>, vector<32xbf16>,
        %get3A_287 = arith.constant 1 : i32
        %get3A_288 = arith.index_cast %get3A_287 : i32 to index
        %get3A_289 = arith.index_cast %add3A_220 : i32 to index
        %get3A_290 = arith.constant 96 : index
        %get3A_291 = tpu.vector_load %arg12[%get3A_288, %get3A_289, %get3A_290] {strides = array<i32>} : memref<2x32x512xbf16, #tpu.memory_space<vmem>>, vector<32xbf16>,
        %add3A_292 = arith.addf %get3A_286, %get3A_291 : vector<32xbf16>
        %max3A_293 = arith.constant 0.000000e+00 : bf16
        %max3A_294 = vector.broadcast %max3A_293 : bf16 to vector<32xbf16>
        %max3A_295 = arith.maximumf %add3A_292, %max3A_294 : vector<32xbf16>
        %unpack3A_296 = tpu.unpack_subelements %max3A_295, 0 {pack_format = #tpu.pack_format<interleaved>} : vector<32xbf16> -> vector<16xf32>
        %unpack3A_297 = tpu.unpack_subelements %max3A_295, 1 {pack_format = #tpu.pack_format<interleaved>} : vector<32xbf16> -> vector<16xf32>
        %mul3A_298 = arith.mulf %unpack3A_296, %get3A_11 : vector<16xf32>
        %add3A_299 = arith.addf %add3A_279, %mul3A_298 : vector<16xf32>
        %mul3A_300 = arith.mulf %unpack3A_297, %get3A_43 : vector<16xf32>
        %add3A_301 = arith.addf %add3A_281, %mul3A_300 : vector<16xf32>
        %get3A_302 = arith.constant 1 : i32
        %get3A_303 = arith.index_cast %get3A_302 : i32 to index
        %get3A_304 = arith.index_cast %add3A_220 : i32 to index
        %get3A_305 = arith.constant 128 : index
        %get3A_306 = tpu.vector_load %arg11[%get3A_303, %get3A_304, %get3A_305] {strides = array<i32>} : memref<2x32x512xbf16, #tpu.memory_space<vmem>>, vector<32xbf16>,
        %get3A_307 = arith.constant 1 : i32
        %get3A_308 = arith.index_cast %get3A_307 : i32 to index
        %get3A_309 = arith.index_cast %add3A_220 : i32 to index
        %get3A_310 = arith.constant 128 : index
        %get3A_311 = tpu.vector_load %arg12[%get3A_308, %get3A_309, %get3A_310] {strides = array<i32>} : memref<2x32x512xbf16, #tpu.memory_space<vmem>>, vector<32xbf16>,
        %add3A_312 = arith.addf %get3A_306, %get3A_311 : vector<32xbf16>
        %max3A_313 = arith.constant 0.000000e+00 : bf16
        %max3A_314 = vector.broadcast %max3A_313 : bf16 to vector<32xbf16>
        %max3A_315 = arith.maximumf %add3A_312, %max3A_314 : vector<32xbf16>
        %unpack3A_316 = tpu.unpack_subelements %max3A_315, 0 {pack_format = #tpu.pack_format<interleaved>} : vector<32xbf16> -> vector<16xf32>
        %unpack3A_317 = tpu.unpack_subelements %max3A_315, 1 {pack_format = #tpu.pack_format<interleaved>} : vector<32xbf16> -> vector<16xf32>
        %mul3A_318 = arith.mulf %unpack3A_316, %get3A_13 : vector<16xf32>
        %add3A_319 = arith.addf %add3A_299, %mul3A_318 : vector<16xf32>
        %mul3A_320 = arith.mulf %unpack3A_317, %get3A_45 : vector<16xf32>
        %add3A_321 = arith.addf %add3A_301, %mul3A_320 : vector<16xf32>
        %get3A_322 = arith.constant 1 : i32
        %get3A_323 = arith.index_cast %get3A_322 : i32 to index
        %get3A_324 = arith.index_cast %add3A_220 : i32 to index
        %get3A_325 = arith.constant 160 : index
        %get3A_326 = tpu.vector_load %arg11[%get3A_323, %get3A_324, %get3A_325] {strides = array<i32>} : memref<2x32x512xbf16, #tpu.memory_space<vmem>>, vector<32xbf16>,
        %get3A_327 = arith.constant 1 : i32
        %get3A_328 = arith.index_cast %get3A_327 : i32 to index
        %get3A_329 = arith.index_cast %add3A_220 : i32 to index
        %get3A_330 = arith.constant 160 : index
        %get3A_331 = tpu.vector_load %arg12[%get3A_328, %get3A_329, %get3A_330] {strides = array<i32>} : memref<2x32x512xbf16, #tpu.memory_space<vmem>>, vector<32xbf16>,
        %add3A_332 = arith.addf %get3A_326, %get3A_331 : vector<32xbf16>
        %max3A_333 = arith.constant 0.000000e+00 : bf16
        %max3A_334 = vector.broadcast %max3A_333 : bf16 to vector<32xbf16>
        %max3A_335 = arith.maximumf %add3A_332, %max3A_334 : vector<32xbf16>
        %unpack3A_336 = tpu.unpack_subelements %max3A_335, 0 {pack_format = #tpu.pack_format<interleaved>} : vector<32xbf16> -> vector<16xf32>
        %unpack3A_337 = tpu.unpack_subelements %max3A_335, 1 {pack_format = #tpu.pack_format<interleaved>} : vector<32xbf16> -> vector<16xf32>
        %mul3A_338 = arith.mulf %unpack3A_336, %get3A_15 : vector<16xf32>
        %add3A_339 = arith.addf %add3A_319, %mul3A_338 : vector<16xf32>
        %mul3A_340 = arith.mulf %unpack3A_337, %get3A_47 : vector<16xf32>
        %add3A_341 = arith.addf %add3A_321, %mul3A_340 : vector<16xf32>
        %get3A_342 = arith.constant 1 : i32
        %get3A_343 = arith.index_cast %get3A_342 : i32 to index
        %get3A_344 = arith.index_cast %add3A_220 : i32 to index
        %get3A_345 = arith.constant 192 : index
        %get3A_346 = tpu.vector_load %arg11[%get3A_343, %get3A_344, %get3A_345] {strides = array<i32>} : memref<2x32x512xbf16, #tpu.memory_space<vmem>>, vector<32xbf16>,
        %get3A_347 = arith.constant 1 : i32
        %get3A_348 = arith.index_cast %get3A_347 : i32 to index
        %get3A_349 = arith.index_cast %add3A_220 : i32 to index
        %get3A_350 = arith.constant 192 : index
        %get3A_351 = tpu.vector_load %arg12[%get3A_348, %get3A_349, %get3A_350] {strides = array<i32>} : memref<2x32x512xbf16, #tpu.memory_space<vmem>>, vector<32xbf16>,
        %add3A_352 = arith.addf %get3A_346, %get3A_351 : vector<32xbf16>
        %max3A_353 = arith.constant 0.000000e+00 : bf16
        %max3A_354 = vector.broadcast %max3A_353 : bf16 to vector<32xbf16>
        %max3A_355 = arith.maximumf %add3A_352, %max3A_354 : vector<32xbf16>
        %unpack3A_356 = tpu.unpack_subelements %max3A_355, 0 {pack_format = #tpu.pack_format<interleaved>} : vector<32xbf16> -> vector<16xf32>
        %unpack3A_357 = tpu.unpack_subelements %max3A_355, 1 {pack_format = #tpu.pack_format<interleaved>} : vector<32xbf16> -> vector<16xf32>
        %mul3A_358 = arith.mulf %unpack3A_356, %get3A_17 : vector<16xf32>
        %add3A_359 = arith.addf %add3A_339, %mul3A_358 : vector<16xf32>
        %mul3A_360 = arith.mulf %unpack3A_357, %get3A_49 : vector<16xf32>
        %add3A_361 = arith.addf %add3A_341, %mul3A_360 : vector<16xf32>
        %get3A_362 = arith.constant 1 : i32
        %get3A_363 = arith.index_cast %get3A_362 : i32 to index
        %get3A_364 = arith.index_cast %add3A_220 : i32 to index
        %get3A_365 = arith.constant 224 : index
        %get3A_366 = tpu.vector_load %arg11[%get3A_363, %get3A_364, %get3A_365] {strides = array<i32>} : memref<2x32x512xbf16, #tpu.memory_space<vmem>>, vector<32xbf16>,
        %get3A_367 = arith.constant 1 : i32
        %get3A_368 = arith.index_cast %get3A_367 : i32 to index
        %get3A_369 = arith.index_cast %add3A_220 : i32 to index
        %get3A_370 = arith.constant 224 : index
        %get3A_371 = tpu.vector_load %arg12[%get3A_368, %get3A_369, %get3A_370] {strides = array<i32>} : memref<2x32x512xbf16, #tpu.memory_space<vmem>>, vector<32xbf16>,
        %add3A_372 = arith.addf %get3A_366, %get3A_371 : vector<32xbf16>
        %max3A_373 = arith.constant 0.000000e+00 : bf16
        %max3A_374 = vector.broadcast %max3A_373 : bf16 to vector<32xbf16>
        %max3A_375 = arith.maximumf %add3A_372, %max3A_374 : vector<32xbf16>
        %unpack3A_376 = tpu.unpack_subelements %max3A_375, 0 {pack_format = #tpu.pack_format<interleaved>} : vector<32xbf16> -> vector<16xf32>
        %unpack3A_377 = tpu.unpack_subelements %max3A_375, 1 {pack_format = #tpu.pack_format<interleaved>} : vector<32xbf16> -> vector<16xf32>
        %mul3A_378 = arith.mulf %unpack3A_376, %get3A_19 : vector<16xf32>
        %add3A_379 = arith.addf %add3A_359, %mul3A_378 : vector<16xf32>
        %mul3A_380 = arith.mulf %unpack3A_377, %get3A_51 : vector<16xf32>
        %add3A_381 = arith.addf %add3A_361, %mul3A_380 : vector<16xf32>
        %get3A_382 = arith.constant 1 : i32
        %get3A_383 = arith.index_cast %get3A_382 : i32 to index
        %get3A_384 = arith.index_cast %add3A_220 : i32 to index
        %get3A_385 = arith.constant 256 : index
        %get3A_386 = tpu.vector_load %arg11[%get3A_383, %get3A_384, %get3A_385] {strides = array<i32>} : memref<2x32x512xbf16, #tpu.memory_space<vmem>>, vector<32xbf16>,
        %get3A_387 = arith.constant 1 : i32
        %get3A_388 = arith.index_cast %get3A_387 : i32 to index
        %get3A_389 = arith.index_cast %add3A_220 : i32 to index
        %get3A_390 = arith.constant 256 : index
        %get3A_391 = tpu.vector_load %arg12[%get3A_388, %get3A_389, %get3A_390] {strides = array<i32>} : memref<2x32x512xbf16, #tpu.memory_space<vmem>>, vector<32xbf16>,
        %add3A_392 = arith.addf %get3A_386, %get3A_391 : vector<32xbf16>
        %max3A_393 = arith.constant 0.000000e+00 : bf16
        %max3A_394 = vector.broadcast %max3A_393 : bf16 to vector<32xbf16>
        %max3A_395 = arith.maximumf %add3A_392, %max3A_394 : vector<32xbf16>
        %unpack3A_396 = tpu.unpack_subelements %max3A_395, 0 {pack_format = #tpu.pack_format<interleaved>} : vector<32xbf16> -> vector<16xf32>
        %unpack3A_397 = tpu.unpack_subelements %max3A_395, 1 {pack_format = #tpu.pack_format<interleaved>} : vector<32xbf16> -> vector<16xf32>
        %mul3A_398 = arith.mulf %unpack3A_396, %get3A_21 : vector<16xf32>
        %add3A_399 = arith.addf %add3A_379, %mul3A_398 : vector<16xf32>
        %mul3A_400 = arith.mulf %unpack3A_397, %get3A_53 : vector<16xf32>
        %add3A_401 = arith.addf %add3A_381, %mul3A_400 : vector<16xf32>
        %get3A_402 = arith.constant 1 : i32
        %get3A_403 = arith.index_cast %get3A_402 : i32 to index
        %get3A_404 = arith.index_cast %add3A_220 : i32 to index
        %get3A_405 = arith.constant 288 : index
        %get3A_406 = tpu.vector_load %arg11[%get3A_403, %get3A_404, %get3A_405] {strides = array<i32>} : memref<2x32x512xbf16, #tpu.memory_space<vmem>>, vector<32xbf16>,
        %get3A_407 = arith.constant 1 : i32
        %get3A_408 = arith.index_cast %get3A_407 : i32 to index
        %get3A_409 = arith.index_cast %add3A_220 : i32 to index
        %get3A_410 = arith.constant 288 : index
        %get3A_411 = tpu.vector_load %arg12[%get3A_408, %get3A_409, %get3A_410] {strides = array<i32>} : memref<2x32x512xbf16, #tpu.memory_space<vmem>>, vector<32xbf16>,
        %add3A_412 = arith.addf %get3A_406, %get3A_411 : vector<32xbf16>
        %max3A_413 = arith.constant 0.000000e+00 : bf16
        %max3A_414 = vector.broadcast %max3A_413 : bf16 to vector<32xbf16>
        %max3A_415 = arith.maximumf %add3A_412, %max3A_414 : vector<32xbf16>
        %unpack3A_416 = tpu.unpack_subelements %max3A_415, 0 {pack_format = #tpu.pack_format<interleaved>} : vector<32xbf16> -> vector<16xf32>
        %unpack3A_417 = tpu.unpack_subelements %max3A_415, 1 {pack_format = #tpu.pack_format<interleaved>} : vector<32xbf16> -> vector<16xf32>
        %mul3A_418 = arith.mulf %unpack3A_416, %get3A_23 : vector<16xf32>
        %add3A_419 = arith.addf %add3A_399, %mul3A_418 : vector<16xf32>
        %mul3A_420 = arith.mulf %unpack3A_417, %get3A_55 : vector<16xf32>
        %add3A_421 = arith.addf %add3A_401, %mul3A_420 : vector<16xf32>
        %get3A_422 = arith.constant 1 : i32
        %get3A_423 = arith.index_cast %get3A_422 : i32 to index
        %get3A_424 = arith.index_cast %add3A_220 : i32 to index
        %get3A_425 = arith.constant 320 : index
        %get3A_426 = tpu.vector_load %arg11[%get3A_423, %get3A_424, %get3A_425] {strides = array<i32>} : memref<2x32x512xbf16, #tpu.memory_space<vmem>>, vector<32xbf16>,
        %get3A_427 = arith.constant 1 : i32
        %get3A_428 = arith.index_cast %get3A_427 : i32 to index
        %get3A_429 = arith.index_cast %add3A_220 : i32 to index
        %get3A_430 = arith.constant 320 : index
        %get3A_431 = tpu.vector_load %arg12[%get3A_428, %get3A_429, %get3A_430] {strides = array<i32>} : memref<2x32x512xbf16, #tpu.memory_space<vmem>>, vector<32xbf16>,
        %add3A_432 = arith.addf %get3A_426, %get3A_431 : vector<32xbf16>
        %max3A_433 = arith.constant 0.000000e+00 : bf16
        %max3A_434 = vector.broadcast %max3A_433 : bf16 to vector<32xbf16>
        %max3A_435 = arith.maximumf %add3A_432, %max3A_434 : vector<32xbf16>
        %unpack3A_436 = tpu.unpack_subelements %max3A_435, 0 {pack_format = #tpu.pack_format<interleaved>} : vector<32xbf16> -> vector<16xf32>
        %unpack3A_437 = tpu.unpack_subelements %max3A_435, 1 {pack_format = #tpu.pack_format<interleaved>} : vector<32xbf16> -> vector<16xf32>
        %mul3A_438 = arith.mulf %unpack3A_436, %get3A_25 : vector<16xf32>
        %add3A_439 = arith.addf %add3A_419, %mul3A_438 : vector<16xf32>
        %mul3A_440 = arith.mulf %unpack3A_437, %get3A_57 : vector<16xf32>
        %add3A_441 = arith.addf %add3A_421, %mul3A_440 : vector<16xf32>
        %get3A_442 = arith.constant 1 : i32
        %get3A_443 = arith.index_cast %get3A_442 : i32 to index
        %get3A_444 = arith.index_cast %add3A_220 : i32 to index
        %get3A_445 = arith.constant 352 : index
        %get3A_446 = tpu.vector_load %arg11[%get3A_443, %get3A_444, %get3A_445] {strides = array<i32>} : memref<2x32x512xbf16, #tpu.memory_space<vmem>>, vector<32xbf16>,
        %get3A_447 = arith.constant 1 : i32
        %get3A_448 = arith.index_cast %get3A_447 : i32 to index
        %get3A_449 = arith.index_cast %add3A_220 : i32 to index
        %get3A_450 = arith.constant 352 : index
        %get3A_451 = tpu.vector_load %arg12[%get3A_448, %get3A_449, %get3A_450] {strides = array<i32>} : memref<2x32x512xbf16, #tpu.memory_space<vmem>>, vector<32xbf16>,
        %add3A_452 = arith.addf %get3A_446, %get3A_451 : vector<32xbf16>
        %max3A_453 = arith.constant 0.000000e+00 : bf16
        %max3A_454 = vector.broadcast %max3A_453 : bf16 to vector<32xbf16>
        %max3A_455 = arith.maximumf %add3A_452, %max3A_454 : vector<32xbf16>
        %unpack3A_456 = tpu.unpack_subelements %max3A_455, 0 {pack_format = #tpu.pack_format<interleaved>} : vector<32xbf16> -> vector<16xf32>
        %unpack3A_457 = tpu.unpack_subelements %max3A_455, 1 {pack_format = #tpu.pack_format<interleaved>} : vector<32xbf16> -> vector<16xf32>
        %mul3A_458 = arith.mulf %unpack3A_456, %get3A_27 : vector<16xf32>
        %add3A_459 = arith.addf %add3A_439, %mul3A_458 : vector<16xf32>
        %mul3A_460 = arith.mulf %unpack3A_457, %get3A_59 : vector<16xf32>
        %add3A_461 = arith.addf %add3A_441, %mul3A_460 : vector<16xf32>
        %get3A_462 = arith.constant 1 : i32
        %get3A_463 = arith.index_cast %get3A_462 : i32 to index
        %get3A_464 = arith.index_cast %add3A_220 : i32 to index
        %get3A_465 = arith.constant 384 : index
        %get3A_466 = tpu.vector_load %arg11[%get3A_463, %get3A_464, %get3A_465] {strides = array<i32>} : memref<2x32x512xbf16, #tpu.memory_space<vmem>>, vector<32xbf16>,
        %get3A_467 = arith.constant 1 : i32
        %get3A_468 = arith.index_cast %get3A_467 : i32 to index
        %get3A_469 = arith.index_cast %add3A_220 : i32 to index
        %get3A_470 = arith.constant 384 : index
        %get3A_471 = tpu.vector_load %arg12[%get3A_468, %get3A_469, %get3A_470] {strides = array<i32>} : memref<2x32x512xbf16, #tpu.memory_space<vmem>>, vector<32xbf16>,
        %add3A_472 = arith.addf %get3A_466, %get3A_471 : vector<32xbf16>
        %max3A_473 = arith.constant 0.000000e+00 : bf16
        %max3A_474 = vector.broadcast %max3A_473 : bf16 to vector<32xbf16>
        %max3A_475 = arith.maximumf %add3A_472, %max3A_474 : vector<32xbf16>
        %unpack3A_476 = tpu.unpack_subelements %max3A_475, 0 {pack_format = #tpu.pack_format<interleaved>} : vector<32xbf16> -> vector<16xf32>
        %unpack3A_477 = tpu.unpack_subelements %max3A_475, 1 {pack_format = #tpu.pack_format<interleaved>} : vector<32xbf16> -> vector<16xf32>
        %mul3A_478 = arith.mulf %unpack3A_476, %get3A_29 : vector<16xf32>
        %add3A_479 = arith.addf %add3A_459, %mul3A_478 : vector<16xf32>
        %mul3A_480 = arith.mulf %unpack3A_477, %get3A_61 : vector<16xf32>
        %add3A_481 = arith.addf %add3A_461, %mul3A_480 : vector<16xf32>
        %get3A_482 = arith.constant 1 : i32
        %get3A_483 = arith.index_cast %get3A_482 : i32 to index
        %get3A_484 = arith.index_cast %add3A_220 : i32 to index
        %get3A_485 = arith.constant 416 : index
        %get3A_486 = tpu.vector_load %arg11[%get3A_483, %get3A_484, %get3A_485] {strides = array<i32>} : memref<2x32x512xbf16, #tpu.memory_space<vmem>>, vector<32xbf16>,
        %get3A_487 = arith.constant 1 : i32
        %get3A_488 = arith.index_cast %get3A_487 : i32 to index
        %get3A_489 = arith.index_cast %add3A_220 : i32 to index
        %get3A_490 = arith.constant 416 : index
        %get3A_491 = tpu.vector_load %arg12[%get3A_488, %get3A_489, %get3A_490] {strides = array<i32>} : memref<2x32x512xbf16, #tpu.memory_space<vmem>>, vector<32xbf16>,
        %add3A_492 = arith.addf %get3A_486, %get3A_491 : vector<32xbf16>
        %max3A_493 = arith.constant 0.000000e+00 : bf16
        %max3A_494 = vector.broadcast %max3A_493 : bf16 to vector<32xbf16>
        %max3A_495 = arith.maximumf %add3A_492, %max3A_494 : vector<32xbf16>
        %unpack3A_496 = tpu.unpack_subelements %max3A_495, 0 {pack_format = #tpu.pack_format<interleaved>} : vector<32xbf16> -> vector<16xf32>
        %unpack3A_497 = tpu.unpack_subelements %max3A_495, 1 {pack_format = #tpu.pack_format<interleaved>} : vector<32xbf16> -> vector<16xf32>
        %mul3A_498 = arith.mulf %unpack3A_496, %get3A_31 : vector<16xf32>
        %add3A_499 = arith.addf %add3A_479, %mul3A_498 : vector<16xf32>
        %mul3A_500 = arith.mulf %unpack3A_497, %get3A_63 : vector<16xf32>
        %add3A_501 = arith.addf %add3A_481, %mul3A_500 : vector<16xf32>
        %get3A_502 = arith.constant 1 : i32
        %get3A_503 = arith.index_cast %get3A_502 : i32 to index
        %get3A_504 = arith.index_cast %add3A_220 : i32 to index
        %get3A_505 = arith.constant 448 : index
        %get3A_506 = tpu.vector_load %arg11[%get3A_503, %get3A_504, %get3A_505] {strides = array<i32>} : memref<2x32x512xbf16, #tpu.memory_space<vmem>>, vector<32xbf16>,
        %get3A_507 = arith.constant 1 : i32
        %get3A_508 = arith.index_cast %get3A_507 : i32 to index
        %get3A_509 = arith.index_cast %add3A_220 : i32 to index
        %get3A_510 = arith.constant 448 : index
        %get3A_511 = tpu.vector_load %arg12[%get3A_508, %get3A_509, %get3A_510] {strides = array<i32>} : memref<2x32x512xbf16, #tpu.memory_space<vmem>>, vector<32xbf16>,
        %add3A_512 = arith.addf %get3A_506, %get3A_511 : vector<32xbf16>
        %max3A_513 = arith.constant 0.000000e+00 : bf16
        %max3A_514 = vector.broadcast %max3A_513 : bf16 to vector<32xbf16>
        %max3A_515 = arith.maximumf %add3A_512, %max3A_514 : vector<32xbf16>
        %unpack3A_516 = tpu.unpack_subelements %max3A_515, 0 {pack_format = #tpu.pack_format<interleaved>} : vector<32xbf16> -> vector<16xf32>
        %unpack3A_517 = tpu.unpack_subelements %max3A_515, 1 {pack_format = #tpu.pack_format<interleaved>} : vector<32xbf16> -> vector<16xf32>
        %mul3A_518 = arith.mulf %unpack3A_516, %get3A_33 : vector<16xf32>
        %add3A_519 = arith.addf %add3A_499, %mul3A_518 : vector<16xf32>
        %mul3A_520 = arith.mulf %unpack3A_517, %get3A_65 : vector<16xf32>
        %add3A_521 = arith.addf %add3A_501, %mul3A_520 : vector<16xf32>
        %get3A_522 = arith.constant 1 : i32
        %get3A_523 = arith.index_cast %get3A_522 : i32 to index
        %get3A_524 = arith.index_cast %add3A_220 : i32 to index
        %get3A_525 = arith.constant 480 : index
        %get3A_526 = tpu.vector_load %arg11[%get3A_523, %get3A_524, %get3A_525] {strides = array<i32>} : memref<2x32x512xbf16, #tpu.memory_space<vmem>>, vector<32xbf16>,
        %get3A_527 = arith.constant 1 : i32
        %get3A_528 = arith.index_cast %get3A_527 : i32 to index
        %get3A_529 = arith.index_cast %add3A_220 : i32 to index
        %get3A_530 = arith.constant 480 : index
        %get3A_531 = tpu.vector_load %arg12[%get3A_528, %get3A_529, %get3A_530] {strides = array<i32>} : memref<2x32x512xbf16, #tpu.memory_space<vmem>>, vector<32xbf16>,
        %add3A_532 = arith.addf %get3A_526, %get3A_531 : vector<32xbf16>
        %max3A_533 = arith.constant 0.000000e+00 : bf16
        %max3A_534 = vector.broadcast %max3A_533 : bf16 to vector<32xbf16>
        %max3A_535 = arith.maximumf %add3A_532, %max3A_534 : vector<32xbf16>
        %unpack3A_536 = tpu.unpack_subelements %max3A_535, 0 {pack_format = #tpu.pack_format<interleaved>} : vector<32xbf16> -> vector<16xf32>
        %unpack3A_537 = tpu.unpack_subelements %max3A_535, 1 {pack_format = #tpu.pack_format<interleaved>} : vector<32xbf16> -> vector<16xf32>
        %mul3A_538 = arith.mulf %unpack3A_536, %get3A_35 : vector<16xf32>
        %add3A_539 = arith.addf %add3A_519, %mul3A_538 : vector<16xf32>
        %mul3A_540 = arith.mulf %unpack3A_537, %get3A_67 : vector<16xf32>
        %add3A_541 = arith.addf %add3A_521, %mul3A_540 : vector<16xf32>
        %add3A_542 = arith.addf %add3A_539, %add3A_541 : vector<16xf32>
        %reduce_sum3A = arith.constant true
        %reduce_sum3A_543 = vector.broadcast %reduce_sum3A : i1 to vector<16xi1>
        %reduce_sum3A_544 = tpu.scan <sum>, %add3A_542 masked %reduce_sum3A_543 : vector<16xf32>, vector<16xi1> -> vector<16xf32>
        %reduce_sum3A_545 = vector.extract %reduce_sum3A_544[15] : f32 from vector<16xf32>
        %eq3A = vector.broadcast %scan3A_217 : i32 to vector<16xi32>
        %eq3A_546 = arith.cmpi eq, %iota3A, %eq3A : vector<16xi32>
        %broadcast_in_dim3A_547 = vector.broadcast %reduce_sum3A_545 : f32 to vector<16xf32>
        %select_n3A = arith.select %eq3A_546, %broadcast_in_dim3A_547, %scan3A_218 : vector<16xi1>, vector<16xf32>
        scf.yield %select_n3A : vector<16xf32>
      }
      %scan3A_195 = arith.constant 16 : i32
      %add3A_196 = arith.constant 0 : i32
      %add3A_197 = arith.addi %multiple_of3A_189, %add3A_196 : i32
      %swap3A_198 = arith.index_cast %add3A_197 : i32 to index
      %swap3A_199 = tpu.vector_load %arg16[%swap3A_198] {strides = array<i32>} : memref<5056xf32, #tpu.memory_space<vmem>>, vector<16xf32>,
      tpu.vector_store %arg16[%swap3A_198], %scan3A_194 {strides = array<i32>} : memref<5056xf32, #tpu.memory_space<vmem>>, vector<16xf32>,
      %scan3A_200 = arith.constant 0 : i32
      %scan3A_201 = arith.constant 16 : i32
      %scan3A_202 = arith.addi %scan3A_200, %scan3A_201 : i32
      %scan3A_203 = arith.constant 1 : i32
      %scan3A_204 = scf.for %scan3A_217 = %scan3A_200 to %scan3A_202 step %scan3A_203 iter_args(%scan3A_218 = %get3A_3) -> (vector<16xf32>)  : i32 {
        %add3A_219 = arith.constant 16 : i32
        %add3A_220 = arith.addi %add3A_219, %scan3A_217 : i32
        %broadcast_in_dim3A = arith.constant 0.000000e+00 : f32
        %broadcast_in_dim3A_221 = vector.broadcast %broadcast_in_dim3A : f32 to vector<16xf32>
        %broadcast_in_dim3A_222 = arith.constant 0.000000e+00 : f32
        %broadcast_in_dim3A_223 = vector.broadcast %broadcast_in_dim3A_222 : f32 to vector<16xf32>
        %get3A_224 = arith.constant 1 : i32
        %get3A_225 = arith.index_cast %get3A_224 : i32 to index
        %get3A_226 = arith.index_cast %add3A_220 : i32 to index
        %get3A_227 = arith.constant 0 : index
        %get3A_228 = tpu.vector_load %arg11[%get3A_225, %get3A_226, %get3A_227] {strides = array<i32>} : memref<2x32x512xbf16, #tpu.memory_space<vmem>>, vector<32xbf16>,
        %get3A_229 = arith.constant 1 : i32
        %get3A_230 = arith.index_cast %get3A_229 : i32 to index
        %get3A_231 = arith.index_cast %add3A_220 : i32 to index
        %get3A_232 = arith.constant 0 : index
        %get3A_233 = tpu.vector_load %arg12[%get3A_230, %get3A_231, %get3A_232] {strides = array<i32>} : memref<2x32x512xbf16, #tpu.memory_space<vmem>>, vector<32xbf16>,
        %add3A_234 = arith.addf %get3A_228, %get3A_233 : vector<32xbf16>
        %max3A = arith.constant 0.000000e+00 : bf16
        %max3A_235 = vector.broadcast %max3A : bf16 to vector<32xbf16>
        %max3A_236 = arith.maximumf %add3A_234, %max3A_235 : vector<32xbf16>
        %unpack3A = tpu.unpack_subelements %max3A_236, 0 {pack_format = #tpu.pack_format<interleaved>} : vector<32xbf16> -> vector<16xf32>
        %unpack3A_237 = tpu.unpack_subelements %max3A_236, 1 {pack_format = #tpu.pack_format<interleaved>} : vector<32xbf16> -> vector<16xf32>
        %mul3A_238 = arith.mulf %unpack3A, %get3A_5 : vector<16xf32>
        %add3A_239 = arith.addf %broadcast_in_dim3A_221, %mul3A_238 : vector<16xf32>
        %mul3A_240 = arith.mulf %unpack3A_237, %get3A_37 : vector<16xf32>
        %add3A_241 = arith.addf %broadcast_in_dim3A_223, %mul3A_240 : vector<16xf32>
        %get3A_242 = arith.constant 1 : i32
        %get3A_243 = arith.index_cast %get3A_242 : i32 to index
        %get3A_244 = arith.index_cast %add3A_220 : i32 to index
        %get3A_245 = arith.constant 32 : index
        %get3A_246 = tpu.vector_load %arg11[%get3A_243, %get3A_244, %get3A_245] {strides = array<i32>} : memref<2x32x512xbf16, #tpu.memory_space<vmem>>, vector<32xbf16>,
        %get3A_247 = arith.constant 1 : i32
        %get3A_248 = arith.index_cast %get3A_247 : i32 to index
        %get3A_249 = arith.index_cast %add3A_220 : i32 to index
        %get3A_250 = arith.constant 32 : index
        %get3A_251 = tpu.vector_load %arg12[%get3A_248, %get3A_249, %get3A_250] {strides = array<i32>} : memref<2x32x512xbf16, #tpu.memory_space<vmem>>, vector<32xbf16>,
        %add3A_252 = arith.addf %get3A_246, %get3A_251 : vector<32xbf16>
        %max3A_253 = arith.constant 0.000000e+00 : bf16
        %max3A_254 = vector.broadcast %max3A_253 : bf16 to vector<32xbf16>
        %max3A_255 = arith.maximumf %add3A_252, %max3A_254 : vector<32xbf16>
        %unpack3A_256 = tpu.unpack_subelements %max3A_255, 0 {pack_format = #tpu.pack_format<interleaved>} : vector<32xbf16> -> vector<16xf32>
        %unpack3A_257 = tpu.unpack_subelements %max3A_255, 1 {pack_format = #tpu.pack_format<interleaved>} : vector<32xbf16> -> vector<16xf32>
        %mul3A_258 = arith.mulf %unpack3A_256, %get3A_7 : vector<16xf32>
        %add3A_259 = arith.addf %add3A_239, %mul3A_258 : vector<16xf32>
        %mul3A_260 = arith.mulf %unpack3A_257, %get3A_39 : vector<16xf32>
        %add3A_261 = arith.addf %add3A_241, %mul3A_260 : vector<16xf32>
        %get3A_262 = arith.constant 1 : i32
        %get3A_263 = arith.index_cast %get3A_262 : i32 to index
        %get3A_264 = arith.index_cast %add3A_220 : i32 to index
        %get3A_265 = arith.constant 64 : index
        %get3A_266 = tpu.vector_load %arg11[%get3A_263, %get3A_264, %get3A_265] {strides = array<i32>} : memref<2x32x512xbf16, #tpu.memory_space<vmem>>, vector<32xbf16>,
        %get3A_267 = arith.constant 1 : i32
        %get3A_268 = arith.index_cast %get3A_267 : i32 to index
        %get3A_269 = arith.index_cast %add3A_220 : i32 to index
        %get3A_270 = arith.constant 64 : index
        %get3A_271 = tpu.vector_load %arg12[%get3A_268, %get3A_269, %get3A_270] {strides = array<i32>} : memref<2x32x512xbf16, #tpu.memory_space<vmem>>, vector<32xbf16>,
        %add3A_272 = arith.addf %get3A_266, %get3A_271 : vector<32xbf16>
        %max3A_273 = arith.constant 0.000000e+00 : bf16
        %max3A_274 = vector.broadcast %max3A_273 : bf16 to vector<32xbf16>
        %max3A_275 = arith.maximumf %add3A_272, %max3A_274 : vector<32xbf16>
        %unpack3A_276 = tpu.unpack_subelements %max3A_275, 0 {pack_format = #tpu.pack_format<interleaved>} : vector<32xbf16> -> vector<16xf32>
        %unpack3A_277 = tpu.unpack_subelements %max3A_275, 1 {pack_format = #tpu.pack_format<interleaved>} : vector<32xbf16> -> vector<16xf32>
        %mul3A_278 = arith.mulf %unpack3A_276, %get3A_9 : vector<16xf32>
        %add3A_279 = arith.addf %add3A_259, %mul3A_278 : vector<16xf32>
        %mul3A_280 = arith.mulf %unpack3A_277, %get3A_41 : vector<16xf32>
        %add3A_281 = arith.addf %add3A_261, %mul3A_280 : vector<16xf32>
        %get3A_282 = arith.constant 1 : i32
        %get3A_283 = arith.index_cast %get3A_282 : i32 to index
        %get3A_284 = arith.index_cast %add3A_220 : i32 to index
        %get3A_285 = arith.constant 96 : index
        %get3A_286 = tpu.vector_load %arg11[%get3A_283, %get3A_284, %get3A_285] {strides = array<i32>} : memref<2x32x512xbf16, #tpu.memory_space<vmem>>, vector<32xbf16>,
        %get3A_287 = arith.constant 1 : i32
        %get3A_288 = arith.index_cast %get3A_287 : i32 to index
        %get3A_289 = arith.index_cast %add3A_220 : i32 to index
        %get3A_290 = arith.constant 96 : index
        %get3A_291 = tpu.vector_load %arg12[%get3A_288, %get3A_289, %get3A_290] {strides = array<i32>} : memref<2x32x512xbf16, #tpu.memory_space<vmem>>, vector<32xbf16>,
        %add3A_292 = arith.addf %get3A_286, %get3A_291 : vector<32xbf16>
        %max3A_293 = arith.constant 0.000000e+00 : bf16
        %max3A_294 = vector.broadcast %max3A_293 : bf16 to vector<32xbf16>
        %max3A_295 = arith.maximumf %add3A_292, %max3A_294 : vector<32xbf16>
        %unpack3A_296 = tpu.unpack_subelements %max3A_295, 0 {pack_format = #tpu.pack_format<interleaved>} : vector<32xbf16> -> vector<16xf32>
        %unpack3A_297 = tpu.unpack_subelements %max3A_295, 1 {pack_format = #tpu.pack_format<interleaved>} : vector<32xbf16> -> vector<16xf32>
        %mul3A_298 = arith.mulf %unpack3A_296, %get3A_11 : vector<16xf32>
        %add3A_299 = arith.addf %add3A_279, %mul3A_298 : vector<16xf32>
        %mul3A_300 = arith.mulf %unpack3A_297, %get3A_43 : vector<16xf32>
        %add3A_301 = arith.addf %add3A_281, %mul3A_300 : vector<16xf32>
        %get3A_302 = arith.constant 1 : i32
        %get3A_303 = arith.index_cast %get3A_302 : i32 to index
        %get3A_304 = arith.index_cast %add3A_220 : i32 to index
        %get3A_305 = arith.constant 128 : index
        %get3A_306 = tpu.vector_load %arg11[%get3A_303, %get3A_304, %get3A_305] {strides = array<i32>} : memref<2x32x512xbf16, #tpu.memory_space<vmem>>, vector<32xbf16>,
        %get3A_307 = arith.constant 1 : i32
        %get3A_308 = arith.index_cast %get3A_307 : i32 to index
        %get3A_309 = arith.index_cast %add3A_220 : i32 to index
        %get3A_310 = arith.constant 128 : index
        %get3A_311 = tpu.vector_load %arg12[%get3A_308, %get3A_309, %get3A_310] {strides = array<i32>} : memref<2x32x512xbf16, #tpu.memory_space<vmem>>, vector<32xbf16>,
        %add3A_312 = arith.addf %get3A_306, %get3A_311 : vector<32xbf16>
        %max3A_313 = arith.constant 0.000000e+00 : bf16
        %max3A_314 = vector.broadcast %max3A_313 : bf16 to vector<32xbf16>
        %max3A_315 = arith.maximumf %add3A_312, %max3A_314 : vector<32xbf16>
        %unpack3A_316 = tpu.unpack_subelements %max3A_315, 0 {pack_format = #tpu.pack_format<interleaved>} : vector<32xbf16> -> vector<16xf32>
        %unpack3A_317 = tpu.unpack_subelements %max3A_315, 1 {pack_format = #tpu.pack_format<interleaved>} : vector<32xbf16> -> vector<16xf32>
        %mul3A_318 = arith.mulf %unpack3A_316, %get3A_13 : vector<16xf32>
        %add3A_319 = arith.addf %add3A_299, %mul3A_318 : vector<16xf32>
        %mul3A_320 = arith.mulf %unpack3A_317, %get3A_45 : vector<16xf32>
        %add3A_321 = arith.addf %add3A_301, %mul3A_320 : vector<16xf32>
        %get3A_322 = arith.constant 1 : i32
        %get3A_323 = arith.index_cast %get3A_322 : i32 to index
        %get3A_324 = arith.index_cast %add3A_220 : i32 to index
        %get3A_325 = arith.constant 160 : index
        %get3A_326 = tpu.vector_load %arg11[%get3A_323, %get3A_324, %get3A_325] {strides = array<i32>} : memref<2x32x512xbf16, #tpu.memory_space<vmem>>, vector<32xbf16>,
        %get3A_327 = arith.constant 1 : i32
        %get3A_328 = arith.index_cast %get3A_327 : i32 to index
        %get3A_329 = arith.index_cast %add3A_220 : i32 to index
        %get3A_330 = arith.constant 160 : index
        %get3A_331 = tpu.vector_load %arg12[%get3A_328, %get3A_329, %get3A_330] {strides = array<i32>} : memref<2x32x512xbf16, #tpu.memory_space<vmem>>, vector<32xbf16>,
        %add3A_332 = arith.addf %get3A_326, %get3A_331 : vector<32xbf16>
        %max3A_333 = arith.constant 0.000000e+00 : bf16
        %max3A_334 = vector.broadcast %max3A_333 : bf16 to vector<32xbf16>
        %max3A_335 = arith.maximumf %add3A_332, %max3A_334 : vector<32xbf16>
        %unpack3A_336 = tpu.unpack_subelements %max3A_335, 0 {pack_format = #tpu.pack_format<interleaved>} : vector<32xbf16> -> vector<16xf32>
        %unpack3A_337 = tpu.unpack_subelements %max3A_335, 1 {pack_format = #tpu.pack_format<interleaved>} : vector<32xbf16> -> vector<16xf32>
        %mul3A_338 = arith.mulf %unpack3A_336, %get3A_15 : vector<16xf32>
        %add3A_339 = arith.addf %add3A_319, %mul3A_338 : vector<16xf32>
        %mul3A_340 = arith.mulf %unpack3A_337, %get3A_47 : vector<16xf32>
        %add3A_341 = arith.addf %add3A_321, %mul3A_340 : vector<16xf32>
        %get3A_342 = arith.constant 1 : i32
        %get3A_343 = arith.index_cast %get3A_342 : i32 to index
        %get3A_344 = arith.index_cast %add3A_220 : i32 to index
        %get3A_345 = arith.constant 192 : index
        %get3A_346 = tpu.vector_load %arg11[%get3A_343, %get3A_344, %get3A_345] {strides = array<i32>} : memref<2x32x512xbf16, #tpu.memory_space<vmem>>, vector<32xbf16>,
        %get3A_347 = arith.constant 1 : i32
        %get3A_348 = arith.index_cast %get3A_347 : i32 to index
        %get3A_349 = arith.index_cast %add3A_220 : i32 to index
        %get3A_350 = arith.constant 192 : index
        %get3A_351 = tpu.vector_load %arg12[%get3A_348, %get3A_349, %get3A_350] {strides = array<i32>} : memref<2x32x512xbf16, #tpu.memory_space<vmem>>, vector<32xbf16>,
        %add3A_352 = arith.addf %get3A_346, %get3A_351 : vector<32xbf16>
        %max3A_353 = arith.constant 0.000000e+00 : bf16
        %max3A_354 = vector.broadcast %max3A_353 : bf16 to vector<32xbf16>
        %max3A_355 = arith.maximumf %add3A_352, %max3A_354 : vector<32xbf16>
        %unpack3A_356 = tpu.unpack_subelements %max3A_355, 0 {pack_format = #tpu.pack_format<interleaved>} : vector<32xbf16> -> vector<16xf32>
        %unpack3A_357 = tpu.unpack_subelements %max3A_355, 1 {pack_format = #tpu.pack_format<interleaved>} : vector<32xbf16> -> vector<16xf32>
        %mul3A_358 = arith.mulf %unpack3A_356, %get3A_17 : vector<16xf32>
        %add3A_359 = arith.addf %add3A_339, %mul3A_358 : vector<16xf32>
        %mul3A_360 = arith.mulf %unpack3A_357, %get3A_49 : vector<16xf32>
        %add3A_361 = arith.addf %add3A_341, %mul3A_360 : vector<16xf32>
        %get3A_362 = arith.constant 1 : i32
        %get3A_363 = arith.index_cast %get3A_362 : i32 to index
        %get3A_364 = arith.index_cast %add3A_220 : i32 to index
        %get3A_365 = arith.constant 224 : index
        %get3A_366 = tpu.vector_load %arg11[%get3A_363, %get3A_364, %get3A_365] {strides = array<i32>} : memref<2x32x512xbf16, #tpu.memory_space<vmem>>, vector<32xbf16>,
        %get3A_367 = arith.constant 1 : i32
        %get3A_368 = arith.index_cast %get3A_367 : i32 to index
        %get3A_369 = arith.index_cast %add3A_220 : i32 to index
        %get3A_370 = arith.constant 224 : index
        %get3A_371 = tpu.vector_load %arg12[%get3A_368, %get3A_369, %get3A_370] {strides = array<i32>} : memref<2x32x512xbf16, #tpu.memory_space<vmem>>, vector<32xbf16>,
        %add3A_372 = arith.addf %get3A_366, %get3A_371 : vector<32xbf16>
        %max3A_373 = arith.constant 0.000000e+00 : bf16
        %max3A_374 = vector.broadcast %max3A_373 : bf16 to vector<32xbf16>
        %max3A_375 = arith.maximumf %add3A_372, %max3A_374 : vector<32xbf16>
        %unpack3A_376 = tpu.unpack_subelements %max3A_375, 0 {pack_format = #tpu.pack_format<interleaved>} : vector<32xbf16> -> vector<16xf32>
        %unpack3A_377 = tpu.unpack_subelements %max3A_375, 1 {pack_format = #tpu.pack_format<interleaved>} : vector<32xbf16> -> vector<16xf32>
        %mul3A_378 = arith.mulf %unpack3A_376, %get3A_19 : vector<16xf32>
        %add3A_379 = arith.addf %add3A_359, %mul3A_378 : vector<16xf32>
        %mul3A_380 = arith.mulf %unpack3A_377, %get3A_51 : vector<16xf32>
        %add3A_381 = arith.addf %add3A_361, %mul3A_380 : vector<16xf32>
        %get3A_382 = arith.constant 1 : i32
        %get3A_383 = arith.index_cast %get3A_382 : i32 to index
        %get3A_384 = arith.index_cast %add3A_220 : i32 to index
        %get3A_385 = arith.constant 256 : index
        %get3A_386 = tpu.vector_load %arg11[%get3A_383, %get3A_384, %get3A_385] {strides = array<i32>} : memref<2x32x512xbf16, #tpu.memory_space<vmem>>, vector<32xbf16>,
        %get3A_387 = arith.constant 1 : i32
        %get3A_388 = arith.index_cast %get3A_387 : i32 to index
        %get3A_389 = arith.index_cast %add3A_220 : i32 to index
        %get3A_390 = arith.constant 256 : index
        %get3A_391 = tpu.vector_load %arg12[%get3A_388, %get3A_389, %get3A_390] {strides = array<i32>} : memref<2x32x512xbf16, #tpu.memory_space<vmem>>, vector<32xbf16>,
        %add3A_392 = arith.addf %get3A_386, %get3A_391 : vector<32xbf16>
        %max3A_393 = arith.constant 0.000000e+00 : bf16
        %max3A_394 = vector.broadcast %max3A_393 : bf16 to vector<32xbf16>
        %max3A_395 = arith.maximumf %add3A_392, %max3A_394 : vector<32xbf16>
        %unpack3A_396 = tpu.unpack_subelements %max3A_395, 0 {pack_format = #tpu.pack_format<interleaved>} : vector<32xbf16> -> vector<16xf32>
        %unpack3A_397 = tpu.unpack_subelements %max3A_395, 1 {pack_format = #tpu.pack_format<interleaved>} : vector<32xbf16> -> vector<16xf32>
        %mul3A_398 = arith.mulf %unpack3A_396, %get3A_21 : vector<16xf32>
        %add3A_399 = arith.addf %add3A_379, %mul3A_398 : vector<16xf32>
        %mul3A_400 = arith.mulf %unpack3A_397, %get3A_53 : vector<16xf32>
        %add3A_401 = arith.addf %add3A_381, %mul3A_400 : vector<16xf32>
        %get3A_402 = arith.constant 1 : i32
        %get3A_403 = arith.index_cast %get3A_402 : i32 to index
        %get3A_404 = arith.index_cast %add3A_220 : i32 to index
        %get3A_405 = arith.constant 288 : index
        %get3A_406 = tpu.vector_load %arg11[%get3A_403, %get3A_404, %get3A_405] {strides = array<i32>} : memref<2x32x512xbf16, #tpu.memory_space<vmem>>, vector<32xbf16>,
        %get3A_407 = arith.constant 1 : i32
        %get3A_408 = arith.index_cast %get3A_407 : i32 to index
        %get3A_409 = arith.index_cast %add3A_220 : i32 to index
        %get3A_410 = arith.constant 288 : index
        %get3A_411 = tpu.vector_load %arg12[%get3A_408, %get3A_409, %get3A_410] {strides = array<i32>} : memref<2x32x512xbf16, #tpu.memory_space<vmem>>, vector<32xbf16>,
        %add3A_412 = arith.addf %get3A_406, %get3A_411 : vector<32xbf16>
        %max3A_413 = arith.constant 0.000000e+00 : bf16
        %max3A_414 = vector.broadcast %max3A_413 : bf16 to vector<32xbf16>
        %max3A_415 = arith.maximumf %add3A_412, %max3A_414 : vector<32xbf16>
        %unpack3A_416 = tpu.unpack_subelements %max3A_415, 0 {pack_format = #tpu.pack_format<interleaved>} : vector<32xbf16> -> vector<16xf32>
        %unpack3A_417 = tpu.unpack_subelements %max3A_415, 1 {pack_format = #tpu.pack_format<interleaved>} : vector<32xbf16> -> vector<16xf32>
        %mul3A_418 = arith.mulf %unpack3A_416, %get3A_23 : vector<16xf32>
        %add3A_419 = arith.addf %add3A_399, %mul3A_418 : vector<16xf32>
        %mul3A_420 = arith.mulf %unpack3A_417, %get3A_55 : vector<16xf32>
        %add3A_421 = arith.addf %add3A_401, %mul3A_420 : vector<16xf32>
        %get3A_422 = arith.constant 1 : i32
        %get3A_423 = arith.index_cast %get3A_422 : i32 to index
        %get3A_424 = arith.index_cast %add3A_220 : i32 to index
        %get3A_425 = arith.constant 320 : index
        %get3A_426 = tpu.vector_load %arg11[%get3A_423, %get3A_424, %get3A_425] {strides = array<i32>} : memref<2x32x512xbf16, #tpu.memory_space<vmem>>, vector<32xbf16>,
        %get3A_427 = arith.constant 1 : i32
        %get3A_428 = arith.index_cast %get3A_427 : i32 to index
        %get3A_429 = arith.index_cast %add3A_220 : i32 to index
        %get3A_430 = arith.constant 320 : index
        %get3A_431 = tpu.vector_load %arg12[%get3A_428, %get3A_429, %get3A_430] {strides = array<i32>} : memref<2x32x512xbf16, #tpu.memory_space<vmem>>, vector<32xbf16>,
        %add3A_432 = arith.addf %get3A_426, %get3A_431 : vector<32xbf16>
        %max3A_433 = arith.constant 0.000000e+00 : bf16
        %max3A_434 = vector.broadcast %max3A_433 : bf16 to vector<32xbf16>
        %max3A_435 = arith.maximumf %add3A_432, %max3A_434 : vector<32xbf16>
        %unpack3A_436 = tpu.unpack_subelements %max3A_435, 0 {pack_format = #tpu.pack_format<interleaved>} : vector<32xbf16> -> vector<16xf32>
        %unpack3A_437 = tpu.unpack_subelements %max3A_435, 1 {pack_format = #tpu.pack_format<interleaved>} : vector<32xbf16> -> vector<16xf32>
        %mul3A_438 = arith.mulf %unpack3A_436, %get3A_25 : vector<16xf32>
        %add3A_439 = arith.addf %add3A_419, %mul3A_438 : vector<16xf32>
        %mul3A_440 = arith.mulf %unpack3A_437, %get3A_57 : vector<16xf32>
        %add3A_441 = arith.addf %add3A_421, %mul3A_440 : vector<16xf32>
        %get3A_442 = arith.constant 1 : i32
        %get3A_443 = arith.index_cast %get3A_442 : i32 to index
        %get3A_444 = arith.index_cast %add3A_220 : i32 to index
        %get3A_445 = arith.constant 352 : index
        %get3A_446 = tpu.vector_load %arg11[%get3A_443, %get3A_444, %get3A_445] {strides = array<i32>} : memref<2x32x512xbf16, #tpu.memory_space<vmem>>, vector<32xbf16>,
        %get3A_447 = arith.constant 1 : i32
        %get3A_448 = arith.index_cast %get3A_447 : i32 to index
        %get3A_449 = arith.index_cast %add3A_220 : i32 to index
        %get3A_450 = arith.constant 352 : index
        %get3A_451 = tpu.vector_load %arg12[%get3A_448, %get3A_449, %get3A_450] {strides = array<i32>} : memref<2x32x512xbf16, #tpu.memory_space<vmem>>, vector<32xbf16>,
        %add3A_452 = arith.addf %get3A_446, %get3A_451 : vector<32xbf16>
        %max3A_453 = arith.constant 0.000000e+00 : bf16
        %max3A_454 = vector.broadcast %max3A_453 : bf16 to vector<32xbf16>
        %max3A_455 = arith.maximumf %add3A_452, %max3A_454 : vector<32xbf16>
        %unpack3A_456 = tpu.unpack_subelements %max3A_455, 0 {pack_format = #tpu.pack_format<interleaved>} : vector<32xbf16> -> vector<16xf32>
        %unpack3A_457 = tpu.unpack_subelements %max3A_455, 1 {pack_format = #tpu.pack_format<interleaved>} : vector<32xbf16> -> vector<16xf32>
        %mul3A_458 = arith.mulf %unpack3A_456, %get3A_27 : vector<16xf32>
        %add3A_459 = arith.addf %add3A_439, %mul3A_458 : vector<16xf32>
        %mul3A_460 = arith.mulf %unpack3A_457, %get3A_59 : vector<16xf32>
        %add3A_461 = arith.addf %add3A_441, %mul3A_460 : vector<16xf32>
        %get3A_462 = arith.constant 1 : i32
        %get3A_463 = arith.index_cast %get3A_462 : i32 to index
        %get3A_464 = arith.index_cast %add3A_220 : i32 to index
        %get3A_465 = arith.constant 384 : index
        %get3A_466 = tpu.vector_load %arg11[%get3A_463, %get3A_464, %get3A_465] {strides = array<i32>} : memref<2x32x512xbf16, #tpu.memory_space<vmem>>, vector<32xbf16>,
        %get3A_467 = arith.constant 1 : i32
        %get3A_468 = arith.index_cast %get3A_467 : i32 to index
        %get3A_469 = arith.index_cast %add3A_220 : i32 to index
        %get3A_470 = arith.constant 384 : index
        %get3A_471 = tpu.vector_load %arg12[%get3A_468, %get3A_469, %get3A_470] {strides = array<i32>} : memref<2x32x512xbf16, #tpu.memory_space<vmem>>, vector<32xbf16>,
        %add3A_472 = arith.addf %get3A_466, %get3A_471 : vector<32xbf16>
        %max3A_473 = arith.constant 0.000000e+00 : bf16
        %max3A_474 = vector.broadcast %max3A_473 : bf16 to vector<32xbf16>
        %max3A_475 = arith.maximumf %add3A_472, %max3A_474 : vector<32xbf16>
        %unpack3A_476 = tpu.unpack_subelements %max3A_475, 0 {pack_format = #tpu.pack_format<interleaved>} : vector<32xbf16> -> vector<16xf32>
        %unpack3A_477 = tpu.unpack_subelements %max3A_475, 1 {pack_format = #tpu.pack_format<interleaved>} : vector<32xbf16> -> vector<16xf32>
        %mul3A_478 = arith.mulf %unpack3A_476, %get3A_29 : vector<16xf32>
        %add3A_479 = arith.addf %add3A_459, %mul3A_478 : vector<16xf32>
        %mul3A_480 = arith.mulf %unpack3A_477, %get3A_61 : vector<16xf32>
        %add3A_481 = arith.addf %add3A_461, %mul3A_480 : vector<16xf32>
        %get3A_482 = arith.constant 1 : i32
        %get3A_483 = arith.index_cast %get3A_482 : i32 to index
        %get3A_484 = arith.index_cast %add3A_220 : i32 to index
        %get3A_485 = arith.constant 416 : index
        %get3A_486 = tpu.vector_load %arg11[%get3A_483, %get3A_484, %get3A_485] {strides = array<i32>} : memref<2x32x512xbf16, #tpu.memory_space<vmem>>, vector<32xbf16>,
        %get3A_487 = arith.constant 1 : i32
        %get3A_488 = arith.index_cast %get3A_487 : i32 to index
        %get3A_489 = arith.index_cast %add3A_220 : i32 to index
        %get3A_490 = arith.constant 416 : index
        %get3A_491 = tpu.vector_load %arg12[%get3A_488, %get3A_489, %get3A_490] {strides = array<i32>} : memref<2x32x512xbf16, #tpu.memory_space<vmem>>, vector<32xbf16>,
        %add3A_492 = arith.addf %get3A_486, %get3A_491 : vector<32xbf16>
        %max3A_493 = arith.constant 0.000000e+00 : bf16
        %max3A_494 = vector.broadcast %max3A_493 : bf16 to vector<32xbf16>
        %max3A_495 = arith.maximumf %add3A_492, %max3A_494 : vector<32xbf16>
        %unpack3A_496 = tpu.unpack_subelements %max3A_495, 0 {pack_format = #tpu.pack_format<interleaved>} : vector<32xbf16> -> vector<16xf32>
        %unpack3A_497 = tpu.unpack_subelements %max3A_495, 1 {pack_format = #tpu.pack_format<interleaved>} : vector<32xbf16> -> vector<16xf32>
        %mul3A_498 = arith.mulf %unpack3A_496, %get3A_31 : vector<16xf32>
        %add3A_499 = arith.addf %add3A_479, %mul3A_498 : vector<16xf32>
        %mul3A_500 = arith.mulf %unpack3A_497, %get3A_63 : vector<16xf32>
        %add3A_501 = arith.addf %add3A_481, %mul3A_500 : vector<16xf32>
        %get3A_502 = arith.constant 1 : i32
        %get3A_503 = arith.index_cast %get3A_502 : i32 to index
        %get3A_504 = arith.index_cast %add3A_220 : i32 to index
        %get3A_505 = arith.constant 448 : index
        %get3A_506 = tpu.vector_load %arg11[%get3A_503, %get3A_504, %get3A_505] {strides = array<i32>} : memref<2x32x512xbf16, #tpu.memory_space<vmem>>, vector<32xbf16>,
        %get3A_507 = arith.constant 1 : i32
        %get3A_508 = arith.index_cast %get3A_507 : i32 to index
        %get3A_509 = arith.index_cast %add3A_220 : i32 to index
        %get3A_510 = arith.constant 448 : index
        %get3A_511 = tpu.vector_load %arg12[%get3A_508, %get3A_509, %get3A_510] {strides = array<i32>} : memref<2x32x512xbf16, #tpu.memory_space<vmem>>, vector<32xbf16>,
        %add3A_512 = arith.addf %get3A_506, %get3A_511 : vector<32xbf16>
        %max3A_513 = arith.constant 0.000000e+00 : bf16
        %max3A_514 = vector.broadcast %max3A_513 : bf16 to vector<32xbf16>
        %max3A_515 = arith.maximumf %add3A_512, %max3A_514 : vector<32xbf16>
        %unpack3A_516 = tpu.unpack_subelements %max3A_515, 0 {pack_format = #tpu.pack_format<interleaved>} : vector<32xbf16> -> vector<16xf32>
        %unpack3A_517 = tpu.unpack_subelements %max3A_515, 1 {pack_format = #tpu.pack_format<interleaved>} : vector<32xbf16> -> vector<16xf32>
        %mul3A_518 = arith.mulf %unpack3A_516, %get3A_33 : vector<16xf32>
        %add3A_519 = arith.addf %add3A_499, %mul3A_518 : vector<16xf32>
        %mul3A_520 = arith.mulf %unpack3A_517, %get3A_65 : vector<16xf32>
        %add3A_521 = arith.addf %add3A_501, %mul3A_520 : vector<16xf32>
        %get3A_522 = arith.constant 1 : i32
        %get3A_523 = arith.index_cast %get3A_522 : i32 to index
        %get3A_524 = arith.index_cast %add3A_220 : i32 to index
        %get3A_525 = arith.constant 480 : index
        %get3A_526 = tpu.vector_load %arg11[%get3A_523, %get3A_524, %get3A_525] {strides = array<i32>} : memref<2x32x512xbf16, #tpu.memory_space<vmem>>, vector<32xbf16>,
        %get3A_527 = arith.constant 1 : i32
        %get3A_528 = arith.index_cast %get3A_527 : i32 to index
        %get3A_529 = arith.index_cast %add3A_220 : i32 to index
        %get3A_530 = arith.constant 480 : index
        %get3A_531 = tpu.vector_load %arg12[%get3A_528, %get3A_529, %get3A_530] {strides = array<i32>} : memref<2x32x512xbf16, #tpu.memory_space<vmem>>, vector<32xbf16>,
        %add3A_532 = arith.addf %get3A_526, %get3A_531 : vector<32xbf16>
        %max3A_533 = arith.constant 0.000000e+00 : bf16
        %max3A_534 = vector.broadcast %max3A_533 : bf16 to vector<32xbf16>
        %max3A_535 = arith.maximumf %add3A_532, %max3A_534 : vector<32xbf16>
        %unpack3A_536 = tpu.unpack_subelements %max3A_535, 0 {pack_format = #tpu.pack_format<interleaved>} : vector<32xbf16> -> vector<16xf32>
        %unpack3A_537 = tpu.unpack_subelements %max3A_535, 1 {pack_format = #tpu.pack_format<interleaved>} : vector<32xbf16> -> vector<16xf32>
        %mul3A_538 = arith.mulf %unpack3A_536, %get3A_35 : vector<16xf32>
        %add3A_539 = arith.addf %add3A_519, %mul3A_538 : vector<16xf32>
        %mul3A_540 = arith.mulf %unpack3A_537, %get3A_67 : vector<16xf32>
        %add3A_541 = arith.addf %add3A_521, %mul3A_540 : vector<16xf32>
        %add3A_542 = arith.addf %add3A_539, %add3A_541 : vector<16xf32>
        %reduce_sum3A = arith.constant true
        %reduce_sum3A_543 = vector.broadcast %reduce_sum3A : i1 to vector<16xi1>
        %reduce_sum3A_544 = tpu.scan <sum>, %add3A_542 masked %reduce_sum3A_543 : vector<16xf32>, vector<16xi1> -> vector<16xf32>
        %reduce_sum3A_545 = vector.extract %reduce_sum3A_544[15] : f32 from vector<16xf32>
        %eq3A = vector.broadcast %scan3A_217 : i32 to vector<16xi32>
        %eq3A_546 = arith.cmpi eq, %iota3A, %eq3A : vector<16xi32>
        %broadcast_in_dim3A_547 = vector.broadcast %reduce_sum3A_545 : f32 to vector<16xf32>
        %select_n3A = arith.select %eq3A_546, %broadcast_in_dim3A_547, %scan3A_218 : vector<16xi1>, vector<16xf32>
        scf.yield %select_n3A : vector<16xf32>
      }
      %scan3A_205 = arith.constant 16 : i32
      %add3A_206 = arith.constant 16 : i32
      %add3A_207 = arith.addi %multiple_of3A_189, %add3A_206 : i32
      %swap3A_208 = arith.index_cast %add3A_207 : i32 to index
      %swap3A_209 = tpu.vector_load %arg16[%swap3A_208] {strides = array<i32>} : memref<5056xf32, #tpu.memory_space<vmem>>, vector<16xf32>,
      tpu.vector_store %arg16[%swap3A_208], %scan3A_204 {strides = array<i32>} : memref<5056xf32, #tpu.memory_space<vmem>>, vector<16xf32>,
      %add3A_210 = arith.constant 2 : i32
      %add3A_211 = arith.addi %add3A_165, %add3A_210 : i32
      %lt3A_212 = arith.constant 158 : i32
      %lt3A_213 = arith.cmpi slt, %add3A_211, %lt3A_212 : i32
      %convert_element_type3A_214 = arith.extui %lt3A_213 : i1 to i32
      %cond3A_215 = arith.constant 0 : i32
      %cond3A_216 = arith.cmpi ne, %convert_element_type3A_214, %cond3A_215 : i32
      scf.if %cond3A_216 {
        %add3A_217 = arith.constant 2 : i32
        %add3A_218 = arith.addi %add3A_165, %add3A_217 : i32
        %mul3A_219 = arith.constant 32 : i32
        %mul3A_220 = arith.muli %add3A_218, %mul3A_219 : i32
        %multiple_of3A_221 = tpu.assume_multiple %mul3A_220, 32 : i32
        %dma_start3A_222 = arith.constant 1 : i32
        %dma_start3A_223 = arith.constant 0 : i32
        %dma_start3A_224 = arith.constant 0 : i32
        %dma_start3A_225 = tpu.memref_slice %arg11[%dma_start3A_222, %dma_start3A_223, %dma_start3A_224] : memref<2x32x512xbf16, #tpu.memory_space<vmem>> -> memref<1x32x512xbf16, #tpu.memory_space<vmem>>
        %dma_start3A_226 = tpu.memref_squeeze %dma_start3A_225 : memref<1x32x512xbf16, #tpu.memory_space<vmem>> -> memref<32x512xbf16, #tpu.memory_space<vmem>>
        %dma_start3A_227 = tpu.memref_slice %arg9[%multiple_of3A_221] : memref<5056xi32, #tpu.memory_space<vmem>> -> memref<32xi32, #tpu.memory_space<vmem>>
        %dma_start3A_228 = arith.constant 0 : i32
        %dma_start3A_229 = arith.constant 0 : i32
        %dma_start3A_230 = tpu.memref_slice %arg2[%dma_start3A_228, %dma_start3A_229] : memref<10000x512xbf16, #tpu.memory_space<hbm>> -> memref<10000x512xbf16, #tpu.memory_space<hbm>>
        tpu.enqueue_indirect_dma source(%dma_start3A_230 : memref<10000x512xbf16, #tpu.memory_space<hbm>>) target(%dma_start3A_226 : memref<32x512xbf16, #tpu.memory_space<vmem>>) offsets(%dma_start3A_227 : memref<32xi32, #tpu.memory_space<vmem>>) semaphore(%arg18 : memref<!tpu.dma_semaphore, #tpu.memory_space<semaphore_mem>>)
        %dma_start3A_231 = arith.constant 1 : i32
        %dma_start3A_232 = arith.constant 0 : i32
        %dma_start3A_233 = arith.constant 0 : i32
        %dma_start3A_234 = tpu.memref_slice %arg12[%dma_start3A_231, %dma_start3A_232, %dma_start3A_233] : memref<2x32x512xbf16, #tpu.memory_space<vmem>> -> memref<1x32x512xbf16, #tpu.memory_space<vmem>>
        %dma_start3A_235 = tpu.memref_squeeze %dma_start3A_234 : memref<1x32x512xbf16, #tpu.memory_space<vmem>> -> memref<32x512xbf16, #tpu.memory_space<vmem>>
        %dma_start3A_236 = tpu.memref_slice %arg10[%multiple_of3A_221] : memref<5056xi32, #tpu.memory_space<vmem>> -> memref<32xi32, #tpu.memory_space<vmem>>
        %dma_start3A_237 = arith.constant 0 : i32
        %dma_start3A_238 = arith.constant 0 : i32
        %dma_start3A_239 = tpu.memref_slice %arg2[%dma_start3A_237, %dma_start3A_238] : memref<10000x512xbf16, #tpu.memory_space<hbm>> -> memref<10000x512xbf16, #tpu.memory_space<hbm>>
        tpu.enqueue_indirect_dma source(%dma_start3A_239 : memref<10000x512xbf16, #tpu.memory_space<hbm>>) target(%dma_start3A_235 : memref<32x512xbf16, #tpu.memory_space<vmem>>) offsets(%dma_start3A_236 : memref<32xi32, #tpu.memory_space<vmem>>) semaphore(%arg18 : memref<!tpu.dma_semaphore, #tpu.memory_space<semaphore_mem>>)
      } else {
      }
    }
    %scan3A_110 = arith.constant 79 : i32
    "tpu.region"() ({
      %run_scoped3A = tpu.sem_alloc : memref<!tpu.dma_semaphore, #tpu.memory_space<semaphore_mem>>
      %dma_start3A_111 = tpu.memref_slice %arg8[%mul3A_2] : memref<161792xf32, #tpu.memory_space<hbm>> -> memref<5056xf32, #tpu.memory_space<hbm>>
      %dma_start3A_112 = tpu.memref_slice %arg8[%mul3A_2] : memref<161792xf32, #tpu.memory_space<hbm>> -> memref<5056xf32, #tpu.memory_space<hbm>>
      tpu.enqueue_dma source(%arg16 : memref<5056xf32, #tpu.memory_space<vmem>>) target(%dma_start3A_112 : memref<5056xf32, #tpu.memory_space<hbm>>) target_semaphore(%run_scoped3A : memref<!tpu.dma_semaphore, #tpu.memory_space<semaphore_mem>>)
      %dma_wait3A = tpu.memref_slice %arg8[%mul3A_2] : memref<161792xf32, #tpu.memory_space<hbm>> -> memref<5056xf32, #tpu.memory_space<hbm>>
      %dma_wait3A_113 = tpu.memref_slice %arg8[%mul3A_2] : memref<161792xf32, #tpu.memory_space<hbm>> -> memref<5056xf32, #tpu.memory_space<hbm>>
      tpu.wait_dma2 semaphore(%run_scoped3A : memref<!tpu.dma_semaphore, #tpu.memory_space<semaphore_mem>>) src(%arg16 : memref<5056xf32, #tpu.memory_space<vmem>>) dst(%dma_wait3A_113 : memref<5056xf32, #tpu.memory_space<hbm>>)
      tpu.yield
    }) : () -> ()
    return
  }
}

module attributes {stable_mosaic.version = 14 : i64} {
  func.func @_mm_body(%arg0: i32, %arg1: memref<2000x256xf32, #tpu.memory_space<vmem>>, %arg2: memref<256x512xf32, #tpu.memory_space<vmem>>, %arg3: memref<1x512xf32, #tpu.memory_space<vmem>>, %arg4: memref<2000x512xbf16, #tpu.memory_space<vmem>>) attributes {dimension_semantics = [#tpu.dimension_semantics<arbitrary>], iteration_bounds = array<i64: 5>, scalar_prefetch = 0 : i64, scratch_operands = 0 : i64, tpu.core_type = #tpu.core_type<tc>, window_params = [{transform_indices = @transform_0, window_bounds = array<i64: 2000, 256>}, {pipeline_mode = #tpu.pipeline_mode<synchronous>, transform_indices = @transform_1, window_bounds = array<i64: 256, 512>}, {pipeline_mode = #tpu.pipeline_mode<synchronous>, transform_indices = @transform_2, window_bounds = array<i64: 1, 512>}, {transform_indices = @transform_3, window_bounds = array<i64: 2000, 512>}]} {
    %get3A = arith.constant 0 : index
    %get3A_0 = arith.constant 0 : index
    %get3A_1 = vector.load %arg1[%get3A, %get3A_0] : memref<2000x256xf32, #tpu.memory_space<vmem>>, vector<2000x256xf32>
    %get3A_2 = arith.constant 0 : index
    %get3A_3 = arith.constant 0 : index
    %get3A_4 = vector.load %arg2[%get3A_2, %get3A_3] : memref<256x512xf32, #tpu.memory_space<vmem>>, vector<256x512xf32>
    %dot_general3A = arith.constant dense<0.000000e+00> : vector<2000x512xf32>
    %dot_general3A_5 = tpu.matmul %get3A_1, %get3A_4, %dot_general3A {dimension_numbers = #tpu.dot_dimension_numbers<[1], [0], [0], [1], [0, 0, 1, 1], [], []>, transpose_lhs_hint = false} : vector<2000x256xf32>, vector<256x512xf32>, vector<2000x512xf32> -> vector<2000x512xf32>
    %get3A_6 = arith.constant 0 : index
    %get3A_7 = arith.constant 0 : index
    %get3A_8 = vector.load %arg3[%get3A_6, %get3A_7] : memref<1x512xf32, #tpu.memory_space<vmem>>, vector<1x512xf32>
    %mul3A = arith.constant 5.000000e-01 : f32
    %mul3A_9 = vector.broadcast %mul3A : f32 to vector<1x512xf32>
    %mul3A_10 = arith.mulf %mul3A_9, %get3A_8 : vector<1x512xf32>
    %add3A = vector.broadcast %mul3A_10 : vector<1x512xf32> to vector<2000x512xf32>
    %add3A_11 = arith.addf %dot_general3A_5, %add3A : vector<2000x512xf32>
    %convert_element_type3A = arith.truncf %add3A_11 : vector<2000x512xf32> to vector<2000x512xbf16>
    %swap3A = arith.constant 0 : index
    %swap3A_12 = arith.constant 0 : index
    %swap3A_13 = vector.load %arg4[%swap3A, %swap3A_12] : memref<2000x512xbf16, #tpu.memory_space<vmem>>, vector<2000x512xbf16>
    tpu.vector_store %arg4[%swap3A, %swap3A_12], %convert_element_type3A {strides = array<i32>} : memref<2000x512xbf16, #tpu.memory_space<vmem>>, vector<2000x512xbf16>,
    return
  }
  func.func @transform_0(%arg0: i32) -> (i32, i32) {
    %c0_i32 = arith.constant 0 : i32
    %c0_i32_0 = arith.constant 0 : i32
    return %arg0, %c0_i32 : i32, i32
  }
  func.func @transform_1(%arg0: i32) -> (i32, i32) {
    %c0_i32 = arith.constant 0 : i32
    %c0_i32_0 = arith.constant 0 : i32
    %c0_i32_1 = arith.constant 0 : i32
    return %c0_i32, %c0_i32_0 : i32, i32
  }
  func.func @transform_2(%arg0: i32) -> (i32, i32) {
    %c0_i32 = arith.constant 0 : i32
    %c0_i32_0 = arith.constant 0 : i32
    %c0_i32_1 = arith.constant 0 : i32
    return %c0_i32, %c0_i32_0 : i32, i32
  }
  func.func @transform_3(%arg0: i32) -> (i32, i32) {
    %c0_i32 = arith.constant 0 : i32
    %c0_i32_0 = arith.constant 0 : i32
    return %arg0, %c0_i32 : i32, i32
  }
}

</mosaic_0001>

<sc_bundles>
// kernel: kernel.4.cloned.1.call-start
scs
__scs_entry_jumppad:
0x0: {  	(pc) =	sbr.rel $0x88, $3  }
0x1: {  	(tag) =	ssettag $0x0;
	lr =	simm.s32 $0x1  }
0x2: {  	[smem:$0x3F9B] =	sst lr;
	_ =	strace $0xD0000000  }
0x3: {  	_ = 	snop  }
0x4: {  	_ = 	snop  }
0x5: {  	_ = 	snop  }
0x6: {  	_ = 	snop  }
0x7: {  	_ = 	snop  }
__scs_overlays_trampoline_lowered:
0x8: {  	[smem:$0x3FAA] =	sst s0  }
0x9: {  	[smem:$0x3FAB] =	sst s1  }
0xa: {  	[smem:$0x3FAC] =	sst s2  }
0xb: {  	[smem:$0x3FAD] =	sst s3  }
0xc: {  	[smem:$0x3FAE] =	sst s4  }
0xd: {  	[smem:$0x3FAF] =	sst s5  }
0xe: {  	[smem:$0x3FB0] =	sst s6  }
0xf: {  	[smem:$0x3FB1] =	sst s7  }
0x10: {  	[smem:$0x3FB2] =	sst s8  }
0x11: {  	[smem:$0x3FB3] =	sst s9;
	s0 =	simm.s32 @!p0 $0x0  }
0x12: {  	s1 =	sld [smem:$0x3F99];
	s0 =	simm.s32 @p0 $0x1  }
0x13: {  	[smem:$0x3FB4] =	sst s0;
	s0 =	simm.s32 @!p1 $0x0  }
0x14: {  	s2 =	sld [smem:$0x3F98];
	s0 =	simm.s32 @p1 $0x1  }
0x15: {  	[smem:$0x3FB5] =	sst s0;
	s0 =	simm.s32 @!p2 $0x0  }
0x16: {  	s3 =	sld [smem:$0x3FDB];
	s0 =	simm.s32 @p2 $0x1  }
0x17: {  	s4 =	simm.s32 $0x1BF5;
	[smem:$0x3FB7] =	sst s0  }
0x18: {  	s0 =	sld [smem:$0x3F9A];
	_ =	swait.ge [sflag:s4], $0x0  }
0x19: {  	s7 =	sld [smem:$0x3F9B]  }
0x1a: {  	s8 =	sadd.s32 $0xFFFFE003, lr  }
0x1b: {  	s9 =	sadd.s32 $0xFFFFFEF7, lr;
	s5 =	simm.s32 $0xFFFFFFFF;
	p2 =	slt.u32 s8, $0xFFFFF086  }
0x1c: {  	p1 =	slt.u32 s9, $0xF7A;
	s5 =	simm.s32 @!p2 $0x0  }
0x1d: {  	s5 =	simm.s32 @p1 $0x1;
	p0 =	seq.s32 s7, s2  }
0x1e: {  	s7 =	smul.u32 @!p0 $0xF7A, s2;
	p2 =	seq.s32 @!p0 s5, $0x0  }
0x1f: {  	s9 =	smul.u32 $0xF7A, s1;
	s8 =	simm.s32 @!p0 $0x1BF5;
	p2 =	por !p2, p0  }
0x20: {  	[sflag:s8] =	ssyncset.s32 @!p0 $0xFFFFF086;
	s6 =	sadd.s32 @!p0 s3, s7;
	s7 =	simm.s32 @!p0 $0x108  }
0x21: {  	s3 =	sadd.s32 s3, s9;
	s6 =	sadd.s32 @!p0 $0x88, s6;
	s7 =	simm.s32 @p2 $0x1082  }
0x22: {  	[simem:s7], [sflag:s8] =	dma.local @!p0 [hbm:s6], $0xF7A  }
0x23: {  	s9 =	sor.u32 $0xD0000000, s2;
	s6 =	simm.s32 $0x108;
	_ =	swait.ge @!p0 [sflag:s8], $0x0  }
0x24: {  	s3 =	sadd.s32 $0x88, s3;
	s6 =	simm.s32 @!p1 $0x1082;
	[sflag:s4] =	ssyncset.s32 $0xFFFFF086  }
0x25: {  	[simem:s6], [sflag:s4] =	dma.local [hbm:s3], $0xF7A  }
0x26: {  	[smem:$0x3F9B] =	sst s1;
	(tag) =	ssettag s2;
	_ =	strace s9  }
0x27: {  	s1 =	sld [smem:$0x3FAB]  }
0x28: {  	s2 =	sld [smem:$0x3FAC]  }
0x29: {  	s4 =	sld [smem:$0x3FAE]  }
0x2a: {  	p0 =	seq.s32 s5, $0x0;
	s5 =	sld [smem:$0x3FAF]  }
0x2b: {  	s6 =	sld [smem:$0x3FB0]  }
0x2c: {  	s7 =	sld [smem:$0x3FB1]  }
0x2d: {  	s3 =	simm.s32 $0x108;
	s8 =	sld [smem:$0x3FB2]  }
0x2e: {  	s3 =	simm.s32 @!p0 $0x1082;
	s9 =	sld [smem:$0x3FB3]  }
0x2f: {  	lr =	sadd.s32 s0, s3;
	s0 =	sld [smem:$0x3FAA]  }
0x30: {  	s3 =	sld [smem:$0x3FAD]  }
0x31: {  	[smem:$0x3FB6] =	sst s10  }
0x32: {  	s10 =	sld [smem:$0x3FB4];
	_ =	sdelay $0x3  }
0x33: {  	p0 =	seq.s32 s10, $0x1;
	s10 =	sld [smem:$0x3FB6];
	_ =	sdelay $0x3  }
0x34: {  	[smem:$0x3FB6] =	sst s10  }
0x35: {  	s10 =	sld [smem:$0x3FB5];
	_ =	sdelay $0x3  }
0x36: {  	p1 =	seq.s32 s10, $0x1;
	s10 =	sld [smem:$0x3FB6];
	_ =	sdelay $0x3  }
0x37: {  	[smem:$0x3FB6] =	sst s10  }
0x38: {  	s10 =	sld [smem:$0x3FB7]  }
0x39: {  	_ = 	snop;
	(pc) =	sbr.ind lr, $3  }
0x3a: {  	_ = 	snop  }
0x3b: {  	_ = 	snop  }
0x3c: {  	p2 =	seq.s32 s10, $0x1;
	s10 =	sld [smem:$0x3FB6]  }
0x3d: {  	_ =	shalt  }
0x3e: {  	_ =	shalt  }
0x3f: {  	_ =	shalt  }
0x40: {  	_ =	shalt  }
0x41: {  	_ =	shalt  }
0x42: {  	_ =	shalt  }
0x43: {  	_ =	shalt  }
0x44: {  	_ =	shalt  }
0x45: {  	_ =	shalt  }
0x46: {  	_ =	shalt  }
0x47: {  	_ =	shalt  }
0x48: {  	_ =	shalt  }
0x49: {  	_ =	shalt  }
0x4a: {  	_ =	shalt  }
0x4b: {  	_ =	shalt  }
0x4c: {  	_ =	shalt  }
0x4d: {  	_ =	shalt  }
0x4e: {  	_ =	shalt  }
0x4f: {  	_ =	shalt  }
0x50: {  	_ =	shalt  }
0x51: {  	_ =	shalt  }
0x52: {  	_ =	shalt  }
0x53: {  	_ =	shalt  }
0x54: {  	_ =	shalt  }
0x55: {  	_ =	shalt  }
0x56: {  	_ =	shalt  }
0x57: {  	_ =	shalt  }
0x58: {  	_ =	shalt  }
0x59: {  	_ =	shalt  }
0x5a: {  	_ =	shalt  }
0x5b: {  	_ =	shalt  }
0x5c: {  	_ =	shalt  }
0x5d: {  	_ =	shalt  }
0x5e: {  	_ =	shalt  }
0x5f: {  	_ =	shalt  }
0x60: {  	_ =	shalt  }
0x61: {  	_ =	shalt  }
0x62: {  	_ =	shalt  }
0x63: {  	_ =	shalt  }
0x64: {  	_ =	shalt  }
0x65: {  	_ =	shalt  }
0x66: {  	_ =	shalt  }
0x67: {  	_ =	shalt  }
0x68: {  	_ =	shalt  }
0x69: {  	_ =	shalt  }
0x6a: {  	_ =	shalt  }
0x6b: {  	_ =	shalt  }
0x6c: {  	_ =	shalt  }
0x6d: {  	_ =	shalt  }
0x6e: {  	_ =	shalt  }
0x6f: {  	_ =	shalt  }
0x70: {  	_ =	shalt  }
0x71: {  	_ =	shalt  }
0x72: {  	_ =	shalt  }
0x73: {  	_ =	shalt  }
0x74: {  	_ =	shalt  }
0x75: {  	_ =	shalt  }
0x76: {  	_ =	shalt  }
0x77: {  	_ =	shalt  }
0x78: {  	_ =	shalt  }
0x79: {  	_ =	shalt  }
0x7a: {  	_ =	shalt  }
0x7b: {  	_ =	shalt  }
0x7c: {  	_ =	shalt  }
0x7d: {  	_ =	shalt  }
0x7e: {  	_ =	shalt  }
0x7f: {  	_ =	shalt  }
0x80: {  	_ =	shalt  }
0x81: {  	_ =	shalt  }
0x82: {  	_ =	shalt  }
0x83: {  	_ =	shalt  }
0x84: {  	_ =	shalt  }
0x85: {  	_ =	shalt  }
0x86: {  	_ =	shalt  }
0x87: {  	_ =	shalt  }
.Lfunc_end0:
.L_simem_size_0:
called_computation_lowered:
.L_overlay_start_0:
0x88: {  	s2 =	sld [smem:$0x3FD9]  }
0x89: {  	s3 =	sld [smem:$0x3FFE];
	_ =	sdelay $0x1  }
0x8a: {  	s1 =	srdreg.scid  }
0x8b: {  	s0 =	sand.u32 $0x1, s1  }
0x8c: {  	s17 =	sshll.u32 s0, $0xA;
	s2 =	sadd.s32 s3, s2  }
0x8d: {  	s2 =	sadd.s32 s2, s17  }
0x8e: {  	[smem:$0x3FC2] =	sst s2  }
0x8f: {  	_ = 	snop  }
0x90: {  	s2 =	sld [smem:$0x3FD0];
	(tm) =	ssettm $0x1  }
0x91: {  	s18 =	sld [smem:$0x3FFB];
	_ =	sdelay $0x3  }
0x92: {  	_ =	strace s18  }
0x93: {  	s3 =	sld [smem:$0x3FFC];
	_ =	sdelay $0x3  }
0x94: {  	_ =	strace s3  }
0x95: {  	s3 =	sld [smem:$0x3FFD];
	_ =	sdelay $0x3  }
0x96: {  	_ =	strace s3  }
0x97: {  	_ =	strace $0x8FFFFFFF  }
0x98: {  	s19 =	sld [smem:$0x3FDB];
	_ =	sdelay $0x1  }
0x99: {  	s4 =	simm.s32 $_scs_section_size  }
0x9a: {  	s5 =	simm.s32 $_size__tile_overlayer_lowered;
	s6 =	simm.s32 $_tile_overlayer_lowered  }
0x9b: {  	s22 =	simm.s32 $0x1BFF;
	s21 =	sshll.u32 s6, $0x1;
	s3 =	sadd.s32 s4, s19  }
0x9c: {  	s7 =	simm.s32 $0x0;
	s20 =	sshll.u32 s5, $0x1;
	s5 =	sadd.s32 s21, s3  }
0x9d: {  	[timem:s7], [sflag:s22] =	dma.local [hbm:s5], s20  }
0x9e: {  	_ =	swait.ge [sflag:s22], s20  }
0x9f: {  	s4 =	ssub.s32 $0x0, s20;
	[sflag:s22] =	ssyncset.done $0x0  }
0xa0: {  	[sflag:s22] =	ssyncadd.s32 s4;
	_ =	sdelay $0x1  }
0xa1: {  	s23 =	simm.s32 $0x1B8B  }
0xa2: {  	_ =	swait.ge [sflag:s23], $0x1  }
0xa3: {  	[sflag:s23] =	ssyncset.done $0x0  }
0xa4: {  	s25 =	simm.s32 $0x1B8E;
	s24 =	sld [smem:$0x3FFE];
	[sflag:s23] =	ssyncadd.s32 $0xFFFFFFFF  }
0xa5: {  	s26 =	simm.s32 $execute0_lowered;
	[smem:$0x3FD2] =	sst s25  }
0xa6: {  	s5 =	sshll.u32 s26, $0x1;
	_ =	strace $0x80000046;
	[dreg:$0x1] =	wrdreg $0xFFFFFFFF  }
0xa7: {  	s28 =	simm.s32 $_size_execute0_lowered;
	s3 =	sadd.s32 s3, s5;
	[dreg:$0x0] =	wrdreg $0x0  }
0xa8: {  	s5 =	sshll.u32 s28, $0x1;
	[dreg:$0x2] =	wrdreg s3  }
0xa9: {  	[dreg:$0x3] =	wrdreg s5  }
0xaa: {  	[dreg:$0x4] =	wrdreg $0xC0  }
0xab: {  	_ =	task [dreg:s7], $0x5FFFF  }
0xac: {  	[dreg:$0x1] =	wrdreg $0xFFFFFFFF  }
0xad: {  	[dreg:$0x0] =	wrdreg $0x60  }
0xae: {  	[dreg:$0x2] =	wrdreg s24  }
0xaf: {  	[dreg:$0x3] =	wrdreg s2  }
0xb0: {  	[dreg:$0x4] =	wrdreg $0x9  }
0xb1: {  	_ =	task.clear_ibuf [dreg:s7], $0x5FFFF;
	_ =	strace $0x90000046  }
0xb2: {  	s29 =	simm.s32 $0x9;
	_ =	strace $0x80000048  }
0xb3: {  	_ =	swait.ge [sflag:s29], $0x1  }
0xb4: {  	[sflag:s29] =	ssyncadd.s32 $0xFFFFFFFF  }
0xb5: {  	_ =	strace $0x90000048  }
0xb6: {  	_ =	sfence  }
0xb7: {  	s30 =	sld [smem:$0x0];
	_ =	sdelay $0x2  }
0xb8: {  	s31 =	sshll.u32 s1, $0xD;
	s1 =	sshrl.u32 s1, $0x2  }
0xb9: {  	s3 =	sand.u32 $0x4000, s31;
	s1 =	sadd.s32 s1, s30  }
0xba: {  	s0 =	sor.u32 s3, s0;
	s1 =	sshll.u32 s1, $0x11  }
0xbb: {  	s0 =	sor.u32 s1, s0  }
0xbc: {  	s0 =	sadd.s32 $0x8F2B, s0  }
0xbd: {  	[sflag:s0] =	ssyncadd.remote.s32 $0x1  }
0xbe: {  	_ =	sfence.sel $0xFFFF  }
0xbf: {  	[dreg:$0x0] =	wrdreg $0xFFFFFFFF;
	(pc) =	sbr.abs _section_cstart, $3  }
0xc0: {  	[dreg:$0x1] =	wrdreg $0xFFFFFFFF  }
0xc1: {  	_ =	task.clear_ibuf [dreg:s7], $0x2FFFF;
	_ =	strace $0x9FFFFFFF  }
0xc2: {  	(tm) =	ssettm $0x7FFFFFFF  }
0xc3: {  	_ =	shalt  }
tec
execute0_lowered:
.L_overlay_start_1:
0x0: {  	(tag) =	ssettag $0x1  }
0x1: {  	s2 =	rddreg [dreg:$0x0]  }
0x2: {  	s0 =	srdreg.scid;
	s1 =	stileid.u32  }
0x3: {  	s4 =	simm.s32 $0x0;
	s11 =	simm.s32 $0x3;
	s12 =	simm.s32 $0x13C0  }
0x4: {  	s13 =	simm.s32 $0xA780;
	s14 =	simm.s32 $0xA880;
	s15 =	simm.s32 $0xA980  }
0x5: {  	s16 =	simm.s32 $0x20;
	s17 =	simm.s32 $0x2780;
	s18 =	simm.s32 $0x6780  }
0x6: {  	s19 =	simm.s32 $0x4780;
	s20 =	simm.s32 $0x13E0;
	s21 =	simm.s32 $0x8780  }
0x7: {  	s22 =	simm.s32 $0x1;
	s23 =	simm.s32 $0x2;
	s24 =	simm.s32 $0xA990  }
0x8: {  	s25 =	simm.s32 $0x0;
	s0 =	sand.u32 $0x1, s0;
	s1 =	sshll.u32 s1, $0x1  }
.Ltmp0:
0x9: {  	s1 =	sor.u32 s0, s1;
	s0 =	ssub.s32 $0x2, s0;
	(pc) =	sbr.rel .LBB2_1-.Ltmp0, $4  }
0xa: {  	[smem:$0x7FF] =	sst s4;
	s1 =	smul.u32 $0x278, s1;
	s7 =	sshrl.u32 s0, $0x1  }
0xb: {  	s5 =	sadd.s32 $0x58200, s2;
	s6 =	sadd.s32 $0x58600, s2;
	s0 =	ssub.s32 s0, s7  }
0xc: {  	_ =	strace $0x80000047;
	s1 =	sadd.s32 s1, s2;
	s10 =	smax.u32 s0, $0x1  }
0xd: {  	v0 =	vimm.bf16 $0.0e+00;
	v13 =	vlaneseq.u32;
	s7 =	sadd.s32 $0x4E200, s1;
	s8 =	sadd.s32 $0x53200, s1;
	s9 =	sadd.s32 $0x58800, s1  }
.LBB2_12:
0xe: {  	s25 =	sadd.s32 $0x1, s25  }
0xf: {  	p0 =	sne.s32 s25, s10  }
.Ltmp1:
0x10: {  	_ = 	snop;
	(pc) =	sbr.rel @!p0 .LBB2_13-.Ltmp1, $4  }
0x11: {  	[hbm4b:s9+s4] =	stream.linear.scatter [tilespmem:s24], [sflag:$0x3], $0x13C0, $0x38;
	[tilespmem:$0xBD50] =	vst v63  }
0x12: {  	_ =	swait.ge [sflag:s11], $0x13C0  }
0x13: {  	[sflag:s11] =	ssyncset.done $0x0  }
0x14: {  	[sflag:s11] =	ssyncadd.s32 $0xFFFFEC40  }
.LBB2_1:
0x15: {  	[tilespmem:s4], [sflag:$0x3] =	stream.linear.gather [hbm4b:s7+s4], $0x13C0, $0x38;
	[tilespmem:$0xBD50] =	vst v63  }
0x16: {  	_ =	swait.ge [sflag:s11], $0x13C0  }
0x17: {  	[sflag:s11] =	ssyncset.done $0x0  }
0x18: {  	[sflag:s11] =	ssyncadd.s32 $0xFFFFEC40  }
0x19: {  	[tilespmem:s12], [sflag:$0x3] =	stream.linear.gather [hbm4b:s8+s4], $0x13C0, $0x38;
	[tilespmem:$0xBD50] =	vst v63  }
0x1a: {  	_ =	swait.ge [sflag:s11], $0x13C0  }
0x1b: {  	[sflag:s11] =	ssyncset.done $0x0  }
0x1c: {  	[sflag:s11] =	ssyncadd.s32 $0xFFFFEC40  }
0x1d: {  	[tilespmem:s13], [sflag:$0x3] =	stream.linear.gather [hbm4b:s5+s4], $0x100, $0x38;
	[tilespmem:$0xBD50] =	vst v63  }
0x1e: {  	_ =	swait.ge [sflag:s11], $0x100  }
0x1f: {  	[sflag:s11] =	ssyncset.done $0x0  }
0x20: {  	[sflag:s11] =	ssyncadd.s32 $0xFFFFFF00  }
0x21: {  	s0 =	rddreg [dreg:$0x1]  }
0x22: {  	[tilespmem:s14], [sflag:$0x3] =	stream.linear.gather [hbm4b:s0+s4], $0x100, $0x38;
	[tilespmem:$0xBD50] =	vst v63  }
0x23: {  	_ =	swait.ge [sflag:s11], $0x100  }
0x24: {  	[sflag:s11] =	ssyncset.done $0x0  }
0x25: {  	[sflag:s11] =	ssyncadd.s32 $0xFFFFFF00  }
0x26: {  	[tilespmem:s15], [sflag:$0x3] =	stream.linear.gather [hbm4b:s6+s4], $0x10, $0x38;
	[tilespmem:$0xBD50] =	vst v63  }
0x27: {  	_ =	swait.ge [sflag:s11], $0x10  }
0x28: {  	[sflag:s11] =	ssyncset.done $0x0  }
0x29: {  	[sflag:s11] =	ssyncadd.s32 $0xFFFFFFF0  }
0x2a: {  	v1 =	vld [tilespmem:$0xA7F0];
	_ =	sdelay $0x4  }
0x2b: {  	[tilespmem:$0x1FEC0] =	vst v1;
	v1 =	vld [tilespmem:$0xA800];
	_ =	sdelay $0x4  }
0x2c: {  	[tilespmem:$0x1FED0] =	vst v1;
	v1 =	vld [tilespmem:$0xA810];
	_ =	sdelay $0x4  }
0x2d: {  	[tilespmem:$0x1FEE0] =	vst v1;
	v1 =	vld [tilespmem:$0xA820];
	_ =	sdelay $0x1  }
0x2e: {  	v18 =	vld [tilespmem:$0xA980]  }
0x2f: {  	v14 =	vld [tilespmem:$0xA780]  }
0x30: {  	v15 =	vld [tilespmem:$0xA790]  }
0x31: {  	[tilespmem:$0x1FEF0] =	vst v1;
	v1 =	vld [tilespmem:$0xA830]  }
0x32: {  	v16 =	vld [tilespmem:$0xA7A0]  }
0x33: {  	v11 =	vld [tilespmem:$0xA7B0]  }
0x34: {  	v17 =	vld [tilespmem:$0xA7C0]  }
0x35: {  	v32 =	vld [tilespmem:$0xA7D0]  }
0x36: {  	[tilespmem:$0x1FF00] =	vst v1;
	v1 =	vld [tilespmem:$0xA840]  }
0x37: {  	v31 =	vld [tilespmem:$0xA7E0]  }
0x38: {  	v29 =	vld [tilespmem:$0xA890]  }
0x39: {  	v12 =	vld [tilespmem:$0xA8A0]  }
0x3a: {  	v3 =	vld [tilespmem:$0xA8B0]  }
0x3b: {  	[tilespmem:$0x1FF10] =	vst v1;
	v1 =	vld [tilespmem:$0xA850]  }
0x3c: {  	v33 =	vld [tilespmem:$0xA8C0]  }
0x3d: {  	v30 =	vld [tilespmem:$0xA8D0]  }
0x3e: {  	v20 =	vld [tilespmem:$0xA970]  }
0x3f: {  	v34 =	vld [tilespmem:$0xA8E0]  }
0x40: {  	[tilespmem:$0x1FF20] =	vst v1;
	v1 =	vld [tilespmem:$0xA860]  }
0x41: {  	v28 =	vld [tilespmem:$0xA8F0];
	[tilespmem:$0x1FF60] =	vst v18  }
0x42: {  	v27 =	vld [tilespmem:$0xA900];
	[tilespmem:$0x1FF70] =	vst v11  }
0x43: {  	v26 =	vld [tilespmem:$0xA910];
	[tilespmem:$0x1FF80] =	vst v20  }
0x44: {  	v25 =	vld [tilespmem:$0xA920];
	[tilespmem:$0x1FF90] =	vst v31  }
0x45: {  	[tilespmem:$0x1FF30] =	vst v1;
	v1 =	vld [tilespmem:$0xA870]  }
0x46: {  	v24 =	vld [tilespmem:$0xA930];
	[tilespmem:$0x1FFA0] =	vst v32  }
0x47: {  	v23 =	vld [tilespmem:$0xA940];
	[tilespmem:$0x1FFB0] =	vst v17  }
0x48: {  	v22 =	vld [tilespmem:$0xA950];
	[tilespmem:$0x1FFC0] =	vst v29  }
0x49: {  	v21 =	vld [tilespmem:$0xA960];
	[tilespmem:$0x1FFD0] =	vst v30  }
0x4a: {  	[tilespmem:$0x1FF40] =	vst v1;
	v1 =	vld [tilespmem:$0xA880];
	[tilespmem:s17], [sflag:$0x1] =	stream.indirect.gather [hbm4b:s2+s16], $0x100, s4, s16, $0xb8  }
0x4b: {  	[tilespmem:$0x1FFE0] =	vst v33  }
0x4c: {  	[tilespmem:s18], [sflag:$0x1] =	stream.indirect.gather [hbm4b:s2+s16], $0x100, s12, s16, $0xb8;
	[tilespmem:$0xBD50] =	vst v63  }
0x4d: {  	[tilespmem:$0x1FFF0] =	vst v3  }
0x4e: {  	[tilespmem:s19], [sflag:$0x2] =	stream.indirect.gather [hbm4b:s2+s16], $0x100, s16, s16, $0xb8;
	[tilespmem:$0xBD50] =	vst v63  }
0x4f: {  	s26 =	simm.s32 $0x0;
	[tilespmem:$0x1FF50] =	vst v1  }
0x50: {  	[tilespmem:s21], [sflag:$0x2] =	stream.indirect.gather [hbm4b:s2+s16], $0x100, s20, s16, $0xb8;
	[tilespmem:$0xBD50] =	vst v63  }
.LBB2_2:
0x51: {  	_ =	swait.ge [sflag:s22], $0x2000  }
0x52: {  	[sflag:s22] =	ssyncset.done $0x0  }
0x53: {  	[sflag:s22] =	ssyncadd.s32 $0xFFFFE000  }
0x54: {  	_ =	swait.ge [sflag:s22], $0x2000  }
0x55: {  	[sflag:s22] =	ssyncset.done $0x0  }
0x56: {  	s0 =	simm.s32 $0x6800;
	[sflag:s22] =	ssyncadd.s32 $0xFFFFE000  }
0x57: {  	v2 =	vld [tilespmem:s0+$0xFFFFFFA0]  }
0x58: {  	s1 =	simm.s32 $0x2800;
	v36 =	vld [tilespmem:s0+$0x60]  }
0x59: {  	v38 =	vld [tilespmem:s1+$0x60]  }
0x5a: {  	v39 =	vld [tilespmem:s1+$0x50]  }
0x5b: {  	v40 =	vld [tilespmem:s0+$0x30]  }
0x5c: {  	v41 =	vld [tilespmem:s0+$0x50]  }
0x5d: {  	v42 =	vld [tilespmem:s0+$0x10]  }
0x5e: {  	v43 =	vld [tilespmem:s0+$0x40]  }
0x5f: {  	v44 =	vld [tilespmem:s1+$0x40]  }
0x60: {  	v45 =	vld [tilespmem:s1+$0x20]  }
0x61: {  	v46 =	vld [tilespmem:s1+$0x30]  }
0x62: {  	v47 =	vld [tilespmem:s0+$0x20]  }
0x63: {  	v48 =	vld [tilespmem:s1+$0xFFFFFFE0]  }
0x64: {  	v49 =	vld [tilespmem:s0+$0xFFFFFF90]  }
0x65: {  	v50 =	vld [tilespmem:s1+$0x10]  }
0x66: {  	v51 =	vld [tilespmem:s0+$0xFFFFFFC0]  }
0x67: {  	v54 =	vld [tilespmem:s1+$0xFFFFFF80]  }
0x68: {  	v62 =	vld [tilespmem:s0+$0xFFFFFF80]  }
0x69: {  	v55 =	vld [tilespmem:s0+$0xFFFFFFB0]  }
0x6a: {  	v63 =	vld [tilespmem:s1+$0xFFFFFF90]  }
0x6b: {  	v58 =	vld [tilespmem:s1+$0xFFFFFFA0]  }
0x6c: {  	v59 =	vld [tilespmem:s1+$0xFFFFFFB0];
	v36 =	vadd.bf16 v36, v38  }
0x6d: {  	v60 =	vld [tilespmem:s1+$0xFFFFFFC0];
	v43 =	vadd.bf16 v43, v44;
	v46 =	vadd.bf16 v40, v46  }
0x6e: {  	v52 =	vld [tilespmem:s0+$0xFFFFFFF0];
	v39 =	vadd.bf16 v41, v39;
	v41 =	vadd.bf16 v47, v45  }
0x6f: {  	v53 =	vld [tilespmem:s1+$0xFFFFFFF0];
	v54 =	vadd.bf16 v62, v54;
	v42 =	vadd.bf16 v42, v50  }
0x70: {  	v5 =	vld [tilespmem:s1+$0xFFFFFFD0];
	v45 =	vadd.bf16 v49, v63;
	v2 =	vadd.bf16 v2, v58  }
0x71: {  	v38 =	vld [tilespmem:s0+$0xFFFFFFE0];
	v4 =	vadd.bf16 v55, v59;
	v61 =	vmax.bf16 v36, v0;
	v43 =	vmax.bf16 v43, v0  }
0x72: {  	v7 =	vmax.bf16 v46, v0;
	v62 =	vmax.bf16 v54, v0;
	v46 =	vadd.bf16 v51, v60;
	v51 =	vld [tilespmem:s0+$0xFFFFFFD0]  }
0x73: {  	v45 =	vmax.bf16 v45, v0;
	v2 =	vmax.bf16 v2, v0;
	v36 =	vunpack.i.l.bf16.f32 v61  }
0x74: {  	v6 =	vunpack.i.u.bf16.f32 v61;
	v47 =	vunpack.i.l.bf16.f32 v43;
	v63 =	vunpack.i.l.bf16.f32 v62  }
0x75: {  	v8 =	vunpack.i.u.bf16.f32 v43;
	v61 =	vadd.bf16 v52, v53;
	v49 =	vmul.f32 v63, v14  }
0x76: {  	v1 =	vld [tilespmem:$0x1FEC0];
	v40 =	vunpack.i.l.bf16.f32 v2;
	v48 =	vadd.bf16 v38, v48;
	v38 =	vunpack.i.l.bf16.f32 v45  }
0x77: {  	v49 =	vadd.f32 $0.0e+00, v49;
	v54 =	vmul.f32 v38, v15;
	v51 =	vadd.bf16 v51, v5;
	v5 =	vld [tilespmem:$0x1FF50]  }
0x78: {  	v60 =	vld [tilespmem:s0+$0x0];
	v52 =	vmax.bf16 v4, v0;
	v50 =	vunpack.i.u.bf16.f32 v62;
	v58 =	vmul.f32 v40, v16  }
0x79: {  	v46 =	vmax.bf16 v46, v0;
	v44 =	vunpack.i.l.bf16.f32 v52;
	v49 =	vadd.f32 v54, v49;
	v54 =	vld [tilespmem:s1+$0x0]  }
0x7a: {  	v43 =	vmax.bf16 v61, v0;
	v62 =	vmul.f32 v44, v11;
	v63 =	vunpack.i.l.bf16.f32 v46  }
0x7b: {  	v45 =	vunpack.i.u.bf16.f32 v45;
	v4 =	vmul.f32 v63, v17;
	v49 =	vadd.f32 v58, v49  }
0x7c: {  	v38 =	vunpack.i.l.bf16.f32 v43;
	v45 =	vmul.f32 v45, v29;
	v50 =	vmul.f32 v50, v5  }
0x7d: {  	v51 =	vmax.bf16 v51, v0;
	v58 =	vmul.f32 v38, v1;
	v1 =	vld [tilespmem:$0x1FED0];
	v49 =	vadd.f32 v62, v49  }
0x7e: {  	v44 =	vunpack.i.l.bf16.f32 v51;
	v54 =	vadd.bf16 v60, v54;
	v50 =	vadd.f32 $0.0e+00, v50  }
0x7f: {  	s3 =	simm.s32 $0x2900;
	v35 =	vld [tilespmem:s0+$0x70];
	v2 =	vunpack.i.u.bf16.f32 v2;
	v49 =	vadd.f32 v4, v49;
	v4 =	vmul.f32 v44, v32  }
0x80: {  	s0 =	simm.s32 $0x6900;
	v40 =	vld [tilespmem:s3+$0x70];
	v2 =	vmul.f32 v2, v12;
	v54 =	vmax.bf16 v54, v0;
	v45 =	vadd.f32 v45, v50  }
0x81: {  	v60 =	vld [tilespmem:s0+$0x70];
	v49 =	vadd.f32 v4, v49;
	v4 =	vunpack.i.l.bf16.f32 v54  }
0x82: {  	v2 =	vadd.f32 v2, v45;
	v45 =	vmul.f32 v4, v1;
	v1 =	vld [tilespmem:$0x1FEE0];
	_ =	sdelay $0x2  }
0x83: {  	v42 =	vmax.bf16 v42, v0  }
0x84: {  	v10 =	vadd.bf16 v60, v40;
	v60 =	vunpack.i.u.bf16.f32 v42;
	v42 =	vunpack.i.l.bf16.f32 v42  }
0x85: {  	v42 =	vmul.f32 v42, v1;
	v1 =	vld [tilespmem:$0x1FF20];
	_ =	sdelay $0x2  }
0x86: {  	v39 =	vmax.bf16 v39, v0;
	v59 =	vld [tilespmem:s0+$0x60]  }
0x87: {  	v57 =	vunpack.i.l.bf16.f32 v39;
	v61 =	vld [tilespmem:s3+$0x60]  }
0x88: {  	v57 =	vmul.f32 v57, v1;
	v1 =	vld [tilespmem:$0x1FEF0]  }
0x89: {  	v37 =	vld [tilespmem:s1+$0x70]  }
0x8a: {  	v52 =	vunpack.i.u.bf16.f32 v52;
	v48 =	vmax.bf16 v48, v0  }
0x8b: {  	v19 =	vmovc v3;
	v41 =	vmax.bf16 v41, v0;
	v52 =	vmul.f32 v52, v3;
	v3 =	vld [tilespmem:s0+$0xFFFFFFA0];
	v62 =	vunpack.i.l.bf16.f32 v48  }
0x8c: {  	v55 =	vunpack.i.l.bf16.f32 v41;
	v59 =	vadd.bf16 v59, v61;
	v61 =	vld [tilespmem:s0+$0x30];
	v62 =	vmul.f32 v62, v31  }
0x8d: {  	v55 =	vmul.f32 v55, v1;
	v1 =	vld [tilespmem:$0x1FF40]  }
0x8e: {  	v35 =	vadd.bf16 v35, v37;
	v38 =	vld [tilespmem:s3+$0x30];
	v49 =	vadd.f32 v62, v49  }
0x8f: {  	v44 =	vld [tilespmem:s3+$0xFFFFFF80]  }
0x90: {  	v35 =	vmax.bf16 v35, v0;
	v56 =	vunpack.i.l.bf16.f32 v7;
	v50 =	vld [tilespmem:s0+$0x40];
	v49 =	vadd.f32 v58, v49  }
0x91: {  	v37 =	vunpack.i.u.bf16.f32 v7;
	v7 =	vunpack.i.u.bf16.f32 v35;
	v35 =	vunpack.i.l.bf16.f32 v35;
	v62 =	vld [tilespmem:s3+$0x40]  }
0x92: {  	v46 =	vunpack.i.u.bf16.f32 v46;
	v45 =	vadd.f32 v45, v49;
	v9 =	vmul.f32 v35, v1;
	v1 =	vld [tilespmem:$0x1FF00]  }
0x93: {  	v46 =	vmul.f32 v46, v33;
	v2 =	vadd.f32 v52, v2;
	v58 =	vadd.bf16 v61, v38;
	v61 =	vld [tilespmem:s3+$0x20]  }
0x94: {  	v51 =	vunpack.i.u.bf16.f32 v51;
	v42 =	vadd.f32 v42, v45;
	v45 =	vld [tilespmem:s0+$0x20]  }
0x95: {  	v39 =	vunpack.i.u.bf16.f32 v39;
	v51 =	vmul.f32 v51, v30;
	v49 =	vld [tilespmem:s3+$0x50];
	v2 =	vadd.f32 v46, v2  }
0x96: {  	v43 =	vunpack.i.u.bf16.f32 v43;
	v48 =	vunpack.i.u.bf16.f32 v48;
	v50 =	vadd.bf16 v50, v62;
	v62 =	vld [tilespmem:s0+$0x50]  }
0x97: {  	v4 =	vmul.f32 v48, v34;
	v2 =	vadd.f32 v51, v2;
	v48 =	vmul.f32 v56, v1;
	v1 =	vld [tilespmem:$0x1FF10]  }
0x98: {  	v41 =	vunpack.i.u.bf16.f32 v41;
	v53 =	vmul.f32 v39, v22;
	v63 =	vmul.f32 v43, v28;
	v51 =	vld [tilespmem:s3+$0xFFFFFFE0]  }
0x99: {  	v38 =	vunpack.i.u.bf16.f32 v54;
	v2 =	vadd.f32 v4, v2;
	v54 =	vadd.bf16 v45, v61;
	v45 =	vld [tilespmem:s0+$0xFFFFFFE0]  }
0x9a: {  	v6 =	vmul.f32 v6, v21;
	v40 =	vld [tilespmem:s3+$0xFFFFFFA0];
	v58 =	vmax.bf16 v58, v0;
	v42 =	vadd.f32 v55, v42  }
0x9b: {  	v52 =	vld [tilespmem:s0+$0x10];
	v50 =	vmax.bf16 v50, v0;
	v4 =	vmax.bf16 v59, v0;
	v2 =	vadd.f32 v63, v2  }
0x9c: {  	v39 =	vadd.f32 v48, v42;
	v42 =	vmul.f32 v38, v27;
	v47 =	vmul.f32 v47, v1;
	v1 =	vld [tilespmem:$0x1FF30]  }
0x9d: {  	v59 =	vld [tilespmem:s0+$0xFFFFFFC0];
	v43 =	vadd.bf16 v62, v49;
	v62 =	vmul.f32 v8, v23;
	v54 =	vmax.bf16 v54, v0  }
0x9e: {  	v46 =	vadd.bf16 v45, v51;
	v56 =	vld [tilespmem:s3+$0x10];
	v48 =	vmul.f32 v60, v26;
	v2 =	vadd.f32 v42, v2  }
0x9f: {  	v51 =	vmul.f32 v37, v24;
	v37 =	vunpack.i.u.bf16.f32 v58;
	v45 =	vmax.bf16 v10, v0;
	v38 =	vld [tilespmem:s3+$0xFFFFFFF0]  }
0xa0: {  	v60 =	vmul.f32 v41, v25;
	v2 =	vadd.f32 v48, v2;
	v39 =	vadd.f32 v47, v39;
	v47 =	vld [tilespmem:s0+$0xFFFFFFF0]  }
0xa1: {  	v35 =	vunpack.i.l.bf16.f32 v4;
	v61 =	vmul.f32 v36, v1;
	v36 =	vunpack.i.u.bf16.f32 v4;
	v4 =	vld [tilespmem:s3+$0xFFFFFFC0]  }
0xa2: {  	v41 =	vunpack.i.l.bf16.f32 v50;
	v2 =	vadd.f32 v60, v2;
	v60 =	vld [tilespmem:s0+$0xFFFFFF80];
	v39 =	vadd.f32 v57, v39  }
0xa3: {  	v55 =	vld [tilespmem:s0+$0xFFFFFF90];
	v42 =	vunpack.i.l.bf16.f32 v58;
	v48 =	vmul.f32 v7, v20;
	v1 =	vmax.bf16 v43, v0  }
0xa4: {  	v57 =	vld [tilespmem:s0+$0xFFFFFFB0];
	v2 =	vadd.f32 v51, v2;
	v43 =	vunpack.i.l.bf16.f32 v1;
	v63 =	vadd.f32 v61, v39  }
0xa5: {  	v47 =	vadd.bf16 v47, v38;
	v61 =	vadd.bf16 v52, v56;
	v56 =	vld [tilespmem:s3+$0xFFFFFFB0];
	v39 =	vunpack.i.u.bf16.f32 v50  }
0xa6: {  	v2 =	vadd.f32 v62, v2;
	v38 =	vunpack.i.u.bf16.f32 v45;
	v49 =	vadd.bf16 v59, v4;
	v4 =	vld [tilespmem:s3+$0xFFFFFF90]  }
0xa7: {  	v62 =	vadd.bf16 v3, v40;
	v7 =	vadd.bf16 v60, v44;
	v44 =	vunpack.i.l.bf16.f32 v54  }
0xa8: {  	v51 =	vmax.bf16 v47, v0;
	v2 =	vadd.f32 v53, v2;
	v53 =	vmax.bf16 v46, v0  }
0xa9: {  	v58 =	vld [tilespmem:s3+$0x0];
	v62 =	vmax.bf16 v62, v0;
	v47 =	vunpack.i.u.bf16.f32 v54;
	v50 =	vmax.bf16 v7, v0  }
0xaa: {  	v46 =	vld [tilespmem:s3+$0xFFFFFFD0];
	v54 =	vunpack.i.u.bf16.f32 v1;
	v60 =	vunpack.i.u.bf16.f32 v50;
	v2 =	vadd.f32 v6, v2  }
0xab: {  	v56 =	vadd.bf16 v57, v56;
	v57 =	vmax.bf16 v49, v0;
	v40 =	vadd.bf16 v55, v4;
	v55 =	vld [tilespmem:s0+$0xFFFFFFD0]  }
0xac: {  	v7 =	vadd.f32 v48, v2;
	v48 =	vld [tilespmem:s0+$0x0];
	v2 =	vadd.f32 v9, v63;
	v4 =	vunpack.i.l.bf16.f32 v50  }
0xad: {  	v50 =	vmax.bf16 v56, v0;
	v56 =	vmul.f32 v60, v5;
	v6 =	vmul.f32 v4, v14  }
0xae: {  	v5 =	vunpack.i.l.bf16.f32 v62;
	v2 =	vadd.f32 v2, v7;
	v60 =	vunpack.i.l.bf16.f32 v50  }
0xaf: {  	v63 =	vmul.f32 v5, v16;
	v52 =	vmax.bf16 v40, v0;
	v4 =	vadd.f32 $0.0e+00, v6  }
0xb0: {  	v59 =	vunpack.i.u.bf16.f32 v52;
	v52 =	vunpack.i.l.bf16.f32 v52;
	v46 =	vadd.bf16 v55, v46  }
0xb1: {  	v6 =	vmax.bf16 v61, v0;
	v58 =	vadd.bf16 v48, v58;
	v7 =	vmul.f32 v52, v15  }
0xb2: {  	s29 =	simm.s32 $0x0;
	s28 =	simm.s32 $0x1;
	v52 =	vunpack.i.l.bf16.f32 v6;
	v55 =	vunpack.i.u.bf16.f32 v53;
	v61 =	vmax.bf16 v46, v0  }
0xb3: {  	s30 =	simm.s32 $0x2;
	s31 =	simm.s32 $0x2A00;
	s1 =	simm.s32 $0x6A00;
	(xrf2) =	vadd.scan.msk.f32 $0xffff, v2;
	v40 =	vmovc v18;
	v2 =	vadd.f32 v7, v4;
	v46 =	vunpack.i.u.bf16.f32 v6;
	v49 =	vunpack.i.l.bf16.f32 v61  }
.LBB2_3:
0xb4: {  	v3 =	vld [tilespmem:s1+$0x70]  }
0xb5: {  	v5 =	vld [tilespmem:s31+$0x70]  }
0xb6: {  	v6 =	vld [tilespmem:s31+$0x50]  }
0xb7: {  	v7 =	vld [tilespmem:s1+$0x30]  }
0xb8: {  	v8 =	vld [tilespmem:$0x1FF20]  }
0xb9: {  	v9 =	vld [tilespmem:$0x1FEC0]  }
0xba: {  	v62 =	vunpack.i.u.bf16.f32 v62;
	v59 =	vmul.f32 v59, v29;
	v56 =	vadd.f32 $0.0e+00, v56;
	v18 =	vld [tilespmem:$0x1FED0]  }
0xbb: {  	v60 =	vmul.f32 v60, v11;
	v10 =	vmov s29;
	v2 =	vadd.f32 v63, v2;
	v63 =	vld [tilespmem:s1+$0x60]  }
0xbc: {  	vm0 =	veq.s32 v10, v13;
	v62 =	vmul.f32 v62, v12;
	v10 =	vld [tilespmem:$0x1FF10];
	v56 =	vadd.f32 v59, v56  }
0xbd: {  	v4 =	vunpack.i.u.bf16.f32 v57;
	v57 =	vunpack.i.l.bf16.f32 v57;
	v2 =	vadd.f32 v60, v2;
	v60 =	vld [tilespmem:s31+$0x60]  }
0xbe: {  	v57 =	vmul.f32 v57, v17;
	v56 =	vadd.f32 v62, v56;
	v62 =	vld [tilespmem:s1+$0x20]  }
0xbf: {  	v1 =	vunpack.i.u.bf16.f32 v51;
	v51 =	vunpack.i.l.bf16.f32 v51;
	v43 =	vmul.f32 v43, v8;
	v8 =	vld [tilespmem:$0x1FF40]  }
0xc0: {  	v2 =	vadd.f32 v57, v2;
	v57 =	vmul.f32 v49, v32;
	v51 =	vmul.f32 v51, v9;
	v9 =	vld [tilespmem:s1+$0x40]  }
0xc1: {  	v61 =	vunpack.i.u.bf16.f32 v61;
	v53 =	vunpack.i.l.bf16.f32 v53;
	v10 =	vmul.f32 v41, v10;
	v41 =	vld [tilespmem:s31+$0x20]  }
0xc2: {  	v53 =	vmul.f32 v53, v31;
	v2 =	vadd.f32 v57, v2;
	v57 =	vmax.bf16 v58, v0;
	v58 =	vld [tilespmem:s1+$0x10]  }
0xc3: {  	v45 =	vunpack.i.l.bf16.f32 v45;
	v50 =	vunpack.i.u.bf16.f32 v50;
	v60 =	vadd.bf16 v63, v60;
	v63 =	vld [tilespmem:$0x1FEE0]  }
0xc4: {  	v50 =	vmul.f32 v50, v19;
	v59 =	vunpack.i.l.bf16.f32 v57;
	v2 =	vadd.f32 v53, v2;
	v53 =	vld [tilespmem:s31+$0x40]  }
0xc5: {  	v4 =	vmul.f32 v4, v33;
	v3 =	vadd.bf16 v3, v5;
	v59 =	vmul.f32 v59, v18;
	v18 =	vld [tilespmem:$0x1FF00]  }
0xc6: {  	v5 =	vadd.f32 v50, v56;
	v49 =	vmul.f32 v45, v8;
	v8 =	vld [tilespmem:s1+$0x50];
	v45, _, _ =	vpop (xrf2);
	v56 =	vmax.bf16 v60, v0  }
0xc7: {  	v60 =	vmul.f32 v61, v30;
	v61 =	vld [tilespmem:$0x1FF30];
	v45 =	vbroadcast v45, $0xF;
	v2 =	vadd.f32 v51, v2  }
0xc8: {  	v4 =	vadd.f32 v4, v5;
	v51 =	vmul.f32 v52, v63;
	v63 =	vld [tilespmem:$0x1FEF0]  }
0xc9: {  	v54 =	vmul.f32 v54, v22;
	v40 =	vsel vm0, v45, v40;
	v45 =	vld [tilespmem:s31+$0x30];
	v2 =	vadd.f32 v59, v2  }
0xca: {  	v47 =	vmul.f32 v47, v25;
	v4 =	vadd.f32 v60, v4;
	v9 =	vadd.bf16 v9, v53;
	v53 =	vld [tilespmem:s31+$0x10]  }
0xcb: {  	v1 =	vmul.f32 v1, v28;
	v60 =	vadd.bf16 v62, v41;
	v2 =	vadd.f32 v51, v2;
	v51 =	vld [tilespmem:s1+$0xFFFFFFC0]  }
0xcc: {  	v42 =	vmul.f32 v42, v18;
	v5 =	vmul.f32 v35, v61;
	v6 =	vadd.bf16 v8, v6;
	v8 =	vld [tilespmem:s31+$0xFFFFFFC0]  }
0xcd: {  	v50 =	vld [tilespmem:s31+$0xFFFFFFE0];
	v35 =	vunpack.i.l.bf16.f32 v56;
	v9 =	vmax.bf16 v9, v0;
	v44 =	vmul.f32 v44, v63  }
0xce: {  	v7 =	vadd.bf16 v7, v45;
	v45 =	vmul.f32 v55, v34;
	v63 =	vunpack.i.u.bf16.f32 v57;
	v57 =	vld [tilespmem:s1+$0xFFFFFFE0]  }
0xcf: {  	v61 =	vld [tilespmem:s31+$0xFFFFFFF0];
	v56 =	vunpack.i.u.bf16.f32 v56;
	v41 =	vunpack.i.l.bf16.f32 v9;
	v58 =	vadd.bf16 v58, v53  }
0xd0: {  	v6 =	vmax.bf16 v6, v0;
	v2 =	vadd.f32 v44, v2;
	v44 =	vld [tilespmem:s1+$0xFFFFFFF0];
	v4 =	vadd.f32 v45, v4  }
0xd1: {  	v48 =	vld [tilespmem:s1+$0xFFFFFFA0];
	v45 =	vmul.f32 v63, v27;
	v7 =	vmax.bf16 v7, v0;
	v8 =	vadd.bf16 v51, v8  }
0xd2: {  	v62 =	vld [tilespmem:s1+$0xFFFFFFB0];
	v63 =	vmul.f32 v46, v26;
	v2 =	vadd.f32 v42, v2;
	v1 =	vadd.f32 v1, v4  }
0xd3: {  	v46 =	vld [tilespmem:s1+$0xFFFFFF80];
	v42 =	vunpack.i.l.bf16.f32 v7;
	v7 =	vunpack.i.u.bf16.f32 v7;
	v50 =	vadd.bf16 v57, v50  }
0xd4: {  	v4 =	vmul.f32 v37, v24;
	v2 =	vadd.f32 v10, v2;
	v1 =	vadd.f32 v45, v1;
	v10 =	vld [tilespmem:s31+$0xFFFFFF80]  }
0xd5: {  	v57 =	vmul.f32 v39, v23;
	v45 =	vmax.bf16 v3, v0;
	v3 =	vld [tilespmem:s31+$0xFFFFFFA0];
	v44 =	vadd.bf16 v44, v61  }
0xd6: {  	v59 =	vld [tilespmem:s1+$0xFFFFFF90];
	v61 =	vmax.bf16 v60, v0;
	v53 =	vmax.bf16 v50, v0;
	v1 =	vadd.f32 v63, v1  }
0xd7: {  	v37 =	vmovc v7;
	v7 =	vld [tilespmem:s31+$0xFFFFFFB0];
	v2 =	vadd.f32 v43, v2;
	v43 =	vunpack.i.l.bf16.f32 v6;
	v63 =	vmul.f32 v38, v20  }
0xd8: {  	v51 =	vmax.bf16 v44, v0;
	v44 =	vunpack.i.l.bf16.f32 v61;
	v1 =	vadd.f32 v47, v1;
	v47 =	vld [tilespmem:s31+$0xFFFFFF90]  }
0xd9: {  	v52 =	vld [tilespmem:s31+$0x0];
	v2 =	vadd.f32 v5, v2;
	v5 =	vunpack.i.u.bf16.f32 v9;
	v10 =	vadd.bf16 v46, v10  }
0xda: {  	v9 =	vunpack.i.u.bf16.f32 v45;
	v3 =	vadd.bf16 v48, v3;
	v48 =	vld [tilespmem:$0x1FF50];
	v1 =	vadd.f32 v4, v1  }
0xdb: {  	v55 =	vld [tilespmem:s1+$0x0];
	v39 =	vmovc v5;
	v5 =	vmul.f32 v36, v21;
	v2 =	vadd.f32 v49, v2;
	v60 =	vmax.bf16 v10, v0  }
0xdc: {  	v1 =	vadd.f32 v57, v1;
	v57 =	vadd.bf16 v62, v7;
	v7 =	vunpack.i.l.bf16.f32 v60  }
0xdd: {  	v38 =	vmovc v9;
	v10 =	vld [tilespmem:s1+$0xFFFFFFD0];
	v62 =	vunpack.i.u.bf16.f32 v60;
	v9 =	vadd.bf16 v59, v47;
	v7 =	vmul.f32 v7, v14  }
0xde: {  	v47 =	vld [tilespmem:s31+$0xFFFFFFD0];
	v1 =	vadd.f32 v54, v1;
	v50 =	vmax.bf16 v57, v0;
	v57 =	vmax.bf16 v8, v0  }
0xdf: {  	v36 =	vmovc v56;
	v56 =	vmul.f32 v62, v48;
	v62 =	vmax.bf16 v3, v0;
	v8 =	vmax.bf16 v58, v0  }
0xe0: {  	v58 =	vadd.bf16 v55, v52;
	v55 =	vunpack.i.u.bf16.f32 v53;
	v1 =	vadd.f32 v5, v1  }
0xe1: {  	p0 =	sne.s32 s30, $0xF;
	v54 =	vmax.bf16 v9, v0;
	v60 =	vunpack.i.l.bf16.f32 v50;
	v7 =	vadd.f32 $0.0e+00, v7  }
.Ltmp2:
0xe2: {  	v3 =	vunpack.i.l.bf16.f32 v62;
	v46 =	vunpack.i.u.bf16.f32 v8;
	v1 =	vadd.f32 v63, v1;
	(pc) =	sbr.rel @p0 .LBB2_3-.Ltmp2, $4  }
0xe3: {  	v52 =	vunpack.i.l.bf16.f32 v8;
	v5 =	vunpack.i.l.bf16.f32 v54;
	v4 =	vadd.bf16 v10, v47  }
0xe4: {  	v59 =	vunpack.i.u.bf16.f32 v54;
	v1 =	vadd.f32 v2, v1;
	v2 =	vmul.f32 v5, v15  }
0xe5: {  	s0 =	smov.u32 s30;
	s30 =	sadd.s32 $0x1, s30;
	s29 =	smov.u32 s28;
	v54 =	vunpack.i.u.bf16.f32 v6;
	v47 =	vunpack.i.u.bf16.f32 v61;
	v61 =	vmax.bf16 v4, v0  }
0xe6: {  	s28 =	smov.u32 s0;
	s1 =	sadd.s32 $0x100, s1;
	s31 =	sadd.s32 $0x100, s31;
	v63 =	vmul.f32 v3, v16;
	v49 =	vunpack.i.l.bf16.f32 v61;
	(xrf2) =	vadd.scan.msk.f32 $0xffff, v1;
	v2 =	vadd.f32 v2, v7  }
0xe7: {  	v1 =	vmul.f32 v59, v29;
	v3 =	vadd.f32 $0.0e+00, v56  }
0xe8: {  	v4 =	vunpack.i.u.bf16.f32 v62  }
0xe9: {  	v4 =	vmul.f32 v4, v12;
	v1 =	vadd.f32 v1, v3  }
0xea: {  	v5 =	vunpack.i.u.bf16.f32 v50;
	v2 =	vadd.f32 v63, v2;
	v3 =	vmul.f32 v60, v11  }
0xeb: {  	v6 =	vunpack.i.l.bf16.f32 v57;
	v59 =	vmul.f32 v5, v19;
	v1 =	vadd.f32 v4, v1  }
0xec: {  	v60 =	vunpack.i.u.bf16.f32 v57;
	v2 =	vadd.f32 v3, v2;
	v3 =	vmul.f32 v6, v17  }
0xed: {  	v62 =	vmul.f32 v60, v33;
	v1 =	vadd.f32 v59, v1  }
0xee: {  	v7 =	vmul.f32 v55, v34;
	v55 =	vld [tilespmem:$0x1FEC0];
	v63 =	vunpack.i.u.bf16.f32 v61;
	v2 =	vadd.f32 v3, v2  }
0xef: {  	v3 =	vmul.f32 v49, v32;
	v49 =	vmul.f32 v63, v30;
	v1 =	vadd.f32 v62, v1  }
0xf0: {  	v48 =	vunpack.i.l.bf16.f32 v53;
	v50 =	vunpack.i.u.bf16.f32 v51  }
0xf1: {  	v6 =	vmul.f32 v48, v31;
	v2 =	vadd.f32 v3, v2;
	v1 =	vadd.f32 v49, v1  }
0xf2: {  	v5 =	vmul.f32 v50, v28;
	v3 =	vunpack.i.l.bf16.f32 v51;
	v51 =	vmax.bf16 v58, v0  }
0xf3: {  	v58 =	vld [tilespmem:$0x1FED0];
	v3 =	vmul.f32 v3, v55;
	v2 =	vadd.f32 v6, v2;
	v1 =	vadd.f32 v7, v1  }
0xf4: {  	v4 =	vunpack.i.u.bf16.f32 v51  }
0xf5: {  	v61 =	vld [tilespmem:$0x1FEE0];
	v2 =	vadd.f32 v3, v2;
	v3 =	vmul.f32 v4, v27;
	v1 =	vadd.f32 v5, v1;
	_ =	sdelay $0x1  }
0xf6: {  	v62 =	vld [tilespmem:$0x1FEF0];
	v53 =	vunpack.i.l.bf16.f32 v51;
	v1 =	vadd.f32 v3, v1;
	v3 =	vmul.f32 v46, v26  }
0xf7: {  	v6 =	vmul.f32 v53, v58  }
0xf8: {  	v60 =	vld [tilespmem:$0x1FF00];
	v59 =	vmul.f32 v47, v25;
	v1 =	vadd.f32 v3, v1  }
0xf9: {  	v56 =	vmul.f32 v52, v61;
	v2 =	vadd.f32 v6, v2  }
0xfa: {  	v1 =	vadd.f32 v59, v1;
	v59 =	vld [tilespmem:$0x1FF10]  }
0xfb: {  	v57 =	vmul.f32 v44, v62;
	v2 =	vadd.f32 v56, v2  }
0xfc: {  	v49 =	vld [tilespmem:$0x1FF20]  }
0xfd: {  	v3 =	vmul.f32 v42, v60;
	v2 =	vadd.f32 v57, v2;
	_ =	sdelay $0x1  }
0xfe: {  	v2 =	vadd.f32 v3, v2;
	v46 =	vmul.f32 v41, v59  }
0xff: {  	v44 =	vmul.f32 v37, v24  }
0x100: {  	v63 =	vld [tilespmem:$0x1FF30];
	v47 =	vmul.f32 v43, v49;
	v2 =	vadd.f32 v46, v2  }
0x101: {  	v3 =	vmul.f32 v39, v23;
	v1 =	vadd.f32 v44, v1  }
0x102: {  	v2 =	vadd.f32 v47, v2;
	v47 =	vld [tilespmem:$0x1FF40]  }
0x103: {  	v48 =	vmul.f32 v54, v22;
	v1 =	vadd.f32 v3, v1;
	_ =	sdelay $0x1  }
0x104: {  	v51 =	vmul.f32 v36, v21;
	v50 =	vmul.f32 v35, v63;
	v1 =	vadd.f32 v48, v1  }
0x105: {  	v52 =	vmul.f32 v38, v20;
	v3 =	vunpack.i.l.bf16.f32 v45  }
0x106: {  	v1 =	vadd.f32 v51, v1;
	v2 =	vadd.f32 v50, v2;
	v3 =	vmul.f32 v3, v47;
	_ =	sdelay $0x1  }
0x107: {  	v1 =	vadd.f32 v52, v1;
	v2 =	vadd.f32 v3, v2;
	_ =	sdelay $0x1  }
0x108: {  	v1 =	vadd.f32 v2, v1;
	_ =	sdelay $0x1  }
0x109: {  	(xrf2) =	vadd.scan.msk.f32 $0xffff, v1;
	_ =	sdelay $0x8  }
0x10a: {  	v1, _, _ =	vpop (xrf2)  }
0x10b: {  	v2 =	vmov s29;
	v1 =	vbroadcast v1, $0xF;
	v3, _, _ =	vpop (xrf2)  }
0x10c: {  	vm0 =	veq.s32 v2, v13;
	v2 =	vmov s28;
	v3 =	vbroadcast v3, $0xF  }
0x10d: {  	vm15 =	veq.s32 v2, v13;
	v1 =	vsel vm0, v1, v40  }
0x10e: {  	s28 =	sshll.u32 s26, $0x6;
	v1 =	vsel vm15, v3, v1  }
0x10f: {  	s0 =	simm.s32 $0x7870;
	[tilespmem:s28+$0xA990] =	vst v1  }
0x110: {  	v1 =	vld [tilespmem:s0+$0xFFFFFF30]  }
0x111: {  	v2 =	vld [tilespmem:s0+$0x0]  }
0x112: {  	s1 =	simm.s32 $0x3870;
	v3 =	vld [tilespmem:s0+$0xFFFFFFF0]  }
0x113: {  	v53 =	vld [tilespmem:s1+$0x0]  }
0x114: {  	v54 =	vld [tilespmem:s1+$0xFFFFFFF0]  }
0x115: {  	v56 =	vld [tilespmem:s1+$0xFFFFFFE0]  }
0x116: {  	v57 =	vld [tilespmem:s0+$0xFFFFFFC0]  }
0x117: {  	v8 =	vld [tilespmem:s0+$0xFFFFFFE0]  }
0x118: {  	v9 =	vld [tilespmem:s0+$0xFFFFFFA0]  }
0x119: {  	v10 =	vld [tilespmem:s0+$0xFFFFFFD0]  }
0x11a: {  	v48 =	vld [tilespmem:s1+$0xFFFFFFD0]  }
0x11b: {  	v50 =	vld [tilespmem:s1+$0xFFFFFFB0]  }
0x11c: {  	v51 =	vld [tilespmem:s1+$0xFFFFFFC0]  }
0x11d: {  	v52 =	vld [tilespmem:s0+$0xFFFFFFB0]  }
0x11e: {  	v41 =	vld [tilespmem:s0+$0xFFFFFF20]  }
0x11f: {  	v42 =	vld [tilespmem:s1+$0xFFFFFFA0]  }
0x120: {  	v43 =	vld [tilespmem:s0+$0xFFFFFF50]  }
0x121: {  	v45 =	vld [tilespmem:s0+$0xFFFFFF80]  }
0x122: {  	v46 =	vld [tilespmem:s1+$0xFFFFFF80];
	v3 =	vadd.bf16 v3, v54  }
0x123: {  	v44 =	vld [tilespmem:s1+$0xFFFFFF10]  }
0x124: {  	v2 =	vadd.bf16 v2, v53;
	v53 =	vadd.bf16 v10, v48;
	v10 =	vld [tilespmem:s0+$0xFFFFFF10];
	v3 =	vmax.bf16 v3, v0  }
0x125: {  	v54 =	vld [tilespmem:s0+$0xFFFFFF40];
	v40 =	vunpack.i.l.bf16.f32 v3;
	v3 =	vunpack.i.u.bf16.f32 v3  }
0x126: {  	[tilespmem:$0x1FEA0] =	vst v3;
	v3 =	vld [tilespmem:s1+$0xFFFFFF20]  }
0x127: {  	v48 =	vld [tilespmem:s1+$0xFFFFFF50]  }
0x128: {  	v6 =	vadd.bf16 v8, v56;
	v56 =	vld [tilespmem:s1+$0xFFFFFF30]  }
0x129: {  	v7 =	vadd.bf16 v57, v51;
	v57 =	vld [tilespmem:s1+$0xFFFFFF40];
	v10 =	vadd.bf16 v10, v44  }
0x12a: {  	v39 =	vld [tilespmem:s1+$0xFFFFFF70];
	v8 =	vadd.bf16 v52, v50;
	v46 =	vadd.bf16 v45, v46  }
0x12b: {  	v5 =	vld [tilespmem:s0+$0xFFFFFF70];
	v9 =	vadd.bf16 v9, v42;
	v10 =	vmax.bf16 v10, v0;
	v3 =	vadd.bf16 v41, v3  }
0x12c: {  	v4 =	vmax.bf16 v53, v0;
	v2 =	vmax.bf16 v2, v0;
	v53 =	vunpack.i.l.bf16.f32 v10  }
0x12d: {  	v42 =	vld [tilespmem:s0+$0xFFFFFF60];
	v1 =	vadd.bf16 v1, v56;
	v41 =	vmul.f32 v53, v14;
	v3 =	vmax.bf16 v3, v0  }
0x12e: {  	v52 =	vadd.bf16 v43, v48;
	v35 =	vadd.bf16 v54, v57;
	v43 =	vld [tilespmem:s1+$0xFFFFFF60];
	v54 =	vunpack.i.l.bf16.f32 v3  }
0x12f: {  	v1 =	vmax.bf16 v1, v0;
	v41 =	vadd.f32 $0.0e+00, v41;
	v45 =	vmul.f32 v54, v15  }
0x130: {  	v5 =	vadd.bf16 v5, v39;
	v39 =	vunpack.i.u.bf16.f32 v2;
	v56 =	vunpack.i.l.bf16.f32 v1  }
0x131: {  	v35 =	vmax.bf16 v35, v0;
	v48 =	vmul.f32 v56, v16;
	v41 =	vadd.f32 v45, v41  }
0x132: {  	[tilespmem:$0x1FEB0] =	vst v39;
	v39 =	vmax.bf16 v52, v0;
	v57 =	vunpack.i.l.bf16.f32 v35  }
0x133: {  	v53 =	vmul.f32 v57, v11;
	v42 =	vadd.bf16 v42, v43;
	v41 =	vadd.f32 v48, v41  }
0x134: {  	v18 =	vld [tilespmem:$0x1FF50];
	v54 =	vunpack.i.l.bf16.f32 v39  }
0x135: {  	v51 =	vld [tilespmem:s0+$0xFFFFFF90];
	s0 =	simm.s32 $0x7970;
	v42 =	vmax.bf16 v42, v0;
	v56 =	vmul.f32 v54, v17;
	v41 =	vadd.f32 v53, v41  }
0x136: {  	v50 =	vld [tilespmem:s0+$0xFFFFFFF0];
	v7 =	vmax.bf16 v7, v0;
	v57 =	vunpack.i.l.bf16.f32 v42  }
0x137: {  	v6 =	vmax.bf16 v6, v0;
	v41 =	vadd.f32 v56, v41;
	v56 =	vmul.f32 v57, v32;
	v57 =	vld [tilespmem:$0x1FFC0]  }
0x138: {  	s3 =	simm.s32 $0x3970;
	v8 =	vmax.bf16 v8, v0;
	v37 =	vunpack.i.l.bf16.f32 v4;
	v36 =	vunpack.i.l.bf16.f32 v7;
	v45 =	vld [tilespmem:s1+$0xFFFFFF90]  }
0x139: {  	v38 =	vunpack.i.u.bf16.f32 v7;
	v7 =	vunpack.i.l.bf16.f32 v6;
	v52 =	vld [tilespmem:s3+$0xFFFFFFF0];
	v10 =	vunpack.i.u.bf16.f32 v10  }
0x13a: {  	v7 =	vmul.f32 v7, v49;
	v44 =	vunpack.i.u.bf16.f32 v4;
	v10 =	vmul.f32 v10, v18  }
0x13b: {  	v49 =	vld [tilespmem:s0+$0xFFFFFF50];
	v4 =	vmax.bf16 v46, v0;
	v46 =	vunpack.i.l.bf16.f32 v8;
	v3 =	vunpack.i.u.bf16.f32 v3  }
0x13c: {  	v46 =	vmul.f32 v46, v62;
	v62 =	vld [tilespmem:s0+$0xFFFFFF70];
	v10 =	vadd.f32 $0.0e+00, v10;
	v3 =	vmul.f32 v3, v57  }
0x13d: {  	v5 =	vmax.bf16 v5, v0;
	v1 =	vunpack.i.u.bf16.f32 v1;
	v43 =	vld [tilespmem:s3+$0x0];
	v45 =	vadd.bf16 v51, v45  }
0x13e: {  	v1 =	vmul.f32 v1, v12;
	v50 =	vadd.bf16 v50, v52;
	v52 =	vld [tilespmem:s0+$0xFFFFFFC0];
	v3 =	vadd.f32 v3, v10  }
0x13f: {  	v9 =	vmax.bf16 v9, v0;
	v6 =	vunpack.i.u.bf16.f32 v6;
	v54 =	vld [tilespmem:s0+$0xFFFFFF30];
	v45 =	vmax.bf16 v45, v0  }
0x140: {  	v2 =	vunpack.i.l.bf16.f32 v2;
	v51 =	vld [tilespmem:s0+$0x0];
	v1 =	vadd.f32 v1, v3;
	v3 =	vunpack.i.l.bf16.f32 v45  }
0x141: {  	v2 =	vmul.f32 v2, v47;
	v53 =	vunpack.i.l.bf16.f32 v5;
	v3 =	vmul.f32 v3, v58;
	v58 =	vld [tilespmem:s3+$0xFFFFFFC0]  }
0x142: {  	v48 =	vunpack.i.l.bf16.f32 v4;
	v53 =	vmul.f32 v53, v31;
	v41 =	vadd.f32 v56, v41;
	v57 =	vld [tilespmem:$0x1FFF0]  }
0x143: {  	v6 =	vmul.f32 v6, v22;
	v48 =	vmul.f32 v48, v55;
	v55 =	vunpack.i.u.bf16.f32 v39;
	v39 =	vld [tilespmem:s3+$0xFFFFFFE0]  }
0x144: {  	v60 =	vmul.f32 v36, v60;
	v8 =	vunpack.i.u.bf16.f32 v8;
	v56 =	vld [tilespmem:$0x1FFE0];
	v41 =	vadd.f32 v53, v41  }
0x145: {  	v8 =	vmul.f32 v8, v25;
	v35 =	vunpack.i.u.bf16.f32 v35;
	v53 =	vld [tilespmem:s3+$0xFFFFFFD0];
	v51 =	vadd.bf16 v51, v43  }
0x146: {  	v42 =	vunpack.i.u.bf16.f32 v42;
	v41 =	vadd.f32 v48, v41;
	v48 =	vadd.bf16 v52, v58;
	v58 =	vld [tilespmem:$0x1FFD0]  }
0x147: {  	v43 =	vunpack.i.u.bf16.f32 v9;
	v9 =	vunpack.i.l.bf16.f32 v9;
	v10 =	vld [tilespmem:s0+$0xFFFFFFD0];
	v35 =	vmul.f32 v35, v57  }
0x148: {  	v9 =	vmul.f32 v9, v61;
	v61 =	vmul.f32 v37, v59;
	v59 =	vld [tilespmem:s3+$0xFFFFFF80];
	v3 =	vadd.f32 v3, v41  }
0x149: {  	v50 =	vmax.bf16 v50, v0;
	v57 =	vld [tilespmem:s3+$0xFFFFFFB0];
	v1 =	vadd.f32 v35, v1;
	v35 =	vmul.f32 v55, v56  }
0x14a: {  	v36 =	vunpack.i.u.bf16.f32 v50;
	v4 =	vunpack.i.u.bf16.f32 v4;
	v3 =	vadd.f32 v9, v3;
	v9 =	vld [tilespmem:s0+$0xFFFFFFB0]  }
0x14b: {  	v4 =	vmul.f32 v4, v28;
	v41 =	vld [tilespmem:s0+$0xFFFFFFE0];
	v1 =	vadd.f32 v35, v1;
	v42 =	vmul.f32 v42, v58  }
0x14c: {  	v5 =	vunpack.i.u.bf16.f32 v5;
	v10 =	vadd.bf16 v10, v53;
	v53 =	vld [tilespmem:s0+$0xFFFFFFA0];
	v3 =	vadd.f32 v46, v3  }
0x14d: {  	v5 =	vmul.f32 v5, v34;
	v45 =	vunpack.i.u.bf16.f32 v45;
	v46 =	vld [tilespmem:s0+$0xFFFFFF20];
	v1 =	vadd.f32 v42, v1  }
0x14e: {  	v43 =	vmul.f32 v43, v26;
	v56 =	vmul.f32 v45, v27;
	v3 =	vadd.f32 v60, v3;
	v60 =	vld [tilespmem:s3+$0xFFFFFF50]  }
0x14f: {  	v9 =	vadd.bf16 v9, v57;
	v57 =	vmul.f32 v40, v63;
	v63 =	vld [tilespmem:s3+$0xFFFFFF10];
	v1 =	vadd.f32 v5, v1  }
0x150: {  	v45 =	vmax.bf16 v51, v0;
	v35 =	vunpack.i.l.bf16.f32 v50;
	v39 =	vadd.bf16 v41, v39;
	v58 =	vld [tilespmem:s0+$0xFFFFFF80]  }
0x151: {  	v10 =	vmax.bf16 v10, v0;
	v3 =	vadd.f32 v61, v3;
	v42 =	vld [tilespmem:s3+$0xFFFFFF70];
	v1 =	vadd.f32 v4, v1  }
0x152: {  	v41 =	vunpack.i.l.bf16.f32 v10;
	v55 =	vmax.bf16 v39, v0;
	v39 =	vunpack.i.u.bf16.f32 v10;
	v10 =	vld [tilespmem:$0x1FEB0]  }
0x153: {  	v61 =	vmax.bf16 v48, v0;
	v3 =	vadd.f32 v7, v3;
	v7 =	vld [tilespmem:s0+$0xFFFFFF40];
	v1 =	vadd.f32 v56, v1  }
0x154: {  	v40 =	vmul.f32 v38, v24;
	v38 =	vunpack.i.u.bf16.f32 v45;
	v37 =	vunpack.i.u.bf16.f32 v61;
	v5 =	vld [tilespmem:s3+$0xFFFFFFA0]  }
0x155: {  	v9 =	vmax.bf16 v9, v0;
	v4 =	vadd.bf16 v58, v59;
	v58 =	vld [tilespmem:s3+$0xFFFFFF40];
	v1 =	vadd.f32 v43, v1  }
0x156: {  	v3 =	vadd.f32 v57, v3;
	v62 =	vadd.bf16 v62, v42;
	v42 =	vunpack.i.l.bf16.f32 v61;
	v61 =	vld [tilespmem:$0x1FEA0]  }
0x157: {  	v47 =	vunpack.i.u.bf16.f32 v9;
	v49 =	vadd.bf16 v49, v60;
	v1 =	vadd.f32 v8, v1;
	v8 =	vld [tilespmem:s0+$0xFFFFFF10]  }
0x158: {  	v57 =	vld [tilespmem:s3+$0xFFFFFF30];
	v10 =	vmul.f32 v10, v20;
	v59 =	vmul.f32 v44, v23;
	v2 =	vadd.f32 v2, v3  }
0x159: {  	v60 =	vld [tilespmem:s3+$0xFFFFFF20];
	v44 =	vunpack.i.l.bf16.f32 v9;
	v5 =	vadd.bf16 v53, v5;
	v1 =	vadd.f32 v40, v1  }
0x15a: {  	v51 =	vmax.bf16 v4, v0;
	v53 =	vmax.bf16 v62, v0;
	v7 =	vadd.bf16 v7, v58  }
0x15b: {  	v43 =	vunpack.i.l.bf16.f32 v55;
	v5 =	vmax.bf16 v5, v0;
	v1 =	vadd.f32 v59, v1  }
0x15c: {  	v4 =	vmul.f32 v61, v21;
	v50 =	vmax.bf16 v7, v0;
	v8 =	vadd.bf16 v8, v63  }
0x15d: {  	v48 =	vld [tilespmem:s3+$0xFFFFFF60];
	v40 =	vadd.bf16 v54, v57;
	v57 =	vmax.bf16 v49, v0;
	v1 =	vadd.f32 v6, v1  }
0x15e: {  	v62 =	vmax.bf16 v8, v0;
	v8 =	vadd.bf16 v46, v60;
	v46 =	vld [tilespmem:s0+$0xFFFFFF60];
	v60 =	vunpack.i.l.bf16.f32 v50  }
0x15f: {  	v63 =	vunpack.i.u.bf16.f32 v62;
	v6 =	vunpack.i.l.bf16.f32 v62;
	v1 =	vadd.f32 v4, v1  }
0x160: {  	v49 =	vld [tilespmem:s3+$0xFFFFFF90];
	v62 =	vmax.bf16 v40, v0;
	v52 =	vmul.f32 v6, v14;
	v54 =	vmax.bf16 v8, v0  }
0x161: {  	v56 =	vmul.f32 v63, v18;
	v8 =	vld [tilespmem:s0+$0xFFFFFF90];
	v1 =	vadd.f32 v10, v1;
	v59 =	vunpack.i.u.bf16.f32 v54  }
0x162: {  	v3 =	vunpack.i.l.bf16.f32 v54;
	v10 =	vunpack.i.l.bf16.f32 v62;
	v54 =	vunpack.i.u.bf16.f32 v55  }
0x163: {  	v55 =	vunpack.i.u.bf16.f32 v53;
	v4 =	vadd.f32 $0.0e+00, v52;
	v58 =	vadd.bf16 v46, v48  }
0x164: {  	v63 =	vmul.f32 v10, v16;
	v1 =	vadd.f32 v2, v1;
	v2 =	vmul.f32 v3, v15  }
0x165: {  	s30 =	simm.s32 $0x0;
	s31 =	simm.s32 $0x2;
	v52 =	vunpack.i.l.bf16.f32 v5;
	v46 =	vunpack.i.u.bf16.f32 v5;
	v61 =	vmax.bf16 v58, v0  }
0x166: {  	s29 =	simm.s32 $0x1;
	s1 =	simm.s32 $0x3A70;
	v40 =	vld [tilespmem:$0x1FF60];
	s0 =	simm.s32 $0x7A70;
	v58 =	vadd.bf16 v8, v49;
	(xrf2) =	vadd.scan.msk.f32 $0xffff, v1;
	v2 =	vadd.f32 v2, v4;
	v49 =	vunpack.i.l.bf16.f32 v61  }
.LBB2_5:
0x167: {  	v18 =	vld [tilespmem:$0x1FF20];
	_ =	sdelay $0x1  }
0x168: {  	v48 =	vld [tilespmem:s0+$0xFFFFFF30]  }
0x169: {  	v5 =	vld [tilespmem:s0+$0x0]  }
0x16a: {  	v8 =	vld [tilespmem:s0+$0xFFFFFFF0]  }
0x16b: {  	v43 =	vmul.f32 v43, v18;
	v18 =	vld [tilespmem:$0x1FF40]  }
0x16c: {  	v1 =	vunpack.i.u.bf16.f32 v62;
	v3 =	vunpack.i.u.bf16.f32 v51;
	v62 =	vunpack.i.l.bf16.f32 v53;
	v53 =	vld [tilespmem:s1+$0x0]  }
0x16d: {  	v4 =	vunpack.i.l.bf16.f32 v51;
	v6 =	vmul.f32 v60, v11;
	v51 =	vld [tilespmem:s1+$0xFFFFFFF0];
	v2 =	vadd.f32 v63, v2  }
0x16e: {  	v9 =	vunpack.i.u.bf16.f32 v57;
	v10 =	vunpack.i.l.bf16.f32 v57;
	v57 =	vld [tilespmem:s1+$0xFFFFFFE0]  }
0x16f: {  	v45 =	vunpack.i.l.bf16.f32 v45;
	v60 =	vld [tilespmem:s0+$0xFFFFFFC0];
	v2 =	vadd.f32 v6, v2  }
0x170: {  	v6 =	vmul.f32 v49, v32;
	v49 =	vmul.f32 v45, v18;
	v18 =	vmov s30;
	v45 =	vld [tilespmem:$0x1FEC0]  }
0x171: {  	v63 =	vmul.f32 v10, v17;
	vm0 =	veq.s32 v18, v13;
	v18 =	vld [tilespmem:$0x1FF10]  }
0x172: {  	v7 =	vunpack.i.u.bf16.f32 v61;
	v59 =	vmul.f32 v59, v29;
	v61 =	vld [tilespmem:s0+$0xFFFFFFE0];
	v56 =	vadd.f32 $0.0e+00, v56  }
0x173: {  	v20 =	vld [tilespmem:$0x1FF80];
	v2 =	vadd.f32 v63, v2  }
0x174: {  	v10 =	vmul.f32 v62, v31;
	v62 =	vld [tilespmem:s0+$0xFFFFFFD0];
	v56 =	vadd.f32 v59, v56  }
0x175: {  	v1 =	vmul.f32 v1, v12;
	v8 =	vadd.bf16 v8, v51;
	v51 =	vld [tilespmem:s0+$0xFFFFFFB0];
	v2 =	vadd.f32 v6, v2  }
0x176: {  	v50 =	vunpack.i.u.bf16.f32 v50;
	v4 =	vmul.f32 v4, v45;
	v45, _, _ =	vpop (xrf2);
	v63 =	vmul.f32 v41, v18;
	v18 =	vld [tilespmem:$0x1FED0]  }
0x177: {  	v1 =	vadd.f32 v1, v56;
	v56 =	vld [tilespmem:$0x1FEE0];
	v2 =	vadd.f32 v10, v2;
	v10 =	vbroadcast v45, $0xF  }
0x178: {  	v50 =	vmul.f32 v50, v19;
	v5 =	vadd.bf16 v5, v53;
	v53 =	vld [tilespmem:s1+$0xFFFFFF80]  }
0x179: {  	v6 =	vmax.bf16 v58, v0;
	v40 =	vsel vm0, v10, v40;
	v10 =	vld [tilespmem:s1+$0xFFFFFFC0]  }
0x17a: {  	v9 =	vmul.f32 v9, v33;
	v1 =	vadd.f32 v50, v1;
	v59 =	vunpack.i.l.bf16.f32 v6;
	v45 =	vld [tilespmem:s1+$0xFFFFFFD0]  }
0x17b: {  	v59 =	vmul.f32 v59, v18;
	v18 =	vld [tilespmem:$0x1FF00]  }
0x17c: {  	v7 =	vmul.f32 v7, v30;
	v58 =	vld [tilespmem:s0+$0xFFFFFFA0];
	v1 =	vadd.f32 v9, v1  }
0x17d: {  	v54 =	vmul.f32 v54, v22;
	v47 =	vmul.f32 v47, v25;
	v50 =	vld [tilespmem:s1+$0xFFFFFF70]  }
0x17e: {  	v1 =	vadd.f32 v7, v1;
	v41 =	vld [tilespmem:s1+$0xFFFFFFB0];
	v10 =	vadd.bf16 v60, v10;
	v60 =	vmul.f32 v55, v34  }
0x17f: {  	v3 =	vmul.f32 v3, v28;
	v57 =	vadd.bf16 v61, v57;
	v9 =	vld [tilespmem:s1+$0xFFFFFFA0];
	v2 =	vadd.f32 v4, v2  }
0x180: {  	v45 =	vadd.bf16 v62, v45;
	v1 =	vadd.f32 v60, v1;
	v42 =	vmul.f32 v42, v18;
	v18 =	vld [tilespmem:$0x1FEF0]  }
0x181: {  	v6 =	vunpack.i.u.bf16.f32 v6;
	v4 =	vmul.f32 v52, v56;
	v52 =	vld [tilespmem:s1+$0xFFFFFF90];
	v2 =	vadd.f32 v59, v2  }
0x182: {  	v59 =	vmax.bf16 v45, v0;
	v45 =	vld [tilespmem:s0+$0xFFFFFF70];
	v1 =	vadd.f32 v3, v1;
	v3 =	vmul.f32 v6, v27  }
0x183: {  	v61 =	vmul.f32 v38, v20;
	v8 =	vmax.bf16 v8, v0;
	v62 =	vld [tilespmem:$0x1FF30];
	v51 =	vadd.bf16 v51, v41  }
0x184: {  	v9 =	vadd.bf16 v58, v9;
	v55 =	vld [tilespmem:s0+$0xFFFFFF50];
	v1 =	vadd.f32 v3, v1;
	v3 =	vmul.f32 v46, v26  }
0x185: {  	v58 =	vmax.bf16 v51, v0;
	v2 =	vadd.f32 v4, v2;
	v60 =	vld [tilespmem:s1+$0xFFFFFF50];
	v44 =	vmul.f32 v44, v18  }
0x186: {  	v41 =	vunpack.i.l.bf16.f32 v59;
	v10 =	vmax.bf16 v10, v0;
	v6 =	vld [tilespmem:s0+$0xFFFFFF40];
	v1 =	vadd.f32 v3, v1  }
0x187: {  	v50 =	vadd.bf16 v45, v50;
	v45 =	vmax.bf16 v5, v0;
	v5 =	vld [tilespmem:s1+$0xFFFFFF30];
	v2 =	vadd.f32 v44, v2  }
0x188: {  	v7 =	vmul.f32 v35, v62;
	v46 =	vld [tilespmem:s1+$0xFFFFFF10];
	v3 =	vmul.f32 v37, v24;
	v1 =	vadd.f32 v47, v1  }
0x189: {  	v18 =	vmovc v17;
	v17 =	vmovc v11;
	v11 =	vmax.bf16 v57, v0;
	v44 =	vld [tilespmem:s0+$0xFFFFFF80];
	v2 =	vadd.f32 v42, v2;
	v42 =	vunpack.i.l.bf16.f32 v10  }
0x18a: {  	v57 =	vld [tilespmem:s0+$0xFFFFFF10];
	v10 =	vunpack.i.u.bf16.f32 v10;
	v1 =	vadd.f32 v3, v1;
	v3 =	vmul.f32 v39, v23  }
0x18b: {  	v35 =	vunpack.i.l.bf16.f32 v8;
	v8 =	vunpack.i.u.bf16.f32 v8;
	v37 =	vmovc v10;
	v10 =	vld [tilespmem:s1+$0xFFFFFF40];
	v2 =	vadd.f32 v63, v2  }
0x18c: {  	v56 =	vld [tilespmem:s0+$0xFFFFFF20];
	v55 =	vadd.bf16 v55, v60;
	v63 =	vunpack.i.u.bf16.f32 v59;
	v1 =	vadd.f32 v3, v1  }
0x18d: {  	v47 =	vld [tilespmem:s1+$0xFFFFFF20];
	v59 =	vunpack.i.u.bf16.f32 v45;
	v3 =	vadd.bf16 v48, v5;
	v2 =	vadd.f32 v43, v2  }
0x18e: {  	v4 =	vld [tilespmem:s0+$0xFFFFFF90];
	v44 =	vadd.bf16 v44, v53;
	v53 =	vmax.bf16 v50, v0;
	v43 =	vunpack.i.l.bf16.f32 v11  }
0x18f: {  	v2 =	vadd.f32 v7, v2;
	v7 =	vmul.f32 v36, v21;
	v36 =	vmovc v8;
	v8 =	vadd.bf16 v57, v46  }
0x190: {  	v1 =	vadd.f32 v54, v1;
	v54 =	vld [tilespmem:$0x1FF50];
	v51 =	vmax.bf16 v44, v0;
	v60 =	vadd.bf16 v6, v10  }
0x191: {  	v44 =	vunpack.i.l.bf16.f32 v58;
	v57 =	vmax.bf16 v55, v0;
	v62 =	vmax.bf16 v8, v0  }
0x192: {  	v48 =	vld [tilespmem:s1+$0xFFFFFF60];
	v8 =	vadd.bf16 v56, v47;
	v50 =	vmax.bf16 v60, v0;
	v1 =	vadd.f32 v7, v1  }
0x193: {  	v10 =	vld [tilespmem:s0+$0xFFFFFF60];
	v2 =	vadd.f32 v49, v2;
	v47 =	vunpack.i.u.bf16.f32 v58;
	v58 =	vadd.bf16 v4, v52  }
0x194: {  	v39 =	vmovc v63;
	v63 =	vunpack.i.u.bf16.f32 v62;
	v6 =	vunpack.i.l.bf16.f32 v62;
	v60 =	vunpack.i.l.bf16.f32 v50  }
0x195: {  	v62 =	vmax.bf16 v3, v0;
	v6 =	vmul.f32 v6, v14;
	v56 =	vmul.f32 v63, v54  }
0x196: {  	p0 =	sne.s32 s31, $0xF;
	v55 =	vmax.bf16 v8, v0;
	v1 =	vadd.f32 v61, v1;
	v3 =	vunpack.i.l.bf16.f32 v62  }
.Ltmp3:
0x197: {  	v38 =	vmovc v59;
	v8 =	vmax.bf16 v9, v0;
	v54 =	vunpack.i.u.bf16.f32 v11;
	v59 =	vunpack.i.u.bf16.f32 v55;
	(pc) =	sbr.rel @p0 .LBB2_5-.Ltmp3, $4  }
0x198: {  	v7 =	vunpack.i.l.bf16.f32 v55;
	v5 =	vadd.bf16 v10, v48;
	v63 =	vmul.f32 v3, v16  }
0x199: {  	v6 =	vadd.f32 $0.0e+00, v6;
	v1 =	vadd.f32 v2, v1;
	v2 =	vmul.f32 v7, v15  }
0x19a: {  	s3 =	smov.u32 s31;
	s31 =	sadd.s32 $0x1, s31;
	s30 =	smov.u32 s29;
	v11 =	vmovc v17;
	v46 =	vunpack.i.u.bf16.f32 v8;
	v52 =	vunpack.i.l.bf16.f32 v8;
	v61 =	vmax.bf16 v5, v0  }
0x19b: {  	s29 =	smov.u32 s3;
	s1 =	sadd.s32 $0x100, s1;
	s0 =	sadd.s32 $0x100, s0;
	v17 =	vmovc v18;
	v55 =	vunpack.i.u.bf16.f32 v53;
	(xrf2) =	vadd.scan.msk.f32 $0xffff, v1;
	v2 =	vadd.f32 v2, v6;
	v49 =	vunpack.i.l.bf16.f32 v61  }
0x19c: {  	v1 =	vmul.f32 v59, v29;
	v3 =	vadd.f32 $0.0e+00, v56  }
0x19d: {  	v4 =	vunpack.i.u.bf16.f32 v62;
	v5 =	vunpack.i.u.bf16.f32 v50  }
0x19e: {  	v6 =	vunpack.i.l.bf16.f32 v57;
	v4 =	vmul.f32 v4, v12;
	v1 =	vadd.f32 v1, v3  }
0x19f: {  	v56 =	vunpack.i.u.bf16.f32 v57;
	v9 =	vunpack.i.l.bf16.f32 v53;
	v2 =	vadd.f32 v63, v2  }
0x1a0: {  	v50 =	vmul.f32 v5, v19;
	v3 =	vmul.f32 v60, v11;
	v1 =	vadd.f32 v4, v1  }
0x1a1: {  	v57 =	vmul.f32 v56, v33;
	v63 =	vunpack.i.u.bf16.f32 v61;
	v60 =	vmovc v33;
	v33 =	vunpack.i.u.bf16.f32 v51  }
0x1a2: {  	v53 =	vld [tilespmem:$0x1FED0];
	v2 =	vadd.f32 v3, v2;
	v3 =	vmul.f32 v6, v17;
	v1 =	vadd.f32 v50, v1  }
0x1a3: {  	v61 =	vmov v30;
	v10 =	vmul.f32 v63, v30;
	v30 =	vld [tilespmem:$0x1FEC0];
	v5 =	vmul.f32 v33, v28  }
0x1a4: {  	v33 =	vld [tilespmem:$0x1FEF0];
	v2 =	vadd.f32 v3, v2;
	v3 =	vmul.f32 v49, v32;
	v1 =	vadd.f32 v57, v1  }
0x1a5: {  	v7 =	vmul.f32 v55, v34;
	v6 =	vmul.f32 v9, v31  }
0x1a6: {  	v20 =	vld [tilespmem:$0x1FEE0];
	v49 =	vmax.bf16 v58, v0;
	v2 =	vadd.f32 v3, v2;
	v1 =	vadd.f32 v10, v1  }
0x1a7: {  	v50 =	vunpack.i.l.bf16.f32 v49;
	v3 =	vunpack.i.l.bf16.f32 v51  }
0x1a8: {  	v3 =	vmul.f32 v3, v30;
	v2 =	vadd.f32 v6, v2;
	v1 =	vadd.f32 v7, v1  }
0x1a9: {  	v4 =	vunpack.i.u.bf16.f32 v49;
	v56 =	vmul.f32 v44, v33;
	v44 =	vld [tilespmem:$0x1FF00];
	v6 =	vmul.f32 v50, v53  }
0x1aa: {  	v2 =	vadd.f32 v3, v2;
	v3 =	vmul.f32 v4, v27;
	v1 =	vadd.f32 v5, v1  }
0x1ab: {  	v55 =	vmul.f32 v52, v20  }
0x1ac: {  	v2 =	vadd.f32 v6, v2;
	v1 =	vadd.f32 v3, v1;
	v3 =	vmul.f32 v46, v26;
	_ =	sdelay $0x1  }
0x1ad: {  	v2 =	vadd.f32 v55, v2;
	v1 =	vadd.f32 v3, v1;
	v3 =	vmul.f32 v42, v44;
	v42 =	vld [tilespmem:$0x1FF10]  }
0x1ae: {  	v63 =	vld [tilespmem:$0x1FF20];
	v57 =	vmul.f32 v47, v25  }
0x1af: {  	v2 =	vadd.f32 v56, v2  }
0x1b0: {  	v58 =	vmul.f32 v37, v24;
	v1 =	vadd.f32 v57, v1  }
0x1b1: {  	v47 =	vld [tilespmem:$0x1FF30];
	v2 =	vadd.f32 v3, v2  }
0x1b2: {  	v56 =	vld [tilespmem:$0x1FF80];
	v3 =	vmul.f32 v39, v23;
	v1 =	vadd.f32 v58, v1;
	v62 =	vmul.f32 v41, v42  }
0x1b3: {  	v48 =	vmov v29;
	v29 =	vld [tilespmem:$0x1FF40];
	v43 =	vmul.f32 v43, v63  }
0x1b4: {  	v46 =	vmul.f32 v54, v22;
	v1 =	vadd.f32 v3, v1;
	v2 =	vadd.f32 v62, v2  }
0x1b5: {  	v52 =	vmul.f32 v36, v21  }
0x1b6: {  	v51 =	vmul.f32 v35, v47;
	v1 =	vadd.f32 v46, v1;
	v2 =	vadd.f32 v43, v2  }
0x1b7: {  	v58 =	vmul.f32 v38, v56;
	v3 =	vunpack.i.l.bf16.f32 v45  }
0x1b8: {  	v3 =	vmul.f32 v3, v29;
	v1 =	vadd.f32 v52, v1;
	v2 =	vadd.f32 v51, v2;
	_ =	sdelay $0x1  }
0x1b9: {  	v1 =	vadd.f32 v58, v1;
	v2 =	vadd.f32 v3, v2;
	_ =	sdelay $0x1  }
0x1ba: {  	v1 =	vadd.f32 v2, v1;
	_ =	sdelay $0x1  }
0x1bb: {  	(xrf2) =	vadd.scan.msk.f32 $0xffff, v1;
	_ =	sdelay $0x8  }
0x1bc: {  	v1, _, _ =	vpop (xrf2)  }
0x1bd: {  	v2 =	vmov s30;
	v1 =	vbroadcast v1, $0xF;
	v3, _, _ =	vpop (xrf2)  }
0x1be: {  	vm0 =	veq.s32 v2, v13;
	v2 =	vmov s29;
	v3 =	vbroadcast v3, $0xF  }
0x1bf: {  	vm15 =	veq.s32 v2, v13;
	v1 =	vsel vm0, v1, v40  }
0x1c0: {  	p0 =	seq.s32 s26, $0x4E;
	v1 =	vsel vm15, v3, v1  }
0x1c1: {  	s0 =	sadd.s32 @!p0 $0x40, s28;
	s1 =	simm.s32 @!p0 $0x20;
	s3 =	simm.s32 @!p0 $0x2780;
	[tilespmem:s28+$0xA9A0] =	vst v1  }
0x1c2: {  	[tilespmem:s3], [sflag:$0x1] =	stream.indirect.gather @!p0 [hbm4b:s2+s1], $0x100, s0, s1, $0xb8;
	[tilespmem:$0xBD50] =	vst v63  }
0x1c3: {  	s0 =	sadd.s32 @!p0 $0x1400, s28;
	s3 =	simm.s32 @!p0 $0x6780  }
0x1c4: {  	[tilespmem:s3], [sflag:$0x1] =	stream.indirect.gather @!p0 [hbm4b:s2+s1], $0x100, s0, s1, $0xb8;
	[tilespmem:$0xBD50] =	vst v63  }
0x1c5: {  	_ =	swait.ge [sflag:s23], $0x2000  }
0x1c6: {  	[sflag:s23] =	ssyncset.done $0x0  }
0x1c7: {  	[sflag:s23] =	ssyncadd.s32 $0xFFFFE000  }
0x1c8: {  	_ =	swait.ge [sflag:s23], $0x2000  }
0x1c9: {  	[sflag:s23] =	ssyncset.done $0x0  }
0x1ca: {  	s0 =	simm.s32 $0x8870;
	[sflag:s23] =	ssyncadd.s32 $0xFFFFE000  }
0x1cb: {  	v1 =	vld [tilespmem:s0+$0xFFFFFF30]  }
0x1cc: {  	v2 =	vld [tilespmem:s0+$0x0]  }
0x1cd: {  	s3 =	simm.s32 $0x4870;
	v3 =	vld [tilespmem:s0+$0xFFFFFFF0]  }
0x1ce: {  	v4 =	vld [tilespmem:s3+$0x0]  }
0x1cf: {  	v5 =	vld [tilespmem:s3+$0xFFFFFFF0]  }
0x1d0: {  	v6 =	vld [tilespmem:s3+$0xFFFFFFE0]  }
0x1d1: {  	v7 =	vld [tilespmem:s0+$0xFFFFFFC0]  }
0x1d2: {  	v8 =	vld [tilespmem:s0+$0xFFFFFFE0]  }
0x1d3: {  	v9 =	vld [tilespmem:s0+$0xFFFFFFA0]  }
0x1d4: {  	v10 =	vld [tilespmem:s0+$0xFFFFFFD0]  }
0x1d5: {  	v62 =	vld [tilespmem:s3+$0xFFFFFFD0]  }
0x1d6: {  	v54 =	vmov v30;
	v30 =	vmov v63;
	v63 =	vld [tilespmem:s3+$0xFFFFFFB0]  }
0x1d7: {  	v57 =	vmov v48;
	v48 =	vld [tilespmem:s3+$0xFFFFFFC0]  }
0x1d8: {  	v49 =	vld [tilespmem:s0+$0xFFFFFFB0]  }
0x1d9: {  	v38 =	vld [tilespmem:s3+$0xFFFFFF70]  }
0x1da: {  	v41 =	vld [tilespmem:s3+$0xFFFFFFA0]  }
0x1db: {  	v55 =	vmov v31;
	v31 =	vmov v33;
	v33 =	vmov v42;
	v42 =	vld [tilespmem:s0+$0xFFFFFF50]  }
0x1dc: {  	v43 =	vld [tilespmem:s0+$0xFFFFFF80]  }
0x1dd: {  	v45 =	vld [tilespmem:s3+$0xFFFFFF80];
	v3 =	vadd.bf16 v3, v5  }
0x1de: {  	v51 =	vmovc v17;
	v17 =	vmov v44;
	v44 =	vld [tilespmem:s3+$0xFFFFFF10];
	v2 =	vadd.bf16 v2, v4;
	v50 =	vadd.bf16 v10, v62  }
0x1df: {  	v59 =	vmovc v19;
	v19 =	vmov v11;
	v11 =	vld [tilespmem:s0+$0xFFFFFF40];
	v7 =	vadd.bf16 v7, v48;
	v6 =	vadd.bf16 v8, v6  }
0x1e0: {  	v5 =	vld [tilespmem:s0+$0xFFFFFF70];
	v8 =	vadd.bf16 v49, v63;
	v9 =	vadd.bf16 v9, v41  }
0x1e1: {  	v62 =	vld [tilespmem:s0+$0xFFFFFF10];
	v3 =	vmax.bf16 v3, v0;
	v4 =	vmax.bf16 v50, v0;
	v7 =	vmax.bf16 v7, v0  }
0x1e2: {  	v63 =	vld [tilespmem:s3+$0xFFFFFF50];
	v6 =	vmax.bf16 v6, v0;
	v2 =	vmax.bf16 v2, v0;
	v8 =	vmax.bf16 v8, v0  }
0x1e3: {  	v48 =	vld [tilespmem:s3+$0xFFFFFF30];
	v9 =	vmax.bf16 v9, v0;
	v36 =	vunpack.i.l.bf16.f32 v3;
	v40 =	vunpack.i.u.bf16.f32 v3  }
0x1e4: {  	v52 =	vmovc v32;
	v32 =	vmovc v47;
	v49 =	vld [tilespmem:s3+$0xFFFFFF40];
	v47 =	vunpack.i.l.bf16.f32 v7;
	v37 =	vunpack.i.u.bf16.f32 v7;
	v7 =	vunpack.i.l.bf16.f32 v6  }
0x1e5: {  	v35 =	vunpack.i.l.bf16.f32 v4;
	v6 =	vunpack.i.u.bf16.f32 v6;
	v7 =	vmul.f32 v7, v30  }
0x1e6: {  	v39 =	vld [tilespmem:s0+$0xFFFFFF20];
	v6 =	vmul.f32 v6, v22;
	v47 =	vmul.f32 v47, v17;
	v5 =	vadd.bf16 v5, v38  }
0x1e7: {  	v3 =	vld [tilespmem:s3+$0xFFFFFF20];
	v10 =	vadd.bf16 v62, v44;
	v38 =	vunpack.i.u.bf16.f32 v4;
	v44 =	vunpack.i.u.bf16.f32 v2  }
0x1e8: {  	v62 =	vadd.bf16 v43, v45;
	v63 =	vadd.bf16 v42, v63;
	v2 =	vunpack.i.l.bf16.f32 v2  }
0x1e9: {  	v1 =	vadd.bf16 v1, v48;
	v11 =	vadd.bf16 v11, v49;
	v2 =	vmul.f32 v2, v29  }
0x1ea: {  	v38 =	vmul.f32 v38, v23;
	v10 =	vmax.bf16 v10, v0;
	v4 =	vmax.bf16 v62, v0  }
0x1eb: {  	v58 =	vld [tilespmem:$0x1FF50];
	v1 =	vmax.bf16 v1, v0;
	v5 =	vmax.bf16 v5, v0;
	v11 =	vmax.bf16 v11, v0  }
0x1ec: {  	v3 =	vadd.bf16 v39, v3;
	v46 =	vunpack.i.l.bf16.f32 v10;
	v62 =	vunpack.i.l.bf16.f32 v1  }
0x1ed: {  	v10 =	vunpack.i.u.bf16.f32 v10;
	v39 =	vmax.bf16 v63, v0;
	v63 =	vunpack.i.l.bf16.f32 v11  }
0x1ee: {  	v1 =	vunpack.i.u.bf16.f32 v1;
	v11 =	vunpack.i.u.bf16.f32 v11;
	v41 =	vmul.f32 v46, v14  }
0x1ef: {  	v42 =	vld [tilespmem:s0+$0xFFFFFF60];
	v46 =	vunpack.i.l.bf16.f32 v8;
	v48 =	vmul.f32 v62, v16;
	v3 =	vmax.bf16 v3, v0  }
0x1f0: {  	v43 =	vld [tilespmem:s3+$0xFFFFFF60];
	v62 =	vmul.f32 v63, v19;
	v10 =	vmul.f32 v10, v58;
	v50 =	vunpack.i.l.bf16.f32 v3  }
0x1f1: {  	v41 =	vadd.f32 $0.0e+00, v41;
	v3 =	vunpack.i.u.bf16.f32 v3;
	v45 =	vmul.f32 v50, v15  }
0x1f2: {  	v63 =	vunpack.i.l.bf16.f32 v39;
	v10 =	vadd.f32 $0.0e+00, v10;
	v50 =	vld [tilespmem:s0+$0xFFFFFF90];
	s0 =	simm.s32 $0x8970;
	v3 =	vmul.f32 v3, v57  }
0x1f3: {  	v8 =	vunpack.i.u.bf16.f32 v8;
	v1 =	vmul.f32 v1, v12;
	v49 =	vld [tilespmem:s0+$0xFFFFFFF0];
	v41 =	vadd.f32 v45, v41  }
0x1f4: {  	v11 =	vmul.f32 v11, v59;
	v39 =	vunpack.i.u.bf16.f32 v39;
	v45 =	vld [tilespmem:s3+$0xFFFFFF90];
	v3 =	vadd.f32 v3, v10  }
0x1f5: {  	v42 =	vadd.bf16 v42, v43;
	v39 =	vmul.f32 v39, v60;
	v60 =	vld [tilespmem:s0+$0xFFFFFFB0];
	v41 =	vadd.f32 v48, v41  }
0x1f6: {  	v46 =	vmul.f32 v46, v31;
	v8 =	vmul.f32 v8, v25;
	s3 =	simm.s32 $0x4970;
	v10 =	vld [tilespmem:s0+$0xFFFFFFD0];
	v1 =	vadd.f32 v1, v3  }
0x1f7: {  	v42 =	vmax.bf16 v42, v0;
	v57 =	vld [tilespmem:s3+$0xFFFFFFC0];
	v41 =	vadd.f32 v62, v41;
	v62 =	vmul.f32 v63, v51  }
0x1f8: {  	v19 =	vmovc v59;
	v59 =	vld [tilespmem:s3+$0xFFFFFFB0];
	v63 =	vunpack.i.l.bf16.f32 v42;
	v1 =	vadd.f32 v11, v1;
	v42 =	vunpack.i.u.bf16.f32 v42  }
0x1f9: {  	v51 =	vld [tilespmem:s3+$0xFFFFFFF0];
	v43 =	vmul.f32 v63, v52;
	v45 =	vadd.bf16 v50, v45;
	v63 =	vunpack.i.l.bf16.f32 v5  }
0x1fa: {  	v50 =	vld [tilespmem:s0+$0x0];
	v5 =	vunpack.i.u.bf16.f32 v5;
	v41 =	vadd.f32 v62, v41;
	v62 =	vunpack.i.l.bf16.f32 v4  }
0x1fb: {  	v42 =	vmul.f32 v42, v61;
	v1 =	vadd.f32 v39, v1;
	v48 =	vmul.f32 v62, v54;
	v62 =	vld [tilespmem:s3+$0xFFFFFFD0]  }
0x1fc: {  	v52 =	vmul.f32 v63, v55;
	v4 =	vunpack.i.u.bf16.f32 v4;
	v41 =	vadd.f32 v43, v41;
	v43 =	vld [tilespmem:s3+$0x0]  }
0x1fd: {  	v11 =	vld [tilespmem:s0+$0xFFFFFF30];
	v5 =	vmul.f32 v5, v34;
	v45 =	vmax.bf16 v45, v0;
	v1 =	vadd.f32 v42, v1  }
0x1fe: {  	v63 =	vld [tilespmem:s0+$0xFFFFFFC0];
	v3 =	vunpack.i.l.bf16.f32 v45;
	v49 =	vadd.bf16 v49, v51;
	v41 =	vadd.f32 v52, v41  }
0x1ff: {  	v39 =	vld [tilespmem:s0+$0xFFFFFFA0];
	v4 =	vmul.f32 v4, v28;
	v3 =	vmul.f32 v3, v53;
	v1 =	vadd.f32 v5, v1  }
0x200: {  	v42 =	vld [tilespmem:s3+$0xFFFFFF70];
	v49 =	vmax.bf16 v49, v0;
	v41 =	vadd.f32 v48, v41;
	v10 =	vadd.bf16 v10, v62  }
0x201: {  	v52 =	vld [tilespmem:s0+$0xFFFFFFE0];
	v50 =	vadd.bf16 v50, v43;
	v43 =	vunpack.i.u.bf16.f32 v9;
	v9 =	vunpack.i.l.bf16.f32 v9  }
0x202: {  	v5 =	vld [tilespmem:s3+$0xFFFFFFA0];
	v62 =	vunpack.i.u.bf16.f32 v45;
	v3 =	vadd.f32 v3, v41;
	v9 =	vmul.f32 v9, v20  }
0x203: {  	v48 =	vadd.bf16 v63, v57;
	v45 =	vld [tilespmem:s0+$0xFFFFFF70];
	v1 =	vadd.f32 v4, v1;
	v63 =	vmul.f32 v62, v27  }
0x204: {  	v57 =	vld [tilespmem:s0+$0xFFFFFF80];
	v20 =	vmovc v61;
	v61 =	vmul.f32 v35, v33;
	v35 =	vunpack.i.l.bf16.f32 v49;
	v3 =	vadd.f32 v9, v3  }
0x205: {  	v41 =	vld [tilespmem:s3+$0xFFFFFFE0];
	v33 =	vmul.f32 v36, v32;
	v10 =	vmax.bf16 v10, v0;
	v1 =	vadd.f32 v63, v1  }
0x206: {  	v43 =	vmul.f32 v43, v26;
	v9 =	vadd.bf16 v60, v59;
	v59 =	vld [tilespmem:s3+$0xFFFFFF80];
	v3 =	vadd.f32 v46, v3  }
0x207: {  	v30 =	vmovc v32;
	v36 =	vunpack.i.u.bf16.f32 v49;
	v62 =	vmax.bf16 v48, v0;
	v32 =	vld [tilespmem:s0+$0xFFFFFF10];
	v5 =	vadd.bf16 v39, v5  }
0x208: {  	v63 =	vld [tilespmem:s3+$0xFFFFFF10];
	v39 =	vunpack.i.u.bf16.f32 v10;
	v1 =	vadd.f32 v43, v1;
	v3 =	vadd.f32 v47, v3  }
0x209: {  	v48 =	vadd.bf16 v45, v42;
	v42 =	vunpack.i.l.bf16.f32 v62;
	v45 =	vmax.bf16 v50, v0;
	v46 =	vld [tilespmem:s0+$0xFFFFFF20]  }
0x20a: {  	v5 =	vmax.bf16 v5, v0;
	v60 =	vadd.bf16 v52, v41;
	v47 =	vld [tilespmem:s0+$0xFFFFFF50];
	v3 =	vadd.f32 v61, v3  }
0x20b: {  	v9 =	vmax.bf16 v9, v0;
	v41 =	vunpack.i.l.bf16.f32 v10;
	v4 =	vadd.bf16 v57, v59;
	v57 =	vld [tilespmem:s3+$0xFFFFFF30]  }
0x20c: {  	v53 =	vmax.bf16 v48, v0;
	v49 =	vmax.bf16 v60, v0;
	v60 =	vld [tilespmem:s3+$0xFFFFFF20];
	v3 =	vadd.f32 v7, v3  }
0x20d: {  	v1 =	vadd.f32 v8, v1;
	v8 =	vadd.bf16 v32, v63;
	v55 =	vunpack.i.u.bf16.f32 v53;
	v61 =	vld [tilespmem:s3+$0xFFFFFF50]  }
0x20e: {  	v59 =	vld [tilespmem:s3+$0xFFFFFF40];
	v43 =	vunpack.i.l.bf16.f32 v49;
	v3 =	vadd.f32 v33, v3;
	v33 =	vmul.f32 v37, v24  }
0x20f: {  	v63 =	vmax.bf16 v8, v0;
	v54 =	vunpack.i.u.bf16.f32 v49;
	v51 =	vmax.bf16 v4, v0;
	v7 =	vld [tilespmem:s0+$0xFFFFFF40]  }
0x210: {  	v37 =	vunpack.i.u.bf16.f32 v62;
	v62 =	vmul.f32 v44, v56;
	v1 =	vadd.f32 v33, v1  }
0x211: {  	v48 =	vld [tilespmem:s3+$0xFFFFFF60];
	v11 =	vadd.bf16 v11, v57;
	v44 =	vunpack.i.l.bf16.f32 v9;
	v32 =	vadd.bf16 v46, v60  }
0x212: {  	v47 =	vadd.bf16 v47, v61;
	v61 =	vmul.f32 v40, v21;
	v40 =	vld [tilespmem:s0+$0xFFFFFF60];
	v1 =	vadd.f32 v38, v1  }
0x213: {  	v46 =	vunpack.i.u.bf16.f32 v5;
	v33 =	vunpack.i.u.bf16.f32 v63;
	v2 =	vadd.f32 v2, v3  }
0x214: {  	v32 =	vmax.bf16 v32, v0;
	v7 =	vadd.bf16 v7, v59;
	v1 =	vadd.f32 v6, v1  }
0x215: {  	v57 =	vmax.bf16 v47, v0;
	v56 =	vmul.f32 v33, v58;
	v59 =	vunpack.i.u.bf16.f32 v32  }
0x216: {  	v33 =	vld [tilespmem:s0+$0xFFFFFF90];
	v3 =	vunpack.i.l.bf16.f32 v32;
	v6 =	vunpack.i.l.bf16.f32 v63;
	v1 =	vadd.f32 v61, v1  }
0x217: {  	v31 =	vmovc v17;
	v17 =	vmovc v58;
	v47 =	vunpack.i.u.bf16.f32 v9;
	v58 =	vadd.bf16 v40, v48;
	v52 =	vmul.f32 v6, v14;
	v6 =	vld [tilespmem:s3+$0xFFFFFF90]  }
0x218: {  	v38 =	vunpack.i.u.bf16.f32 v45;
	v50 =	vmax.bf16 v7, v0;
	v1 =	vadd.f32 v62, v1  }
0x219: {  	v60 =	vunpack.i.l.bf16.f32 v50;
	v61 =	vmax.bf16 v58, v0;
	v4 =	vadd.f32 $0.0e+00, v52  }
0x21a: {  	v62 =	vmax.bf16 v11, v0;
	v1 =	vadd.f32 v2, v1;
	v2 =	vmul.f32 v3, v15  }
0x21b: {  	s31 =	simm.s32 $0x2;
	s30 =	simm.s32 $0x0;
	v29 =	vmovc v20;
	v32 =	vld [tilespmem:$0x1FFE0];
	v52 =	vunpack.i.l.bf16.f32 v5;
	v49 =	vunpack.i.l.bf16.f32 v61;
	v63 =	vunpack.i.l.bf16.f32 v62  }
0x21c: {  	s29 =	simm.s32 $0x1;
	s1 =	simm.s32 $0x4A70;
	s0 =	simm.s32 $0x8A70;
	v40 =	vld [tilespmem:$0x1FF60];
	v63 =	vmul.f32 v63, v16;
	v58 =	vadd.bf16 v33, v6;
	(xrf2) =	vadd.scan.msk.f32 $0xffff, v1;
	v2 =	vadd.f32 v2, v4  }
.LBB2_7:
0x21d: {  	v48 =	vld [tilespmem:s0+$0xFFFFFF30]  }
0x21e: {  	v5 =	vld [tilespmem:s0+$0x0]  }
0x21f: {  	v6 =	vld [tilespmem:$0x1FF70]  }
0x220: {  	v8 =	vld [tilespmem:s0+$0xFFFFFFF0]  }
0x221: {  	v3 =	vunpack.i.u.bf16.f32 v51;
	v4 =	vunpack.i.l.bf16.f32 v51;
	v51 =	vld [tilespmem:s1+$0x0]  }
0x222: {  	v11 =	vunpack.i.l.bf16.f32 v53;
	v53 =	vld [tilespmem:$0x1FFB0]  }
0x223: {  	v9 =	vunpack.i.u.bf16.f32 v57;
	v10 =	vunpack.i.l.bf16.f32 v57;
	v57 =	vld [tilespmem:$0x1FF90]  }
0x224: {  	v33 =	vld [tilespmem:$0x1FFC0]  }
0x225: {  	v7 =	vunpack.i.u.bf16.f32 v61;
	v61 =	vld [tilespmem:$0x1FF20]  }
0x226: {  	v1 =	vunpack.i.u.bf16.f32 v62;
	v62 =	vld [tilespmem:$0x1FF40]  }
0x227: {  	v20 =	vmov s30;
	v2 =	vadd.f32 v63, v2;
	v63 =	vld [tilespmem:$0x1FEC0]  }
0x228: {  	vm0 =	veq.s32 v20, v13;
	v20 =	vld [tilespmem:$0x1FF10]  }
0x229: {  	v6 =	vmul.f32 v60, v6;
	v60 =	vld [tilespmem:$0x1FFA0]  }
0x22a: {  	v43 =	vmul.f32 v43, v61;
	v61 =	vld [tilespmem:s0+$0xFFFFFFD0]  }
0x22b: {  	v5 =	vadd.bf16 v5, v51;
	v51 =	vld [tilespmem:s1+$0xFFFFFF80]  }
0x22c: {  	v4 =	vmul.f32 v4, v63;
	v63 =	vld [tilespmem:$0x1FED0]  }
0x22d: {  	v2 =	vadd.f32 v6, v2;
	v6 =	vmul.f32 v10, v53;
	v10 =	vmul.f32 v11, v57;
	v11 =	vld [tilespmem:s1+$0xFFFFFFF0]  }
0x22e: {  	v45 =	vunpack.i.l.bf16.f32 v45;
	v54 =	vmul.f32 v54, v22;
	v53 =	vld [tilespmem:s1+$0xFFFFFFE0]  }
0x22f: {  	v50 =	vunpack.i.u.bf16.f32 v50;
	v56 =	vadd.f32 $0.0e+00, v56;
	v57 =	vmul.f32 v59, v33;
	v59 =	vld [tilespmem:s0+$0xFFFFFFC0]  }
0x230: {  	v42 =	vmul.f32 v42, v31;
	v2 =	vadd.f32 v6, v2;
	v6 =	vmul.f32 v49, v60;
	v60 =	vld [tilespmem:s0+$0xFFFFFFE0]  }
0x231: {  	v1 =	vmul.f32 v1, v12;
	v56 =	vadd.f32 v57, v56;
	v49 =	vmul.f32 v45, v62;
	v45 =	vld [tilespmem:s1+$0xFFFFFFD0]  }
0x232: {  	v47 =	vmul.f32 v47, v25;
	v62 =	vmul.f32 v41, v20;
	v41 =	vld [tilespmem:s1+$0xFFFFFFB0];
	v2 =	vadd.f32 v6, v2  }
0x233: {  	v9 =	vmul.f32 v9, v32;
	v33, _, _ =	vpop (xrf2);
	v1 =	vadd.f32 v1, v56;
	v56 =	vld [tilespmem:$0x1FEE0];
	v6 =	vmax.bf16 v58, v0  }
0x234: {  	v58 =	vld [tilespmem:s0+$0xFFFFFFA0];
	v2 =	vadd.f32 v10, v2;
	v10 =	vbroadcast v33, $0xF;
	v33 =	vmul.f32 v50, v19  }
0x235: {  	v7 =	vmul.f32 v7, v29;
	v8 =	vadd.bf16 v8, v11;
	v11 =	vld [tilespmem:s1+$0xFFFFFF70];
	v57 =	vunpack.i.l.bf16.f32 v6  }
0x236: {  	v57 =	vmul.f32 v57, v63;
	v63 =	vld [tilespmem:s0+$0xFFFFFFB0];
	v2 =	vadd.f32 v4, v2;
	v1 =	vadd.f32 v33, v1  }
0x237: {  	v45 =	vadd.bf16 v61, v45;
	v61 =	vmul.f32 v55, v34;
	v55 =	vld [tilespmem:s0+$0xFFFFFF50];
	v53 =	vadd.bf16 v60, v53  }
0x238: {  	v3 =	vmul.f32 v3, v28;
	v2 =	vadd.f32 v57, v2;
	v57 =	vld [tilespmem:$0x1FEF0];
	v1 =	vadd.f32 v9, v1  }
0x239: {  	v6 =	vunpack.i.u.bf16.f32 v6;
	v8 =	vmax.bf16 v8, v0;
	v40 =	vsel vm0, v10, v40;
	v10 =	vld [tilespmem:s1+$0xFFFFFFC0]  }
0x23a: {  	v4 =	vmul.f32 v52, v56;
	v9 =	vld [tilespmem:s1+$0xFFFFFFA0];
	v33 =	vmovc v12;
	v12 =	vmax.bf16 v53, v0;
	v1 =	vadd.f32 v7, v1  }
0x23b: {  	v56 =	vld [tilespmem:s0+$0xFFFFFF20];
	v50 =	vadd.bf16 v63, v41;
	v63 =	vmax.bf16 v45, v0;
	v45 =	vmax.bf16 v5, v0  }
0x23c: {  	v53 =	vld [tilespmem:s0+$0xFFFFFF10];
	v2 =	vadd.f32 v4, v2;
	v7 =	vmul.f32 v35, v30;
	v1 =	vadd.f32 v61, v1  }
0x23d: {  	v5 =	vld [tilespmem:s1+$0xFFFFFF30];
	v35 =	vunpack.i.l.bf16.f32 v8;
	v8 =	vunpack.i.u.bf16.f32 v8;
	v44 =	vmul.f32 v44, v57  }
0x23e: {  	v10 =	vadd.bf16 v59, v10;
	v61 =	vld [tilespmem:s0+$0xFFFFFF70];
	v1 =	vadd.f32 v3, v1;
	v3 =	vmul.f32 v6, v27  }
0x23f: {  	v9 =	vadd.bf16 v58, v9;
	v58 =	vmax.bf16 v50, v0;
	v50 =	vld [tilespmem:$0x1FF80];
	v2 =	vadd.f32 v44, v2  }
0x240: {  	v41 =	vunpack.i.l.bf16.f32 v63;
	v44 =	vld [tilespmem:s0+$0xFFFFFF80];
	v1 =	vadd.f32 v3, v1;
	v3 =	vmul.f32 v46, v26  }
0x241: {  	v63 =	vunpack.i.u.bf16.f32 v63;
	v10 =	vmax.bf16 v10, v0;
	v46 =	vld [tilespmem:s1+$0xFFFFFF10];
	v2 =	vadd.f32 v42, v2  }
0x242: {  	v6 =	vld [tilespmem:s0+$0xFFFFFF40];
	v42 =	vunpack.i.l.bf16.f32 v10;
	v10 =	vunpack.i.u.bf16.f32 v10;
	v1 =	vadd.f32 v3, v1  }
0x243: {  	v57 =	vunpack.i.u.bf16.f32 v45;
	v3 =	vmul.f32 v37, v24;
	v37 =	vmovc v10;
	v10 =	vld [tilespmem:s1+$0xFFFFFF40];
	v2 =	vadd.f32 v62, v2  }
0x244: {  	v11 =	vadd.bf16 v61, v11;
	v61 =	vmul.f32 v38, v50;
	v62 =	vld [tilespmem:s1+$0xFFFFFF50];
	v1 =	vadd.f32 v47, v1  }
0x245: {  	v47 =	vld [tilespmem:s1+$0xFFFFFF20];
	v44 =	vadd.bf16 v44, v51;
	v2 =	vadd.f32 v43, v2;
	v43 =	vunpack.i.l.bf16.f32 v12  }
0x246: {  	v59 =	vadd.bf16 v53, v46;
	v53 =	vmax.bf16 v11, v0;
	v1 =	vadd.f32 v3, v1  }
0x247: {  	v3 =	vmul.f32 v39, v23;
	v51 =	vmax.bf16 v44, v0;
	v44 =	vunpack.i.l.bf16.f32 v58  }
0x248: {  	v2 =	vadd.f32 v7, v2;
	v7 =	vmul.f32 v36, v21;
	v60 =	vadd.bf16 v6, v10  }
0x249: {  	v55 =	vadd.bf16 v55, v62;
	v1 =	vadd.f32 v3, v1;
	v62 =	vmax.bf16 v59, v0  }
0x24a: {  	v39 =	vmovc v63;
	v3 =	vadd.bf16 v48, v5;
	v63 =	vadd.bf16 v56, v47;
	v46 =	vunpack.i.u.bf16.f32 v62  }
0x24b: {  	v10 =	vld [tilespmem:s0+$0xFFFFFF60];
	v6 =	vunpack.i.l.bf16.f32 v62;
	v50 =	vmax.bf16 v60, v0;
	v2 =	vadd.f32 v49, v2  }
0x24c: {  	v47 =	vld [tilespmem:s1+$0xFFFFFF60];
	v49 =	vmax.bf16 v9, v0;
	v1 =	vadd.f32 v54, v1;
	v6 =	vmul.f32 v6, v14  }
0x24d: {  	v52 =	vld [tilespmem:s1+$0xFFFFFF90];
	v38 =	vmovc v57;
	v57 =	vmax.bf16 v55, v0;
	v56 =	vmul.f32 v46, v17;
	v60 =	vunpack.i.l.bf16.f32 v50  }
0x24e: {  	v4 =	vld [tilespmem:s0+$0xFFFFFF90];
	v62 =	vmax.bf16 v3, v0;
	v54 =	vunpack.i.u.bf16.f32 v12;
	v1 =	vadd.f32 v7, v1  }
0x24f: {  	p1 =	sne.s32 s31, $0xF;
	v46 =	vunpack.i.u.bf16.f32 v49;
	v55 =	vunpack.i.u.bf16.f32 v53;
	v48 =	vmax.bf16 v63, v0  }
.Ltmp4:
0x250: {  	v3 =	vunpack.i.l.bf16.f32 v62;
	v6 =	vadd.f32 $0.0e+00, v6;
	v1 =	vadd.f32 v61, v1;
	(pc) =	sbr.rel @p1 .LBB2_7-.Ltmp4, $4  }
0x251: {  	v59 =	vunpack.i.u.bf16.f32 v48;
	v7 =	vunpack.i.l.bf16.f32 v48;
	v5 =	vadd.bf16 v10, v47  }
0x252: {  	v63 =	vmul.f32 v3, v16;
	v1 =	vadd.f32 v2, v1;
	v2 =	vmul.f32 v7, v15  }
0x253: {  	s3 =	smov.u32 s31;
	s31 =	sadd.s32 $0x1, s31;
	s30 =	smov.u32 s29;
	v36 =	vmovc v8;
	v47 =	vunpack.i.u.bf16.f32 v58;
	v58 =	vadd.bf16 v4, v52;
	v61 =	vmax.bf16 v5, v0  }
0x254: {  	s29 =	smov.u32 s3;
	s0 =	sadd.s32 $0x100, s0;
	s1 =	sadd.s32 $0x100, s1;
	v12 =	vmovc v33;
	v52 =	vunpack.i.l.bf16.f32 v49;
	v49 =	vunpack.i.l.bf16.f32 v61;
	(xrf2) =	vadd.scan.msk.f32 $0xffff, v1;
	v2 =	vadd.f32 v2, v6  }
0x255: {  	v20 =	vld [tilespmem:$0x1FFC0];
	_ =	sdelay $0x3  }
0x256: {  	v3 =	vadd.f32 $0.0e+00, v56;
	v56 =	vld [tilespmem:$0x1FF70]  }
0x257: {  	v1 =	vmul.f32 v59, v20  }
0x258: {  	v4 =	vunpack.i.u.bf16.f32 v62;
	v5 =	vunpack.i.u.bf16.f32 v50;
	v50 =	vld [tilespmem:$0x1FFB0]  }
0x259: {  	v6 =	vunpack.i.l.bf16.f32 v57;
	v4 =	vmul.f32 v4, v12;
	v1 =	vadd.f32 v1, v3  }
0x25a: {  	v8 =	vunpack.i.u.bf16.f32 v57;
	v57 =	vld [tilespmem:$0x1FFA0];
	v11 =	vunpack.i.l.bf16.f32 v53;
	v2 =	vadd.f32 v63, v2  }
0x25b: {  	v53 =	vld [tilespmem:$0x1FF90];
	v63 =	vmul.f32 v5, v19;
	v3 =	vmul.f32 v60, v56;
	v1 =	vadd.f32 v4, v1  }
0x25c: {  	v10 =	vunpack.i.u.bf16.f32 v61;
	v9 =	vmul.f32 v8, v32  }
0x25d: {  	v2 =	vadd.f32 v3, v2;
	v3 =	vmul.f32 v6, v50;
	v1 =	vadd.f32 v63, v1  }
0x25e: {  	v48 =	vmul.f32 v10, v29;
	v59 =	vmax.bf16 v58, v0;
	v63 =	vld [tilespmem:$0x1FEC0]  }
0x25f: {  	v62 =	vld [tilespmem:$0x1FED0];
	v2 =	vadd.f32 v3, v2;
	v3 =	vmul.f32 v49, v57;
	v1 =	vadd.f32 v9, v1  }
0x260: {  	v7 =	vmul.f32 v55, v34;
	v6 =	vmul.f32 v11, v53;
	v4 =	vunpack.i.u.bf16.f32 v59  }
0x261: {  	v61 =	vld [tilespmem:$0x1FEE0];
	v49 =	vunpack.i.u.bf16.f32 v51;
	v2 =	vadd.f32 v3, v2;
	v1 =	vadd.f32 v48, v1  }
0x262: {  	v5 =	vmul.f32 v49, v28;
	v3 =	vunpack.i.l.bf16.f32 v51;
	v9 =	vunpack.i.l.bf16.f32 v59  }
0x263: {  	v59 =	vld [tilespmem:$0x1FEF0];
	v2 =	vadd.f32 v6, v2;
	v3 =	vmul.f32 v3, v63;
	v1 =	vadd.f32 v7, v1  }
0x264: {  	v6 =	vmul.f32 v9, v62  }
0x265: {  	v2 =	vadd.f32 v3, v2;
	v3 =	vmul.f32 v4, v27;
	v1 =	vadd.f32 v5, v1  }
0x266: {  	v10 =	vmul.f32 v52, v61  }
0x267: {  	v58 =	vld [tilespmem:$0x1FF10];
	v2 =	vadd.f32 v6, v2;
	v1 =	vadd.f32 v3, v1;
	v3 =	vmul.f32 v46, v26  }
0x268: {  	v11 =	vmul.f32 v44, v59  }
0x269: {  	v44 =	vmul.f32 v47, v25;
	v2 =	vadd.f32 v10, v2;
	v1 =	vadd.f32 v3, v1  }
0x26a: {  	v55 =	vld [tilespmem:$0x1FF20];
	v46 =	vmul.f32 v37, v24  }
0x26b: {  	v3 =	vmul.f32 v42, v31;
	v2 =	vadd.f32 v11, v2;
	v1 =	vadd.f32 v44, v1  }
0x26c: {  	v49 =	vmul.f32 v54, v22;
	v47 =	vmul.f32 v41, v58  }
0x26d: {  	v54 =	vld [tilespmem:$0x1FF80];
	v2 =	vadd.f32 v3, v2;
	v3 =	vmul.f32 v39, v23;
	v1 =	vadd.f32 v46, v1  }
0x26e: {  	v52 =	vmul.f32 v36, v21;
	v36 =	vld [tilespmem:$0x1FF40]  }
0x26f: {  	v48 =	vmul.f32 v43, v55;
	v2 =	vadd.f32 v47, v2;
	v1 =	vadd.f32 v3, v1;
	_ =	sdelay $0x1  }
0x270: {  	v51 =	vmul.f32 v35, v30;
	v2 =	vadd.f32 v48, v2;
	v1 =	vadd.f32 v49, v1  }
0x271: {  	v4 =	vmul.f32 v38, v54;
	v3 =	vunpack.i.l.bf16.f32 v45  }
0x272: {  	v3 =	vmul.f32 v3, v36;
	v2 =	vadd.f32 v51, v2;
	v1 =	vadd.f32 v52, v1;
	_ =	sdelay $0x1  }
0x273: {  	v2 =	vadd.f32 v3, v2;
	v1 =	vadd.f32 v4, v1;
	_ =	sdelay $0x1  }
0x274: {  	v1 =	vadd.f32 v2, v1;
	_ =	sdelay $0x1  }
0x275: {  	(xrf2) =	vadd.scan.msk.f32 $0xffff, v1;
	_ =	sdelay $0x8  }
0x276: {  	v1, _, _ =	vpop (xrf2)  }
0x277: {  	v2 =	vmov s30;
	v1 =	vbroadcast v1, $0xF;
	v3, _, _ =	vpop (xrf2)  }
0x278: {  	vm0 =	veq.s32 v2, v13;
	v2 =	vmov s29;
	v3 =	vbroadcast v3, $0xF  }
0x279: {  	vm15 =	veq.s32 v2, v13;
	v1 =	vsel vm0, v1, v40  }
0x27a: {  	v1 =	vsel vm15, v3, v1  }
0x27b: {  	s0 =	simm.s32 $0x9870;
	[tilespmem:s28+$0xA9B0] =	vst v1  }
0x27c: {  	v1 =	vld [tilespmem:s0+$0xFFFFFF30]  }
0x27d: {  	v2 =	vld [tilespmem:s0+$0x0]  }
0x27e: {  	s1 =	simm.s32 $0x5870;
	v3 =	vld [tilespmem:s0+$0xFFFFFFF0]  }
0x27f: {  	v4 =	vld [tilespmem:s1+$0x0]  }
0x280: {  	v5 =	vld [tilespmem:s1+$0xFFFFFFF0]  }
0x281: {  	v6 =	vld [tilespmem:s1+$0xFFFFFFE0]  }
0x282: {  	v60 =	vld [tilespmem:s0+$0xFFFFFFC0]  }
0x283: {  	v8 =	vld [tilespmem:s0+$0xFFFFFFE0]  }
0x284: {  	v9 =	vld [tilespmem:s0+$0xFFFFFFA0]  }
0x285: {  	v10 =	vld [tilespmem:s0+$0xFFFFFFD0]  }
0x286: {  	v11 =	vld [tilespmem:s1+$0xFFFFFFD0]  }
0x287: {  	v52 =	vmov v19;
	v19 =	vmov v12;
	v12 =	vld [tilespmem:s1+$0xFFFFFFB0]  }
0x288: {  	v48 =	vld [tilespmem:s1+$0xFFFFFFC0]  }
0x289: {  	v49 =	vld [tilespmem:s0+$0xFFFFFFB0]  }
0x28a: {  	v41 =	vld [tilespmem:s1+$0xFFFFFFA0]  }
0x28b: {  	v42 =	vld [tilespmem:s0+$0xFFFFFF50]  }
0x28c: {  	v43 =	vld [tilespmem:s0+$0xFFFFFF80]  }
0x28d: {  	v45 =	vld [tilespmem:s1+$0xFFFFFF80]  }
0x28e: {  	v54 =	vld [tilespmem:s1+$0xFFFFFF50]  }
0x28f: {  	v38 =	vld [tilespmem:s1+$0xFFFFFF70];
	v3 =	vadd.bf16 v3, v5  }
0x290: {  	v44 =	vld [tilespmem:s1+$0xFFFFFF10];
	v2 =	vadd.bf16 v2, v4;
	v51 =	vadd.bf16 v10, v11  }
0x291: {  	v5 =	vld [tilespmem:s0+$0xFFFFFF70];
	v7 =	vadd.bf16 v60, v48;
	v6 =	vadd.bf16 v8, v6  }
0x292: {  	v10 =	vld [tilespmem:s0+$0xFFFFFF10];
	v8 =	vadd.bf16 v49, v12;
	v45 =	vadd.bf16 v43, v45  }
0x293: {  	v11 =	vld [tilespmem:s0+$0xFFFFFF40];
	v9 =	vadd.bf16 v9, v41;
	v35 =	vadd.bf16 v42, v54;
	v3 =	vmax.bf16 v3, v0  }
0x294: {  	v60 =	vld [tilespmem:s1+$0xFFFFFF30];
	v4 =	vmax.bf16 v51, v0;
	v7 =	vmax.bf16 v7, v0;
	v6 =	vmax.bf16 v6, v0  }
0x295: {  	v48 =	vld [tilespmem:s1+$0xFFFFFF40];
	v2 =	vmax.bf16 v2, v0;
	v8 =	vmax.bf16 v8, v0;
	v35 =	vmax.bf16 v35, v0  }
0x296: {  	v41 =	vld [tilespmem:s0+$0xFFFFFF60];
	v9 =	vmax.bf16 v9, v0;
	v40 =	vunpack.i.l.bf16.f32 v3;
	v3 =	vunpack.i.u.bf16.f32 v3  }
0x297: {  	v42 =	vld [tilespmem:s1+$0xFFFFFF60];
	v46 =	vunpack.i.l.bf16.f32 v7;
	v37 =	vunpack.i.u.bf16.f32 v7;
	v7 =	vunpack.i.l.bf16.f32 v6  }
0x298: {  	v12 =	vunpack.i.l.bf16.f32 v4;
	v6 =	vunpack.i.u.bf16.f32 v6;
	v7 =	vmul.f32 v7, v55  }
0x299: {  	v6 =	vmul.f32 v6, v22;
	v12 =	vmul.f32 v12, v58;
	v5 =	vadd.bf16 v5, v38  }
0x29a: {  	v39 =	vld [tilespmem:s0+$0xFFFFFF20];
	v10 =	vadd.bf16 v10, v44;
	v38 =	vunpack.i.u.bf16.f32 v4;
	v44 =	vunpack.i.u.bf16.f32 v2  }
0x29b: {  	[tilespmem:$0x1FE90] =	vst v3;
	v3 =	vld [tilespmem:s1+$0xFFFFFF20];
	v1 =	vadd.bf16 v1, v60;
	v4 =	vmax.bf16 v45, v0;
	v11 =	vadd.bf16 v11, v48  }
0x29c: {  	v45 =	vunpack.i.l.bf16.f32 v8;
	v41 =	vadd.bf16 v41, v42;
	v8 =	vunpack.i.u.bf16.f32 v8  }
0x29d: {  	v42 =	vunpack.i.u.bf16.f32 v9;
	v9 =	vunpack.i.l.bf16.f32 v9;
	v2 =	vunpack.i.l.bf16.f32 v2  }
0x29e: {  	v9 =	vmul.f32 v9, v61;
	v45 =	vmul.f32 v45, v59;
	v10 =	vmax.bf16 v10, v0  }
0x29f: {  	v1 =	vmax.bf16 v1, v0;
	v11 =	vmax.bf16 v11, v0;
	v49 =	vunpack.i.l.bf16.f32 v10  }
0x2a0: {  	v54 =	vunpack.i.l.bf16.f32 v1;
	v10 =	vunpack.i.u.bf16.f32 v10;
	v3 =	vadd.bf16 v39, v3  }
0x2a1: {  	v60 =	vunpack.i.l.bf16.f32 v11;
	v39 =	vmul.f32 v49, v14;
	v47 =	vmul.f32 v54, v16;
	v49 =	vld [tilespmem:s0+$0xFFFFFF90];
	s0 =	simm.s32 $0x9970  }
0x2a2: {  	s3 =	simm.s32 $0x5970;
	v54 =	vmul.f32 v60, v56;
	v56 =	vunpack.i.l.bf16.f32 v35;
	v48 =	vld [tilespmem:s0+$0xFFFFFFF0];
	v3 =	vmax.bf16 v3, v0  }
0x2a3: {  	v10 =	vmul.f32 v10, v17;
	v60 =	vmul.f32 v56, v50;
	v50 =	vld [tilespmem:s3+$0xFFFFFFF0];
	v51 =	vunpack.i.l.bf16.f32 v3  }
0x2a4: {  	v39 =	vadd.f32 $0.0e+00, v39;
	v3 =	vunpack.i.u.bf16.f32 v3;
	v43 =	vmul.f32 v51, v15  }
0x2a5: {  	v5 =	vmax.bf16 v5, v0;
	v10 =	vadd.f32 $0.0e+00, v10;
	v3 =	vmul.f32 v3, v20  }
0x2a6: {  	v58 =	vld [tilespmem:s3+$0xFFFFFF80];
	v41 =	vmax.bf16 v41, v0;
	v1 =	vunpack.i.u.bf16.f32 v1;
	v39 =	vadd.f32 v43, v39  }
0x2a7: {  	v11 =	vunpack.i.u.bf16.f32 v11;
	v1 =	vmul.f32 v1, v19;
	v43 =	vld [tilespmem:s1+$0xFFFFFF90];
	v3 =	vadd.f32 v3, v10  }
0x2a8: {  	v59 =	vld [tilespmem:s3+$0xFFFFFF50];
	v35 =	vunpack.i.u.bf16.f32 v35;
	v48 =	vadd.bf16 v48, v50;
	v39 =	vadd.f32 v47, v39  }
0x2a9: {  	v11 =	vmul.f32 v11, v52;
	v35 =	vmul.f32 v35, v32;
	v20 =	vmovc v52;
	v52 =	vld [tilespmem:s0+$0xFFFFFFA0];
	v1 =	vadd.f32 v1, v3  }
0x2aa: {  	v50 =	vld [tilespmem:s3+$0xFFFFFF70];
	v61 =	vmax.bf16 v48, v0;
	v39 =	vadd.f32 v54, v39;
	v54 =	vunpack.i.l.bf16.f32 v41  }
0x2ab: {  	v48 =	vld [tilespmem:s0+$0xFFFFFF50];
	v1 =	vadd.f32 v11, v1;
	v41 =	vunpack.i.u.bf16.f32 v41;
	v56 =	vmul.f32 v54, v57  }
0x2ac: {  	v43 =	vadd.bf16 v49, v43;
	v57 =	vunpack.i.l.bf16.f32 v4;
	v49 =	vld [tilespmem:s0+$0x0];
	v39 =	vadd.f32 v60, v39  }
0x2ad: {  	v41 =	vmul.f32 v41, v29;
	v60 =	vunpack.i.l.bf16.f32 v5;
	v47 =	vmul.f32 v57, v63;
	v57 =	vld [tilespmem:s3+$0xFFFFFFD0]  }
0x2ae: {  	v1 =	vadd.f32 v35, v1;
	v51 =	vmul.f32 v60, v53;
	v39 =	vadd.f32 v56, v39;
	v56 =	vld [tilespmem:s0+$0xFFFFFFD0]  }
0x2af: {  	v2 =	vmul.f32 v2, v36;
	v54 =	vld [tilespmem:s3+$0x0];
	v5 =	vunpack.i.u.bf16.f32 v5;
	v43 =	vmax.bf16 v43, v0  }
0x2b0: {  	v63 =	vld [tilespmem:s3+$0xFFFFFFC0];
	v5 =	vmul.f32 v5, v34;
	v1 =	vadd.f32 v41, v1;
	v39 =	vadd.f32 v51, v39  }
0x2b1: {  	v42 =	vmul.f32 v42, v26;
	v8 =	vmul.f32 v8, v25;
	v60 =	vld [tilespmem:s0+$0xFFFFFFC0];
	v3 =	vunpack.i.l.bf16.f32 v43  }
0x2b2: {  	v3 =	vmul.f32 v3, v62;
	v1 =	vadd.f32 v5, v1;
	v5 =	vld [tilespmem:s3+$0xFFFFFFA0];
	v39 =	vadd.f32 v47, v39  }
0x2b3: {  	v38 =	vmul.f32 v38, v23;
	v4 =	vunpack.i.u.bf16.f32 v4;
	v10 =	vadd.bf16 v56, v57;
	v56 =	vld [tilespmem:s3+$0xFFFFFFB0]  }
0x2b4: {  	v36 =	vunpack.i.u.bf16.f32 v61;
	v4 =	vmul.f32 v4, v28;
	v57 =	vld [tilespmem:s0+$0xFFFFFFB0];
	v3 =	vadd.f32 v3, v39  }
0x2b5: {  	v35 =	vunpack.i.l.bf16.f32 v61;
	v48 =	vadd.bf16 v48, v59;
	v49 =	vadd.bf16 v49, v54;
	v51 =	vld [tilespmem:s0+$0xFFFFFFE0]  }
0x2b6: {  	v62 =	vunpack.i.u.bf16.f32 v43;
	v47 =	vadd.bf16 v60, v63;
	v39 =	vld [tilespmem:s3+$0xFFFFFFE0];
	v3 =	vadd.f32 v9, v3  }
0x2b7: {  	v60 =	vmul.f32 v46, v31;
	v63 =	vld [tilespmem:s0+$0xFFFFFF70];
	v10 =	vmax.bf16 v10, v0;
	v5 =	vadd.bf16 v52, v5  }
0x2b8: {  	v11 =	vld [tilespmem:s0+$0xFFFFFF30];
	v1 =	vadd.f32 v4, v1;
	v41 =	vunpack.i.l.bf16.f32 v10;
	v3 =	vadd.f32 v45, v3  }
0x2b9: {  	v61 =	vld [tilespmem:s3+$0xFFFFFF10];
	v5 =	vmax.bf16 v5, v0;
	v9 =	vadd.bf16 v57, v56;
	v56 =	vmul.f32 v62, v27  }
0x2ba: {  	v59 =	vld [tilespmem:$0x1FE90];
	v57 =	vmul.f32 v40, v30;
	v45 =	vmax.bf16 v49, v0;
	v3 =	vadd.f32 v60, v3  }
0x2bb: {  	v62 =	vld [tilespmem:s0+$0xFFFFFF10];
	v39 =	vadd.bf16 v51, v39;
	v1 =	vadd.f32 v56, v1;
	v60 =	vmax.bf16 v47, v0  }
0x2bc: {  	v47 =	vadd.bf16 v63, v50;
	v63 =	vmul.f32 v37, v24;
	v3 =	vadd.f32 v12, v3;
	v12 =	vld [tilespmem:s0+$0xFFFFFF80]  }
0x2bd: {  	v37 =	vunpack.i.u.bf16.f32 v60;
	v1 =	vadd.f32 v42, v1;
	v42 =	vunpack.i.l.bf16.f32 v60;
	v60 =	vld [tilespmem:$0x1FF80]  }
0x2be: {  	v46 =	vld [tilespmem:s0+$0xFFFFFF20];
	v9 =	vmax.bf16 v9, v0;
	v54 =	vmax.bf16 v39, v0;
	v3 =	vadd.f32 v7, v3  }
0x2bf: {  	v39 =	vunpack.i.u.bf16.f32 v10;
	v43 =	vunpack.i.l.bf16.f32 v54;
	v7 =	vld [tilespmem:s0+$0xFFFFFF40];
	v1 =	vadd.f32 v8, v1  }
0x2c0: {  	v53 =	vmax.bf16 v47, v0;
	v8 =	vadd.bf16 v62, v61;
	v3 =	vadd.f32 v57, v3;
	v57 =	vld [tilespmem:s3+$0xFFFFFF40]  }
0x2c1: {  	v54 =	vunpack.i.u.bf16.f32 v54;
	v1 =	vadd.f32 v63, v1;
	v4 =	vadd.bf16 v12, v58;
	v12 =	vld [tilespmem:s3+$0xFFFFFF30]  }
0x2c2: {  	v55 =	vunpack.i.u.bf16.f32 v53;
	v61 =	vmax.bf16 v8, v0;
	v58 =	vld [tilespmem:s3+$0xFFFFFF20];
	v10 =	vmul.f32 v44, v60  }
0x2c3: {  	v44 =	vunpack.i.l.bf16.f32 v9;
	v63 =	vunpack.i.u.bf16.f32 v61;
	v1 =	vadd.f32 v38, v1  }
0x2c4: {  	v38 =	vunpack.i.u.bf16.f32 v45;
	v56 =	vmul.f32 v63, v17;
	v2 =	vadd.f32 v2, v3  }
0x2c5: {  	v52 =	vld [tilespmem:s3+$0xFFFFFF60];
	v51 =	vmax.bf16 v4, v0;
	v4 =	vmul.f32 v59, v21;
	v1 =	vadd.f32 v6, v1  }
0x2c6: {  	v6 =	vunpack.i.l.bf16.f32 v61;
	v7 =	vadd.bf16 v7, v57;
	v11 =	vadd.bf16 v11, v12;
	v12 =	vld [tilespmem:s0+$0xFFFFFF60]  }
0x2c7: {  	v47 =	vmul.f32 v6, v14;
	v57 =	vmax.bf16 v48, v0;
	v62 =	vadd.bf16 v46, v58  }
0x2c8: {  	v49 =	vld [tilespmem:s0+$0xFFFFFF90];
	v1 =	vadd.f32 v4, v1;
	v46 =	vunpack.i.u.bf16.f32 v5;
	v50 =	vmax.bf16 v7, v0  }
0x2c9: {  	v6 =	vld [tilespmem:s3+$0xFFFFFF90];
	v4 =	vadd.f32 $0.0e+00, v47;
	v47 =	vunpack.i.u.bf16.f32 v9;
	v48 =	vmax.bf16 v62, v0  }
0x2ca: {  	v1 =	vadd.f32 v10, v1;
	v60 =	vunpack.i.l.bf16.f32 v50;
	v62 =	vmax.bf16 v11, v0  }
0x2cb: {  	v59 =	vunpack.i.u.bf16.f32 v48;
	v3 =	vunpack.i.l.bf16.f32 v48;
	v58 =	vadd.bf16 v12, v52  }
0x2cc: {  	v63 =	vunpack.i.l.bf16.f32 v62;
	v1 =	vadd.f32 v2, v1;
	v2 =	vmul.f32 v3, v15  }
0x2cd: {  	s31 =	simm.s32 $0x2;
	s30 =	simm.s32 $0x0;
	v63 =	vmul.f32 v63, v16;
	v52 =	vunpack.i.l.bf16.f32 v5;
	v61 =	vmax.bf16 v58, v0  }
0x2ce: {  	s29 =	simm.s32 $0x1;
	s1 =	simm.s32 $0x5A70;
	v40 =	vld [tilespmem:$0x1FF60];
	s0 =	simm.s32 $0x9A70;
	(xrf2) =	vadd.scan.msk.f32 $0xffff, v1;
	v2 =	vadd.f32 v2, v4;
	v58 =	vadd.bf16 v49, v6;
	v49 =	vunpack.i.l.bf16.f32 v61  }
.LBB2_9:
0x2cf: {  	v48 =	vld [tilespmem:s0+$0xFFFFFF30]  }
0x2d0: {  	v5 =	vld [tilespmem:s0+$0x0]  }
0x2d1: {  	v6 =	vld [tilespmem:$0x1FF70]  }
0x2d2: {  	v8 =	vld [tilespmem:s0+$0xFFFFFFF0]  }
0x2d3: {  	v12 =	vld [tilespmem:s1+$0x0]  }
0x2d4: {  	v11 =	vunpack.i.l.bf16.f32 v53;
	v53 =	vld [tilespmem:$0x1FFB0]  }
0x2d5: {  	v9 =	vunpack.i.u.bf16.f32 v57;
	v10 =	vunpack.i.l.bf16.f32 v57;
	v57 =	vld [tilespmem:$0x1FF90]  }
0x2d6: {  	v1 =	vunpack.i.u.bf16.f32 v62;
	v62 =	vld [tilespmem:$0x1FF20]  }
0x2d7: {  	v3 =	vunpack.i.u.bf16.f32 v51;
	v4 =	vunpack.i.l.bf16.f32 v51;
	v51 =	vld [tilespmem:s1+$0xFFFFFFE0]  }
0x2d8: {  	v7 =	vunpack.i.u.bf16.f32 v61;
	v61 =	vld [tilespmem:$0x1FFA0]  }
0x2d9: {  	v2 =	vadd.f32 v63, v2;
	v63 =	vld [tilespmem:$0x1FF40]  }
0x2da: {  	v6 =	vmul.f32 v60, v6;
	v60 =	vld [tilespmem:$0x1FFC0]  }
0x2db: {  	v43 =	vmul.f32 v43, v62;
	v62 =	vld [tilespmem:$0x1FEC0]  }
0x2dc: {  	v5 =	vadd.bf16 v5, v12;
	v12 =	vld [tilespmem:$0x1FEF0];
	v2 =	vadd.f32 v6, v2;
	v6 =	vmul.f32 v10, v53  }
0x2dd: {  	v45 =	vunpack.i.l.bf16.f32 v45;
	v10 =	vmul.f32 v11, v57;
	v11 =	vld [tilespmem:s1+$0xFFFFFFF0]  }
0x2de: {  	v50 =	vunpack.i.u.bf16.f32 v50;
	v57 =	vld [tilespmem:s0+$0xFFFFFFC0];
	v2 =	vadd.f32 v6, v2;
	v6 =	vmul.f32 v49, v61  }
0x2df: {  	v49 =	vmul.f32 v45, v63;
	v63 =	vmul.f32 v50, v20;
	v50 =	vld [tilespmem:s0+$0xFFFFFFB0]  }
0x2e0: {  	v53 =	vmul.f32 v59, v60;
	v59 =	vld [tilespmem:s0+$0xFFFFFFE0]  }
0x2e1: {  	v45 =	vmov s30;
	v60 =	vld [tilespmem:s0+$0xFFFFFFD0]  }
0x2e2: {  	v54 =	vmul.f32 v54, v22;
	vm0 =	veq.s32 v45, v13;
	v13 =	vld [tilespmem:$0x1FF10]  }
0x2e3: {  	v42 =	vmul.f32 v42, v31;
	v56 =	vadd.f32 $0.0e+00, v56;
	v4 =	vmul.f32 v4, v62;
	v62 =	vld [tilespmem:$0x1FEE0]  }
0x2e4: {  	v47 =	vmul.f32 v47, v25;
	v2 =	vadd.f32 v6, v2;
	v6 =	vmax.bf16 v58, v0;
	v58 =	vld [tilespmem:s0+$0xFFFFFFA0]  }
0x2e5: {  	v1 =	vmul.f32 v1, v19;
	v45, _, _ =	vpop (xrf2);
	v53 =	vadd.f32 v53, v56;
	v8 =	vadd.bf16 v8, v11;
	v11 =	vld [tilespmem:s1+$0xFFFFFF70]  }
0x2e6: {  	v9 =	vmul.f32 v9, v32;
	v2 =	vadd.f32 v10, v2;
	v10 =	vbroadcast v45, $0xF;
	v45 =	vld [tilespmem:s1+$0xFFFFFFD0]  }
0x2e7: {  	v7 =	vmul.f32 v7, v29;
	v3 =	vmul.f32 v3, v28;
	v1 =	vadd.f32 v1, v53;
	v53 =	vld [tilespmem:s0+$0xFFFFFF50]  }
0x2e8: {  	v12 =	vmul.f32 v44, v12;
	v61 =	vmul.f32 v41, v13;
	v13 =	vld [tilespmem:$0x1FED0]  }
0x2e9: {  	v56 =	vunpack.i.l.bf16.f32 v6;
	v6 =	vunpack.i.u.bf16.f32 v6;
	v40 =	vsel vm0, v10, v40;
	v10 =	vld [tilespmem:s1+$0xFFFFFFC0]  }
0x2ea: {  	v8 =	vmax.bf16 v8, v0;
	v41 =	vld [tilespmem:s1+$0xFFFFFFB0];
	v2 =	vadd.f32 v4, v2;
	v1 =	vadd.f32 v63, v1  }
0x2eb: {  	v4 =	vmul.f32 v52, v62;
	v52 =	vld [tilespmem:s1+$0xFFFFFF90];
	v62 =	vmul.f32 v35, v30;
	v51 =	vadd.bf16 v59, v51  }
0x2ec: {  	v35 =	vunpack.i.l.bf16.f32 v8;
	v59 =	vld [tilespmem:s0+$0xFFFFFF10];
	v63 =	vadd.bf16 v60, v45;
	v1 =	vadd.f32 v9, v1  }
0x2ed: {  	v8 =	vunpack.i.u.bf16.f32 v8;
	v9 =	vld [tilespmem:s1+$0xFFFFFFA0];
	v60 =	vmul.f32 v55, v34;
	v56 =	vmul.f32 v56, v13  }
0x2ee: {  	v10 =	vadd.bf16 v57, v10;
	v1 =	vadd.f32 v7, v1;
	v44 =	vmax.bf16 v63, v0;
	v63 =	vld [tilespmem:s0+$0xFFFFFF70]  }
0x2ef: {  	v45 =	vmax.bf16 v5, v0;
	v50 =	vadd.bf16 v50, v41;
	v57 =	vld [tilespmem:s1+$0xFFFFFF50];
	v2 =	vadd.f32 v56, v2  }
0x2f0: {  	v55 =	vld [tilespmem:s1+$0xFFFFFF80];
	v13 =	vmax.bf16 v51, v0;
	v7 =	vmul.f32 v36, v21;
	v1 =	vadd.f32 v60, v1  }
0x2f1: {  	v41 =	vunpack.i.l.bf16.f32 v44;
	v51 =	vunpack.i.u.bf16.f32 v44;
	v56 =	vld [tilespmem:s0+$0xFFFFFF20];
	v2 =	vadd.f32 v4, v2  }
0x2f2: {  	v10 =	vmax.bf16 v10, v0;
	v4 =	vld [tilespmem:s0+$0xFFFFFF90];
	v1 =	vadd.f32 v3, v1;
	v3 =	vmul.f32 v6, v27  }
0x2f3: {  	v60 =	vunpack.i.u.bf16.f32 v45;
	v11 =	vadd.bf16 v63, v11;
	v63 =	vld [tilespmem:s1+$0xFFFFFF20];
	v2 =	vadd.f32 v12, v2  }
0x2f4: {  	v57 =	vadd.bf16 v53, v57;
	v12 =	vld [tilespmem:s0+$0xFFFFFF80];
	v1 =	vadd.f32 v3, v1;
	v3 =	vmul.f32 v46, v26  }
0x2f5: {  	v9 =	vadd.bf16 v58, v9;
	v46 =	vld [tilespmem:s1+$0xFFFFFF10];
	v53 =	vmax.bf16 v11, v0;
	v2 =	vadd.f32 v42, v2  }
0x2f6: {  	v5 =	vld [tilespmem:s1+$0xFFFFFF30];
	v57 =	vmax.bf16 v57, v0;
	v42 =	vunpack.i.l.bf16.f32 v10;
	v1 =	vadd.f32 v3, v1  }
0x2f7: {  	v6 =	vld [tilespmem:s0+$0xFFFFFF40];
	v10 =	vunpack.i.u.bf16.f32 v10;
	v58 =	vadd.bf16 v4, v52;
	v2 =	vadd.f32 v61, v2  }
0x2f8: {  	v3 =	vmul.f32 v37, v24;
	v37 =	vmovc v10;
	v10 =	vld [tilespmem:s1+$0xFFFFFF40];
	v1 =	vadd.f32 v47, v1;
	v63 =	vadd.bf16 v56, v63  }
0x2f9: {  	v12 =	vadd.bf16 v12, v55;
	v55 =	vmax.bf16 v50, v0;
	v2 =	vadd.f32 v43, v2  }
0x2fa: {  	v59 =	vadd.bf16 v59, v46;
	v1 =	vadd.f32 v3, v1;
	v3 =	vmul.f32 v39, v23  }
0x2fb: {  	v43 =	vunpack.i.l.bf16.f32 v13;
	v44 =	vunpack.i.l.bf16.f32 v55;
	v2 =	vadd.f32 v62, v2  }
0x2fc: {  	v39 =	vmovc v51;
	v51 =	vmax.bf16 v12, v0;
	v12 =	vld [tilespmem:$0x1FF80];
	v1 =	vadd.f32 v3, v1;
	v3 =	vadd.bf16 v48, v5  }
0x2fd: {  	v61 =	vadd.bf16 v6, v10;
	v62 =	vmax.bf16 v59, v0;
	v48 =	vmax.bf16 v63, v0  }
0x2fe: {  	v47 =	vld [tilespmem:s1+$0xFFFFFF60];
	v46 =	vunpack.i.u.bf16.f32 v62;
	v6 =	vunpack.i.l.bf16.f32 v62;
	v59 =	vunpack.i.u.bf16.f32 v48  }
0x2ff: {  	v10 =	vld [tilespmem:s0+$0xFFFFFF60];
	v1 =	vadd.f32 v54, v1;
	v50 =	vmax.bf16 v61, v0;
	v6 =	vmul.f32 v6, v14  }
0x300: {  	v56 =	vmul.f32 v46, v17;
	v62 =	vmax.bf16 v3, v0;
	v2 =	vadd.f32 v49, v2  }
0x301: {  	v49 =	vmax.bf16 v9, v0;
	v12 =	vmul.f32 v38, v12;
	v1 =	vadd.f32 v7, v1  }
0x302: {  	p1 =	sne.s32 s31, $0xF;
	v54 =	vunpack.i.u.bf16.f32 v13;
	v13 =	vlaneseq.u32;
	v3 =	vunpack.i.l.bf16.f32 v62  }
.Ltmp5:
0x303: {  	v46 =	vunpack.i.u.bf16.f32 v49;
	v52 =	vunpack.i.l.bf16.f32 v49;
	v1 =	vadd.f32 v12, v1;
	(pc) =	sbr.rel @p1 .LBB2_9-.Ltmp5, $4  }
0x304: {  	v38 =	vmovc v60;
	v60 =	vunpack.i.l.bf16.f32 v50;
	v7 =	vunpack.i.l.bf16.f32 v48;
	v5 =	vadd.bf16 v10, v47  }
0x305: {  	v6 =	vadd.f32 $0.0e+00, v6;
	v1 =	vadd.f32 v2, v1;
	v2 =	vmul.f32 v7, v15  }
0x306: {  	s3 =	smov.u32 s31;
	s31 =	sadd.s32 $0x1, s31;
	s30 =	smov.u32 s29;
	v63 =	vmul.f32 v3, v16;
	v47 =	vunpack.i.u.bf16.f32 v55;
	v61 =	vmax.bf16 v5, v0  }
0x307: {  	s29 =	smov.u32 s3;
	v36 =	vmovc v8;
	s1 =	sadd.s32 $0x100, s1;
	s0 =	sadd.s32 $0x100, s0;
	v55 =	vunpack.i.u.bf16.f32 v53;
	v49 =	vunpack.i.l.bf16.f32 v61;
	(xrf2) =	vadd.scan.msk.f32 $0xffff, v1;
	v2 =	vadd.f32 v2, v6  }
0x308: {  	v1 =	vld [tilespmem:$0x1FFC0];
	_ =	sdelay $0x1  }
0x309: {  	v11 =	vld [tilespmem:$0x1FF70];
	_ =	sdelay $0x2  }
0x30a: {  	v3 =	vadd.f32 $0.0e+00, v56;
	v12 =	vmov v1;
	v1 =	vmul.f32 v59, v1;
	_ =	sdelay $0x1  }
0x30b: {  	v2 =	vadd.f32 v63, v2;
	v1 =	vadd.f32 v1, v3;
	v3 =	vmul.f32 v60, v11;
	_ =	sdelay $0x1  }
0x30c: {  	v2 =	vadd.f32 v3, v2;
	v3 =	vld [tilespmem:$0x1FFB0];
	_ =	sdelay $0x3  }
0x30d: {  	v4 =	vunpack.i.u.bf16.f32 v62;
	v6 =	vunpack.i.l.bf16.f32 v57  }
0x30e: {  	v4 =	vmul.f32 v4, v19;
	v3 =	vmul.f32 v6, v3  }
0x30f: {  	v5 =	vunpack.i.u.bf16.f32 v50  }
0x310: {  	v50 =	vmul.f32 v5, v20;
	v1 =	vadd.f32 v4, v1;
	v2 =	vadd.f32 v3, v2;
	v3 =	vld [tilespmem:$0x1FFA0]  }
0x311: {  	v56 =	vunpack.i.u.bf16.f32 v57  }
0x312: {  	v7 =	vld [tilespmem:$0x1FF90];
	v57 =	vmul.f32 v56, v32;
	v1 =	vadd.f32 v50, v1  }
0x313: {  	v59 =	vunpack.i.u.bf16.f32 v61  }
0x314: {  	v48 =	vld [tilespmem:$0x1FEC0];
	v61 =	vmul.f32 v59, v29;
	v1 =	vadd.f32 v57, v1  }
0x315: {  	v50 =	vmov v32;
	v32 =	vmov v3;
	v3 =	vmul.f32 v49, v3  }
0x316: {  	v63 =	vmul.f32 v55, v34;
	v19 =	vld [tilespmem:$0x1FED0];
	v60 =	vunpack.i.l.bf16.f32 v53;
	v1 =	vadd.f32 v61, v1  }
0x317: {  	v62 =	vunpack.i.u.bf16.f32 v51;
	v53 =	vld [tilespmem:$0x1FEE0];
	v6 =	vmul.f32 v60, v7;
	v2 =	vadd.f32 v3, v2  }
0x318: {  	v5 =	vmul.f32 v62, v28;
	v1 =	vadd.f32 v63, v1;
	v3 =	vunpack.i.l.bf16.f32 v51  }
0x319: {  	v49 =	vmax.bf16 v58, v0;
	v3 =	vmul.f32 v3, v48;
	v2 =	vadd.f32 v6, v2  }
0x31a: {  	v55 =	vld [tilespmem:$0x1FEF0];
	v1 =	vadd.f32 v5, v1;
	v4 =	vunpack.i.u.bf16.f32 v49;
	v51 =	vunpack.i.l.bf16.f32 v49  }
0x31b: {  	v6 =	vmul.f32 v51, v19;
	v2 =	vadd.f32 v3, v2;
	v3 =	vmul.f32 v4, v27  }
0x31c: {  	v4 =	vmul.f32 v52, v53  }
0x31d: {  	v58 =	vld [tilespmem:$0x1FF10];
	v2 =	vadd.f32 v6, v2;
	v1 =	vadd.f32 v3, v1;
	v3 =	vmul.f32 v46, v26  }
0x31e: {  	v56 =	vmul.f32 v47, v25  }
0x31f: {  	v5 =	vmul.f32 v44, v55;
	v2 =	vadd.f32 v4, v2;
	v1 =	vadd.f32 v3, v1  }
0x320: {  	v59 =	vld [tilespmem:$0x1FF20];
	v57 =	vmul.f32 v37, v24  }
0x321: {  	v3 =	vmul.f32 v42, v31;
	v2 =	vadd.f32 v5, v2;
	v1 =	vadd.f32 v56, v1  }
0x322: {  	v4 =	vmul.f32 v41, v58  }
0x323: {  	v63 =	vld [tilespmem:$0x1FF80];
	v2 =	vadd.f32 v3, v2;
	v1 =	vadd.f32 v57, v1;
	v3 =	vmul.f32 v39, v23  }
0x324: {  	v17 =	vld [tilespmem:$0x1FF40];
	v60 =	vmul.f32 v54, v22  }
0x325: {  	v5 =	vmul.f32 v43, v59;
	v2 =	vadd.f32 v4, v2;
	v1 =	vadd.f32 v3, v1  }
0x326: {  	v62 =	vmul.f32 v36, v21  }
0x327: {  	v61 =	vmul.f32 v35, v30;
	v2 =	vadd.f32 v5, v2;
	v1 =	vadd.f32 v60, v1  }
0x328: {  	v3 =	vunpack.i.l.bf16.f32 v45;
	v4 =	vmul.f32 v38, v63  }
0x329: {  	v3 =	vmul.f32 v3, v17;
	v2 =	vadd.f32 v61, v2;
	v1 =	vadd.f32 v62, v1;
	_ =	sdelay $0x1  }
0x32a: {  	v1 =	vadd.f32 v4, v1;
	v2 =	vadd.f32 v3, v2;
	_ =	sdelay $0x1  }
0x32b: {  	v1 =	vadd.f32 v2, v1;
	_ =	sdelay $0x1  }
0x32c: {  	(xrf2) =	vadd.scan.msk.f32 $0xffff, v1;
	_ =	sdelay $0x8  }
0x32d: {  	v1, _, _ =	vpop (xrf2)  }
.Ltmp6:
0x32e: {  	v2 =	vmov s30;
	v1 =	vbroadcast v1, $0xF;
	v3, _, _ =	vpop (xrf2);
	(pc) =	sbr.rel @p0 .LBB2_12-.Ltmp6, $4  }
0x32f: {  	vm0 =	veq.s32 v2, v13;
	v2 =	vmov s29;
	v3 =	vbroadcast v3, $0xF  }
0x330: {  	vm15 =	veq.s32 v2, v13;
	v1 =	vsel vm0, v1, v40  }
0x331: {  	v1 =	vsel vm15, v3, v1  }
0x332: {  	v9 =	vmov v7;
	v36 =	vmov v63;
	[tilespmem:s28+$0xA9C0] =	vst v1  }
0x333: {  	v1 =	vld [tilespmem:$0x1FF60]  }
.Ltmp7:
0x334: {  	_ = 	snop;
	(pc) =	sbr.rel .LBB2_2-.Ltmp7, $4  }
0x335: {  	s0 =	sadd.s32 $0x60, s28  }
0x336: {  	[tilespmem:s19], [sflag:$0x2] =	stream.indirect.gather [hbm4b:s2+s16], $0x100, s0, s16, $0xb8;
	[tilespmem:$0xBD50] =	vst v63  }
0x337: {  	v30 =	vmovc v29;
	v3 =	vmov v20;
	s31 =	sadd.s32 $0x1420, s28;
	s26 =	sadd.s32 $0x1, s26;
	v17 =	vmov v18;
	v31 =	vmov v9  }
0x338: {  	v29 =	vmovc v12;
	v12 =	vmovc v33;
	v33 =	vmov v50;
	v20 =	vmov v36;
	[tilespmem:s21], [sflag:$0x2] =	stream.indirect.gather [hbm4b:s2+s16], $0x100, s31, s16, $0xb8;
	v18 =	vmov v1;
	[tilespmem:$0xBD50] =	vst v63  }
.LBB2_13:
0x339: {  	_ =	sfence.sel $0x180000  }
0x33a: {  	[bflag:$0x0] =	sbarrier.arrive $0xFFFF  }
0x33b: {  	_ =	strace $0x90000047  }
0x33c: {  	s0 =	stileid.u32;
	[bflag:$0x2] =	sbarrier.arrive $0xFFFF  }
0x33d: {  	p0 =	sne.s32 s0, $0x0;
	s0 =	rddreg [dreg:$0x2]  }
0x33e: {  	s0 =	sadd.s32 @!p0 $0x100000, s0  }
0x33f: {  	[sflag:s0] =	ssyncadd.tile.s32 @!p0 $0x1;
	_ =	shalt  }
.Lfunc_end2:
_tile_overlayer_lowered:
.L_overlay_start_2:
0x340: {  	(tag) =	ssettag $0x2  }
0x341: {  	s0 =	rddreg [dreg:$0x0];
	s2 =	stileid.u32  }
0x342: {  	s1 =	rddreg [dreg:$0x1];
	p0 =	sne.s32 s2, $0x0  }
0x343: {  	s3 =	rddreg [dreg:$0x2];
	[bflag:$0x3] =	sbarrier.arrive $0xFFFF;
	s2 =	simm.s32 @!p0 $0x1C03  }
0x344: {  	[timem:s3], [sflag:s2] =	dma.local @!p0 [hbm:s0], s1  }
0x345: {  	s0 =	simm.s32 @!p0 $0x3  }
0x346: {  	_ =	swait.ge @!p0 [sflag:s0], s1  }
0x347: {  	s1 =	ssub.s32 @!p0 $0x0, s1;
	[sflag:s0] =	ssyncset.done @!p0 $0x0  }
0x348: {  	[sflag:s0] =	ssyncadd.s32 @!p0 s1  }
0x349: {  	[bflag:$0x3] =	sbarrier.arrive $0xFFFF  }
0x34a: {  	_ =	shalt  }

</sc_bundles>
